<compile_context>
chip_gen: v7x
topology: tpu7x:2x2x1
jax: 0.10.2.dev20260603
libtpu: 0.0.44.dev20260713+nightly
codegen_flags: <defaults>
</compile_context>

<pallas_src>
import functools

import jax
import jax.numpy as jnp
from jax import lax
from jax.experimental import pallas as pl
from jax.experimental.pallas import tpu as pltpu
from jax.experimental.pallas import tpu_sc as plsc

N = 10000
E = 320000
D = 128

NC = 2
NS = 16
NW = NC * NS

CHUNK = 128
CPT = 80
EPW = CPT * CHUNK
EPAD = NW * EPW
TOT_CHUNKS = NW * CPT

NP = 10240
RPT = NP // NS
LANES = 16

_sc_mesh = plsc.VectorSubcoreMesh(core_axis_name="c", subcore_axis_name="s")


DW = 16


@functools.partial(
    pl.kernel,
    out_type=jax.ShapeDtypeStruct((NC * NP, DW), jnp.float32),
    mesh=_sc_mesh,
    scratch_types=[
        pltpu.VMEM((CPT, CHUNK), jnp.int32),
        pltpu.VMEM((CHUNK, DW), jnp.float32),
        pltpu.VMEM_SHARED((NP, DW), jnp.float32),
    ],
)
def _sc_deg(dst_hbm, z_hbm, out_hbm, idxb, onesb, sdeg):
    cid = lax.axis_index("c")
    sid = lax.axis_index("s")
    wid = cid * NS + sid
    rs = pl.ds(sid * RPT, RPT)
    ones16 = jnp.ones((LANES,), jnp.float32)

    pltpu.sync_copy(dst_hbm.at[pl.ds(wid * CPT, CPT)], idxb)

    def _fill(i, _):
        onesb[i, :] = ones16
        return 0
    lax.fori_loop(0, CHUNK, _fill, 0)

    pltpu.sync_copy(z_hbm, sdeg.at[rs])
    plsc.subcore_barrier()

    def _chunk(c, _):
        pltpu.sync_copy(onesb, sdeg.at[idxb.at[c]], add=True)
        return 0
    lax.fori_loop(0, CPT, _chunk, 0)

    plsc.subcore_barrier()
    pltpu.sync_copy(sdeg.at[rs], out_hbm.at[pl.ds(cid * NP + sid * RPT, RPT)])


@functools.partial(
    pl.kernel,
    out_type=(jax.ShapeDtypeStruct((NP, D), jnp.float32),
              jax.ShapeDtypeStruct((NP, D), jnp.float32)),
    mesh=_sc_mesh,
    scratch_types=[
        pltpu.VMEM((CPT, CHUNK), jnp.int32),
        pltpu.VMEM((CPT // 2, CHUNK), jnp.int32),
        pltpu.VMEM((CHUNK, D), jnp.float32),
        pltpu.VMEM((CHUNK, D), jnp.float32),
        pltpu.VMEM_SHARED((NP, D), jnp.float32),
        pltpu.SemaphoreType.DMA,
        pltpu.SemaphoreType.DMA,
        pltpu.SemaphoreType.DMA,
        pltpu.SemaphoreType.DMA,
    ],
)
def _sc_gs(hp_hbm, src_hbm, dst_hbm, z_hbm, out0_hbm, out1_hbm, srcb, dstb,
           rows0, rows1, acc, sem0, sem1, semi0, semi1):
    cid = lax.axis_index("c")
    sid = lax.axis_index("s")
    wid = cid * NS + sid
    rs = pl.ds(sid * RPT, RPT)
    half = CPT // 2

    pltpu.async_copy(src_hbm.at[pl.ds(wid * CPT, CPT)], srcb, semi0)
    pltpu.async_copy(dst_hbm.at[pl.ds(wid * CPT, half)], dstb, semi1)
    pltpu.sync_copy(z_hbm, acc.at[rs])
    pltpu.make_async_copy(src_hbm.at[pl.ds(wid * CPT, CPT)], srcb, semi0).wait()
    pltpu.make_async_copy(dst_hbm.at[pl.ds(wid * CPT, half)], dstb, semi1).wait()
    plsc.subcore_barrier()

    pltpu.async_copy(hp_hbm.at[srcb.at[0]], rows0, sem0)
    pltpu.async_copy(hp_hbm.at[srcb.at[1]], rows1, sem1)

    def _pair(dst_base):
        def body(i, _):
            c = 2 * i
            pltpu.make_async_copy(hp_hbm.at[srcb.at[c]], rows0, sem0).wait()
            pltpu.sync_copy(rows0, acc.at[dstb.at[c - dst_base]], add=True)
            pltpu.async_copy(hp_hbm.at[srcb.at[c + 2]], rows0, sem0)
            pltpu.make_async_copy(hp_hbm.at[srcb.at[c + 1]], rows1, sem1).wait()
            pltpu.sync_copy(rows1, acc.at[dstb.at[c + 1 - dst_base]], add=True)
            pltpu.async_copy(hp_hbm.at[srcb.at[c + 3]], rows1, sem1)
            return 0
        return body

    lax.fori_loop(0, half // 2, _pair(0), 0)
    pltpu.sync_copy(dst_hbm.at[pl.ds(wid * CPT + half, half)], dstb)
    lax.fori_loop(half // 2, CPT // 2 - 1, _pair(half), 0)

    pltpu.make_async_copy(hp_hbm.at[srcb.at[CPT - 2]], rows0, sem0).wait()
    pltpu.sync_copy(rows0, acc.at[dstb.at[half - 2]], add=True)
    pltpu.make_async_copy(hp_hbm.at[srcb.at[CPT - 1]], rows1, sem1).wait()
    pltpu.sync_copy(rows1, acc.at[dstb.at[half - 1]], add=True)

    plsc.subcore_barrier()

    @pl.when(cid == 0)
    def _():
        pltpu.sync_copy(acc.at[rs], out0_hbm.at[rs])

    @pl.when(cid == 1)
    def _():
        pltpu.sync_copy(acc.at[rs], out1_hbm.at[rs])


BLK = NP // 16
_GRID = 16

_row_spec = pl.BlockSpec((BLK, D), lambda i: (i, 0))
_deg_spec = pl.BlockSpec((BLK, 2), lambda i: (i, 0))
_b_spec = pl.BlockSpec((1, D), lambda i: (0, 0))
_w_spec = pl.BlockSpec((D, D), lambda i: (0, 0))


def _dis(degT_ref):
    return lax.rsqrt(degT_ref[:, 0:1] + degT_ref[:, 1:2] + 1.0)


def _rowmask(x):
    row0 = pl.program_id(0) * BLK
    rows = row0 + lax.broadcasted_iota(jnp.int32, (BLK, 1), 0)
    return jnp.where(rows < N, x, 0.0)


def _tc_first_body(x_ref, w_ref, degT_ref, out_ref):
    dis = _dis(degT_ref)
    t = jnp.dot(x_ref[...], w_ref[...], preferred_element_type=jnp.float32)
    out_ref[...] = _rowmask(t * dis)


_tc_first = pl.pallas_call(
    _tc_first_body,
    grid=(_GRID,),
    in_specs=[_row_spec, _w_spec, _deg_spec],
    out_specs=_row_spec,
    out_shape=jax.ShapeDtypeStruct((NP, D), jnp.float32))


def _tc_mid_body(hp_ref, p0_ref, p1_ref, degT_ref, b_ref, w_ref, out_ref):
    dis = _dis(degT_ref)
    s = p0_ref[...] + p1_ref[...] + hp_ref[...]
    z = jnp.maximum(s * dis + b_ref[...], 0.0)
    t = jnp.dot(z, w_ref[...], preferred_element_type=jnp.float32)
    out_ref[...] = _rowmask(t * dis)


_tc_mid = pl.pallas_call(
    _tc_mid_body,
    grid=(_GRID,),
    in_specs=[_row_spec, _row_spec, _row_spec, _deg_spec, _b_spec, _w_spec],
    out_specs=_row_spec,
    out_shape=jax.ShapeDtypeStruct((NP, D), jnp.float32))


def _tc_last_body(hp_ref, p0_ref, p1_ref, degT_ref, b_ref, out_ref):
    dis = _dis(degT_ref)
    s = p0_ref[...] + p1_ref[...] + hp_ref[...]
    out_ref[...] = s * dis + b_ref[...]


_tc_last = pl.pallas_call(
    _tc_last_body,
    grid=(_GRID,),
    in_specs=[_row_spec, _row_spec, _row_spec, _deg_spec, _b_spec],
    out_specs=_row_spec,
    out_shape=jax.ShapeDtypeStruct((N, D), jnp.float32))


def kernel(x, edge_index, W1, b1, W2, b2, W3, b3):
    src = edge_index[0].astype(jnp.int32)
    dst = edge_index[1].astype(jnp.int32)
    pad = N + jnp.arange(EPAD - E, dtype=jnp.int32) % (NP - N)
    src2 = jnp.concatenate([src, pad]).reshape(TOT_CHUNKS, CHUNK)
    dst2 = jnp.concatenate([dst, pad]).reshape(TOT_CHUNKS, CHUNK)
    zrows = jnp.zeros((RPT, D), jnp.float32)
    zdeg = jnp.zeros((RPT, DW), jnp.float32)

    degp = _sc_deg(dst2, zdeg)[:, 0]
    degT = jnp.stack([degp[:NP], degp[NP:]], axis=1)
    b1r = b1.reshape(1, D)
    b2r = b2.reshape(1, D)
    b3r = b3.reshape(1, D)

    hp1 = _tc_first(x, W1, degT)
    p1a, p1b = _sc_gs(hp1, src2, dst2, zrows)
    hp2 = _tc_mid(hp1, p1a, p1b, degT, b1r, W2)
    p2a, p2b = _sc_gs(hp2, src2, dst2, zrows)
    hp3 = _tc_mid(hp2, p2a, p2b, degT, b2r, W3)
    p3a, p3b = _sc_gs(hp3, src2, dst2, zrows)
    return _tc_last(hp3, p3a, p3b, degT, b3r)

# --- scband reference (transcript-rebuilt; emitter-appended) ---
"""Pipeline reference for scband-gcn-1262720385649 (READ-ONLY COPY).

The authoritative reference and input builder live on the scoring server;
editing this copy changes nothing except your own understanding.
"""

import jax, jax.numpy as jnp
import numpy as np

N_NODES = 10000
N_EDGES = 320000
D_IN = 128
D_HID = 128
D_OUT = 128


def setup_inputs(seed: int = 0) -> dict:
    key = jax.random.key(seed)
    k = jax.random.split(key, 9)
    x = jax.random.normal(k[0], (N_NODES, D_IN), dtype=jnp.float32)
    edge_index = jax.random.randint(k[1], (2, N_EDGES), 0, N_NODES, dtype=jnp.int64 if jax.config.jax_enable_x64 else jnp.int32)
    # Glorot-style init for GCNConv weights, zeros for biases (as in PyG defaults)
    def glorot(kk, fan_in, fan_out):
        lim = (6.0 / (fan_in + fan_out)) ** 0.5
        return jax.random.uniform(kk, (fan_in, fan_out), minval=-lim, maxval=lim, dtype=jnp.float32)
    W1 = glorot(k[2], D_IN, D_HID)
    b1 = jnp.zeros((D_HID,), dtype=jnp.float32)
    W2 = glorot(k[3], D_HID, D_HID)
    b2 = jnp.zeros((D_HID,), dtype=jnp.float32)
    W3 = glorot(k[4], D_HID, D_OUT)
    b3 = jnp.zeros((D_OUT,), dtype=jnp.float32)
    return {"x": x, "edge_index": edge_index, "W1": W1, "b1": b1, "W2": W2, "b2": b2, "W3": W3, "b3": b3}


def _gcn_conv(x, src, dst, W, b, num_nodes):
    # PyG GCNConv: add self-loops, symmetric normalization D^-1/2 (A+I) D^-1/2 X W + b
    self_loops = jnp.arange(num_nodes, dtype=src.dtype)
    s = jnp.concatenate([src, self_loops])
    d = jnp.concatenate([dst, self_loops])
    deg = jnp.zeros((num_nodes,), dtype=x.dtype).at[d].add(1.0)
    deg_inv_sqrt = jnp.where(deg > 0, deg ** -0.5, 0.0)
    norm = deg_inv_sqrt[s] * deg_inv_sqrt[d]
    h = x @ W
    msg = jnp.take(h, s, axis=0) * norm[:, None]
    out = jnp.zeros((num_nodes, W.shape[1]), dtype=x.dtype).at[d].add(msg)
    return out + b


def reference(x, edge_index, W1, b1, W2, b2, W3, b3):
    num_nodes = x.shape[0]
    src = edge_index[0]
    dst = edge_index[1]
    # eval mode: dropout(p=0.5, training=False) is identity
    h = jax.nn.relu(_gcn_conv(x, src, dst, W1, b1, num_nodes))
    h = jax.nn.relu(_gcn_conv(h, src, dst, W2, b2, num_nodes))
    out = _gcn_conv(h, src, dst, W3, b3, num_nodes)
    return out

if __name__ == "__main__":
    import jax
    _d = setup_inputs()
    print(jax.jit(kernel)(*tuple(_d.values())))

</pallas_src>

<mosaic_0001>
#map = affine_map<(d0, d1) -> (0, 0)>
module attributes {stable_mosaic.version = 14 : i64} {
  func.func @_sc_gs(%arg0: i32, %arg1: i32, %arg2: memref<10240x128xf32, #tpu.memory_space<hbm>>, %arg3: memref<2560x128xi32, #tpu.memory_space<hbm>>, %arg4: memref<2560x128xi32, #tpu.memory_space<hbm>>, %arg5: memref<640x128xf32, #tpu.memory_space<hbm>>, %arg6: memref<10240x128xf32, #tpu.memory_space<hbm>>, %arg7: memref<10240x128xf32, #tpu.memory_space<hbm>>, %arg8: memref<80x128xi32, #tpu.memory_space<vmem>>, %arg9: memref<40x128xi32, #tpu.memory_space<vmem>>, %arg10: memref<128x128xf32, #tpu.memory_space<vmem>>, %arg11: memref<128x128xf32, #tpu.memory_space<vmem>>, %arg12: memref<10240x128xf32, #tpu.memory_space<vmem_shared>>, %arg13: memref<!tpu.dma_semaphore, #tpu.memory_space<semaphore_mem>>, %arg14: memref<!tpu.dma_semaphore, #tpu.memory_space<semaphore_mem>>, %arg15: memref<!tpu.dma_semaphore, #tpu.memory_space<semaphore_mem>>, %arg16: memref<!tpu.dma_semaphore, #tpu.memory_space<semaphore_mem>>) attributes {dimension_semantics = [#tpu.dimension_semantics<core_parallel>, #tpu.dimension_semantics<subcore_parallel>], iteration_bounds = array<i64: 2, 16>, scalar_prefetch = 0 : i64, scratch_operands = 9 : i64, tpu.core_type = #tpu.core_type<sc_vector_subcore>, window_params = [{transform_indices = #map}, {transform_indices = #map}, {transform_indices = #map}, {transform_indices = #map}, {transform_indices = #map}, {transform_indices = #map}]} {
    %mul3A = arith.constant 16 : i32
    %mul3A_0 = arith.muli %arg0, %mul3A : i32
    %add3A = arith.addi %mul3A_0, %arg1 : i32
    %mul3A_1 = arith.constant 640 : i32
    %mul3A_2 = arith.muli %arg1, %mul3A_1 : i32
    %mul3A_3 = arith.constant 80 : i32
    %mul3A_4 = arith.muli %add3A, %mul3A_3 : i32
    %dma_start3A = arith.constant 0 : i32
    %dma_start3A_5 = tpu.memref_slice %arg3[%mul3A_4, %dma_start3A] : memref<2560x128xi32, #tpu.memory_space<hbm>> -> memref<80x128xi32, #tpu.memory_space<hbm>>
    %dma_start3A_6 = arith.constant 0 : i32
    %dma_start3A_7 = tpu.memref_slice %arg3[%mul3A_4, %dma_start3A_6] : memref<2560x128xi32, #tpu.memory_space<hbm>> -> memref<80x128xi32, #tpu.memory_space<hbm>>
    tpu.enqueue_dma source(%dma_start3A_7 : memref<80x128xi32, #tpu.memory_space<hbm>>) target(%arg8 : memref<80x128xi32, #tpu.memory_space<vmem>>) target_semaphore(%arg15 : memref<!tpu.dma_semaphore, #tpu.memory_space<semaphore_mem>>)
    %mul3A_8 = arith.constant 80 : i32
    %mul3A_9 = arith.muli %add3A, %mul3A_8 : i32
    %dma_start3A_10 = arith.constant 0 : i32
    %dma_start3A_11 = tpu.memref_slice %arg4[%mul3A_9, %dma_start3A_10] : memref<2560x128xi32, #tpu.memory_space<hbm>> -> memref<40x128xi32, #tpu.memory_space<hbm>>
    %dma_start3A_12 = arith.constant 0 : i32
    %dma_start3A_13 = tpu.memref_slice %arg4[%mul3A_9, %dma_start3A_12] : memref<2560x128xi32, #tpu.memory_space<hbm>> -> memref<40x128xi32, #tpu.memory_space<hbm>>
    tpu.enqueue_dma source(%dma_start3A_13 : memref<40x128xi32, #tpu.memory_space<hbm>>) target(%arg9 : memref<40x128xi32, #tpu.memory_space<vmem>>) target_semaphore(%arg16 : memref<!tpu.dma_semaphore, #tpu.memory_space<semaphore_mem>>)
    "tpu.region"() ({
      %run_scoped3A_79 = tpu.sem_alloc : memref<!tpu.dma_semaphore, #tpu.memory_space<semaphore_mem>>
      %dma_start3A_80 = arith.constant 0 : i32
      %dma_start3A_81 = tpu.memref_slice %arg12[%mul3A_2, %dma_start3A_80] : memref<10240x128xf32, #tpu.memory_space<vmem_shared>> -> memref<640x128xf32, #tpu.memory_space<vmem_shared>>
      tpu.enqueue_dma source(%arg5 : memref<640x128xf32, #tpu.memory_space<hbm>>) target(%dma_start3A_81 : memref<640x128xf32, #tpu.memory_space<vmem_shared>>) target_semaphore(%run_scoped3A_79 : memref<!tpu.dma_semaphore, #tpu.memory_space<semaphore_mem>>)
      %dma_wait3A_82 = arith.constant 0 : i32
      %dma_wait3A_83 = tpu.memref_slice %arg12[%mul3A_2, %dma_wait3A_82] : memref<10240x128xf32, #tpu.memory_space<vmem_shared>> -> memref<640x128xf32, #tpu.memory_space<vmem_shared>>
      tpu.wait_dma2 semaphore(%run_scoped3A_79 : memref<!tpu.dma_semaphore, #tpu.memory_space<semaphore_mem>>) src(%arg5 : memref<640x128xf32, #tpu.memory_space<hbm>>) dst(%dma_wait3A_83 : memref<640x128xf32, #tpu.memory_space<vmem_shared>>)
      tpu.yield
    }) : () -> ()
    %mul3A_14 = arith.constant 80 : i32
    %mul3A_15 = arith.muli %add3A, %mul3A_14 : i32
    %dma_wait3A = arith.constant 0 : i32
    %dma_wait3A_16 = tpu.memref_slice %arg3[%mul3A_15, %dma_wait3A] : memref<2560x128xi32, #tpu.memory_space<hbm>> -> memref<80x128xi32, #tpu.memory_space<hbm>>
    %dma_wait3A_17 = arith.constant 0 : i32
    %dma_wait3A_18 = tpu.memref_slice %arg3[%mul3A_15, %dma_wait3A_17] : memref<2560x128xi32, #tpu.memory_space<hbm>> -> memref<80x128xi32, #tpu.memory_space<hbm>>
    tpu.wait_dma2 semaphore(%arg15 : memref<!tpu.dma_semaphore, #tpu.memory_space<semaphore_mem>>) src(%dma_wait3A_18 : memref<80x128xi32, #tpu.memory_space<hbm>>) dst(%arg8 : memref<80x128xi32, #tpu.memory_space<vmem>>)
    %mul3A_19 = arith.constant 80 : i32
    %mul3A_20 = arith.muli %add3A, %mul3A_19 : i32
    %dma_wait3A_21 = arith.constant 0 : i32
    %dma_wait3A_22 = tpu.memref_slice %arg4[%mul3A_20, %dma_wait3A_21] : memref<2560x128xi32, #tpu.memory_space<hbm>> -> memref<40x128xi32, #tpu.memory_space<hbm>>
    %dma_wait3A_23 = arith.constant 0 : i32
    %dma_wait3A_24 = tpu.memref_slice %arg4[%mul3A_20, %dma_wait3A_23] : memref<2560x128xi32, #tpu.memory_space<hbm>> -> memref<40x128xi32, #tpu.memory_space<hbm>>
    tpu.wait_dma2 semaphore(%arg16 : memref<!tpu.dma_semaphore, #tpu.memory_space<semaphore_mem>>) src(%dma_wait3A_24 : memref<40x128xi32, #tpu.memory_space<hbm>>) dst(%arg9 : memref<40x128xi32, #tpu.memory_space<vmem>>)
    %barrier3A = arith.constant 0 : index
    tpu.barrier barrier_id(%barrier3A)
    %dma_start3A_25 = arith.constant 0 : i32
    %dma_start3A_26 = arith.constant 0 : i32
    %dma_start3A_27 = tpu.memref_slice %arg8[%dma_start3A_25, %dma_start3A_26] : memref<80x128xi32, #tpu.memory_space<vmem>> -> memref<1x128xi32, #tpu.memory_space<vmem>>
    %dma_start3A_28 = tpu.memref_squeeze %dma_start3A_27 : memref<1x128xi32, #tpu.memory_space<vmem>> -> memref<128xi32, #tpu.memory_space<vmem>>
    %dma_start3A_29 = arith.constant 0 : i32
    %dma_start3A_30 = arith.constant 0 : i32
    %dma_start3A_31 = tpu.memref_slice %arg2[%dma_start3A_29, %dma_start3A_30] : memref<10240x128xf32, #tpu.memory_space<hbm>> -> memref<10240x128xf32, #tpu.memory_space<hbm>>
    tpu.enqueue_indirect_dma source(%dma_start3A_31 : memref<10240x128xf32, #tpu.memory_space<hbm>>) target(%arg10 : memref<128x128xf32, #tpu.memory_space<vmem>>) offsets(%dma_start3A_28 : memref<128xi32, #tpu.memory_space<vmem>>) semaphore(%arg13 : memref<!tpu.dma_semaphore, #tpu.memory_space<semaphore_mem>>)
    %dma_start3A_32 = arith.constant 1 : i32
    %dma_start3A_33 = arith.constant 0 : i32
    %dma_start3A_34 = tpu.memref_slice %arg8[%dma_start3A_32, %dma_start3A_33] : memref<80x128xi32, #tpu.memory_space<vmem>> -> memref<1x128xi32, #tpu.memory_space<vmem>>
    %dma_start3A_35 = tpu.memref_squeeze %dma_start3A_34 : memref<1x128xi32, #tpu.memory_space<vmem>> -> memref<128xi32, #tpu.memory_space<vmem>>
    %dma_start3A_36 = arith.constant 0 : i32
    %dma_start3A_37 = arith.constant 0 : i32
    %dma_start3A_38 = tpu.memref_slice %arg2[%dma_start3A_36, %dma_start3A_37] : memref<10240x128xf32, #tpu.memory_space<hbm>> -> memref<10240x128xf32, #tpu.memory_space<hbm>>
    tpu.enqueue_indirect_dma source(%dma_start3A_38 : memref<10240x128xf32, #tpu.memory_space<hbm>>) target(%arg11 : memref<128x128xf32, #tpu.memory_space<vmem>>) offsets(%dma_start3A_35 : memref<128xi32, #tpu.memory_space<vmem>>) semaphore(%arg14 : memref<!tpu.dma_semaphore, #tpu.memory_space<semaphore_mem>>)
    %scan3A = arith.constant 0 : i32
    %scan3A_39 = arith.constant 0 : i32
    %scan3A_40 = arith.constant 20 : i32
    %scan3A_41 = arith.addi %scan3A_39, %scan3A_40 : i32
    %scan3A_42 = arith.constant 1 : i32
    %scan3A_43 = scf.for %scan3A_79 = %scan3A_39 to %scan3A_41 step %scan3A_42 iter_args(%scan3A_80 = %scan3A) -> (i32)  : i32 {
      %mul3A_81 = arith.constant 2 : i32
      %mul3A_82 = arith.muli %mul3A_81, %scan3A_79 : i32
      %dma_wait3A_83 = arith.constant 0 : i32
      %dma_wait3A_84 = tpu.memref_slice %arg8[%mul3A_82, %dma_wait3A_83] : memref<80x128xi32, #tpu.memory_space<vmem>> -> memref<1x128xi32, #tpu.memory_space<vmem>>
      %dma_wait3A_85 = tpu.memref_squeeze %dma_wait3A_84 : memref<1x128xi32, #tpu.memory_space<vmem>> -> memref<128xi32, #tpu.memory_space<vmem>>
      %dma_wait3A_86 = arith.constant 0 : i32
      %dma_wait3A_87 = arith.constant 0 : i32
      %dma_wait3A_88 = tpu.memref_slice %arg2[%dma_wait3A_86, %dma_wait3A_87] : memref<10240x128xf32, #tpu.memory_space<hbm>> -> memref<10240x128xf32, #tpu.memory_space<hbm>>
      tpu.wait_indirect_dma semaphore(%arg13 : memref<!tpu.dma_semaphore, #tpu.memory_space<semaphore_mem>>) src(%dma_wait3A_88 : memref<10240x128xf32, #tpu.memory_space<hbm>>) dst(%arg10 : memref<128x128xf32, #tpu.memory_space<vmem>>)
      %sub3A = arith.constant 0 : i32
      %sub3A_89 = arith.subi %mul3A_82, %sub3A : i32
      "tpu.region"() ({
        %run_scoped3A_119 = tpu.sem_alloc : memref<!tpu.dma_semaphore, #tpu.memory_space<semaphore_mem>>
        %dma_start3A_120 = arith.constant 0 : i32
        %dma_start3A_121 = tpu.memref_slice %arg9[%sub3A_89, %dma_start3A_120] : memref<40x128xi32, #tpu.memory_space<vmem>> -> memref<1x128xi32, #tpu.memory_space<vmem>>
        %dma_start3A_122 = tpu.memref_squeeze %dma_start3A_121 : memref<1x128xi32, #tpu.memory_space<vmem>> -> memref<128xi32, #tpu.memory_space<vmem>>
        %dma_start3A_123 = arith.constant 0 : i32
        %dma_start3A_124 = arith.constant 0 : i32
        %dma_start3A_125 = tpu.memref_slice %arg12[%dma_start3A_123, %dma_start3A_124] : memref<10240x128xf32, #tpu.memory_space<vmem_shared>> -> memref<10240x128xf32, #tpu.memory_space<vmem_shared>>
        tpu.enqueue_indirect_dma source(%arg10 : memref<128x128xf32, #tpu.memory_space<vmem>>) target(%dma_start3A_125 : memref<10240x128xf32, #tpu.memory_space<vmem_shared>>) offsets(%dma_start3A_122 : memref<128xi32, #tpu.memory_space<vmem>>) semaphore(%run_scoped3A_119 : memref<!tpu.dma_semaphore, #tpu.memory_space<semaphore_mem>>) {add = true}
        %dma_wait3A_126 = arith.constant 0 : i32
        %dma_wait3A_127 = tpu.memref_slice %arg9[%sub3A_89, %dma_wait3A_126] : memref<40x128xi32, #tpu.memory_space<vmem>> -> memref<1x128xi32, #tpu.memory_space<vmem>>
        %dma_wait3A_128 = tpu.memref_squeeze %dma_wait3A_127 : memref<1x128xi32, #tpu.memory_space<vmem>> -> memref<128xi32, #tpu.memory_space<vmem>>
        %dma_wait3A_129 = arith.constant 0 : i32
        %dma_wait3A_130 = arith.constant 0 : i32
        %dma_wait3A_131 = tpu.memref_slice %arg12[%dma_wait3A_129, %dma_wait3A_130] : memref<10240x128xf32, #tpu.memory_space<vmem_shared>> -> memref<10240x128xf32, #tpu.memory_space<vmem_shared>>
        tpu.wait_indirect_dma semaphore(%run_scoped3A_119 : memref<!tpu.dma_semaphore, #tpu.memory_space<semaphore_mem>>) src(%arg10 : memref<128x128xf32, #tpu.memory_space<vmem>>) dst(%dma_wait3A_131 : memref<10240x128xf32, #tpu.memory_space<vmem_shared>>)
        tpu.yield
      }) : () -> ()
      %add3A_90 = arith.constant 2 : i32
      %add3A_91 = arith.addi %mul3A_82, %add3A_90 : i32
      %dma_start3A_92 = arith.constant 0 : i32
      %dma_start3A_93 = tpu.memref_slice %arg8[%add3A_91, %dma_start3A_92] : memref<80x128xi32, #tpu.memory_space<vmem>> -> memref<1x128xi32, #tpu.memory_space<vmem>>
      %dma_start3A_94 = tpu.memref_squeeze %dma_start3A_93 : memref<1x128xi32, #tpu.memory_space<vmem>> -> memref<128xi32, #tpu.memory_space<vmem>>
      %dma_start3A_95 = arith.constant 0 : i32
      %dma_start3A_96 = arith.constant 0 : i32
      %dma_start3A_97 = tpu.memref_slice %arg2[%dma_start3A_95, %dma_start3A_96] : memref<10240x128xf32, #tpu.memory_space<hbm>> -> memref<10240x128xf32, #tpu.memory_space<hbm>>
      tpu.enqueue_indirect_dma source(%dma_start3A_97 : memref<10240x128xf32, #tpu.memory_space<hbm>>) target(%arg10 : memref<128x128xf32, #tpu.memory_space<vmem>>) offsets(%dma_start3A_94 : memref<128xi32, #tpu.memory_space<vmem>>) semaphore(%arg13 : memref<!tpu.dma_semaphore, #tpu.memory_space<semaphore_mem>>)
      %add3A_98 = arith.constant 1 : i32
      %add3A_99 = arith.addi %mul3A_82, %add3A_98 : i32
      %dma_wait3A_100 = arith.constant 0 : i32
      %dma_wait3A_101 = tpu.memref_slice %arg8[%add3A_99, %dma_wait3A_100] : memref<80x128xi32, #tpu.memory_space<vmem>> -> memref<1x128xi32, #tpu.memory_space<vmem>>
      %dma_wait3A_102 = tpu.memref_squeeze %dma_wait3A_101 : memref<1x128xi32, #tpu.memory_space<vmem>> -> memref<128xi32, #tpu.memory_space<vmem>>
      %dma_wait3A_103 = arith.constant 0 : i32
      %dma_wait3A_104 = arith.constant 0 : i32
      %dma_wait3A_105 = tpu.memref_slice %arg2[%dma_wait3A_103, %dma_wait3A_104] : memref<10240x128xf32, #tpu.memory_space<hbm>> -> memref<10240x128xf32, #tpu.memory_space<hbm>>
      tpu.wait_indirect_dma semaphore(%arg14 : memref<!tpu.dma_semaphore, #tpu.memory_space<semaphore_mem>>) src(%dma_wait3A_105 : memref<10240x128xf32, #tpu.memory_space<hbm>>) dst(%arg11 : memref<128x128xf32, #tpu.memory_space<vmem>>)
      %add3A_106 = arith.constant 1 : i32
      %add3A_107 = arith.addi %mul3A_82, %add3A_106 : i32
      %sub3A_108 = arith.constant 0 : i32
      %sub3A_109 = arith.subi %add3A_107, %sub3A_108 : i32
      "tpu.region"() ({
        %run_scoped3A_119 = tpu.sem_alloc : memref<!tpu.dma_semaphore, #tpu.memory_space<semaphore_mem>>
        %dma_start3A_120 = arith.constant 0 : i32
        %dma_start3A_121 = tpu.memref_slice %arg9[%sub3A_109, %dma_start3A_120] : memref<40x128xi32, #tpu.memory_space<vmem>> -> memref<1x128xi32, #tpu.memory_space<vmem>>
        %dma_start3A_122 = tpu.memref_squeeze %dma_start3A_121 : memref<1x128xi32, #tpu.memory_space<vmem>> -> memref<128xi32, #tpu.memory_space<vmem>>
        %dma_start3A_123 = arith.constant 0 : i32
        %dma_start3A_124 = arith.constant 0 : i32
        %dma_start3A_125 = tpu.memref_slice %arg12[%dma_start3A_123, %dma_start3A_124] : memref<10240x128xf32, #tpu.memory_space<vmem_shared>> -> memref<10240x128xf32, #tpu.memory_space<vmem_shared>>
        tpu.enqueue_indirect_dma source(%arg11 : memref<128x128xf32, #tpu.memory_space<vmem>>) target(%dma_start3A_125 : memref<10240x128xf32, #tpu.memory_space<vmem_shared>>) offsets(%dma_start3A_122 : memref<128xi32, #tpu.memory_space<vmem>>) semaphore(%run_scoped3A_119 : memref<!tpu.dma_semaphore, #tpu.memory_space<semaphore_mem>>) {add = true}
        %dma_wait3A_126 = arith.constant 0 : i32
        %dma_wait3A_127 = tpu.memref_slice %arg9[%sub3A_109, %dma_wait3A_126] : memref<40x128xi32, #tpu.memory_space<vmem>> -> memref<1x128xi32, #tpu.memory_space<vmem>>
        %dma_wait3A_128 = tpu.memref_squeeze %dma_wait3A_127 : memref<1x128xi32, #tpu.memory_space<vmem>> -> memref<128xi32, #tpu.memory_space<vmem>>
        %dma_wait3A_129 = arith.constant 0 : i32
        %dma_wait3A_130 = arith.constant 0 : i32
        %dma_wait3A_131 = tpu.memref_slice %arg12[%dma_wait3A_129, %dma_wait3A_130] : memref<10240x128xf32, #tpu.memory_space<vmem_shared>> -> memref<10240x128xf32, #tpu.memory_space<vmem_shared>>
        tpu.wait_indirect_dma semaphore(%run_scoped3A_119 : memref<!tpu.dma_semaphore, #tpu.memory_space<semaphore_mem>>) src(%arg11 : memref<128x128xf32, #tpu.memory_space<vmem>>) dst(%dma_wait3A_131 : memref<10240x128xf32, #tpu.memory_space<vmem_shared>>)
        tpu.yield
      }) : () -> ()
      %add3A_110 = arith.constant 3 : i32
      %add3A_111 = arith.addi %mul3A_82, %add3A_110 : i32
      %dma_start3A_112 = arith.constant 0 : i32
      %dma_start3A_113 = tpu.memref_slice %arg8[%add3A_111, %dma_start3A_112] : memref<80x128xi32, #tpu.memory_space<vmem>> -> memref<1x128xi32, #tpu.memory_space<vmem>>
      %dma_start3A_114 = tpu.memref_squeeze %dma_start3A_113 : memref<1x128xi32, #tpu.memory_space<vmem>> -> memref<128xi32, #tpu.memory_space<vmem>>
      %dma_start3A_115 = arith.constant 0 : i32
      %dma_start3A_116 = arith.constant 0 : i32
      %dma_start3A_117 = tpu.memref_slice %arg2[%dma_start3A_115, %dma_start3A_116] : memref<10240x128xf32, #tpu.memory_space<hbm>> -> memref<10240x128xf32, #tpu.memory_space<hbm>>
      tpu.enqueue_indirect_dma source(%dma_start3A_117 : memref<10240x128xf32, #tpu.memory_space<hbm>>) target(%arg11 : memref<128x128xf32, #tpu.memory_space<vmem>>) offsets(%dma_start3A_114 : memref<128xi32, #tpu.memory_space<vmem>>) semaphore(%arg14 : memref<!tpu.dma_semaphore, #tpu.memory_space<semaphore_mem>>)
      %scan3A_118 = arith.constant 0 : i32
      scf.yield %scan3A_118 : i32
    }
    %scan3A_44 = arith.constant 20 : i32
    %mul3A_45 = arith.constant 80 : i32
    %mul3A_46 = arith.muli %add3A, %mul3A_45 : i32
    %add3A_47 = arith.constant 40 : i32
    %add3A_48 = arith.addi %mul3A_46, %add3A_47 : i32
    "tpu.region"() ({
      %run_scoped3A_79 = tpu.sem_alloc : memref<!tpu.dma_semaphore, #tpu.memory_space<semaphore_mem>>
      %dma_start3A_80 = arith.constant 0 : i32
      %dma_start3A_81 = tpu.memref_slice %arg4[%add3A_48, %dma_start3A_80] : memref<2560x128xi32, #tpu.memory_space<hbm>> -> memref<40x128xi32, #tpu.memory_space<hbm>>
      %dma_start3A_82 = arith.constant 0 : i32
      %dma_start3A_83 = tpu.memref_slice %arg4[%add3A_48, %dma_start3A_82] : memref<2560x128xi32, #tpu.memory_space<hbm>> -> memref<40x128xi32, #tpu.memory_space<hbm>>
      tpu.enqueue_dma source(%dma_start3A_83 : memref<40x128xi32, #tpu.memory_space<hbm>>) target(%arg9 : memref<40x128xi32, #tpu.memory_space<vmem>>) target_semaphore(%run_scoped3A_79 : memref<!tpu.dma_semaphore, #tpu.memory_space<semaphore_mem>>)
      %dma_wait3A_84 = arith.constant 0 : i32
      %dma_wait3A_85 = tpu.memref_slice %arg4[%add3A_48, %dma_wait3A_84] : memref<2560x128xi32, #tpu.memory_space<hbm>> -> memref<40x128xi32, #tpu.memory_space<hbm>>
      %dma_wait3A_86 = arith.constant 0 : i32
      %dma_wait3A_87 = tpu.memref_slice %arg4[%add3A_48, %dma_wait3A_86] : memref<2560x128xi32, #tpu.memory_space<hbm>> -> memref<40x128xi32, #tpu.memory_space<hbm>>
      tpu.wait_dma2 semaphore(%run_scoped3A_79 : memref<!tpu.dma_semaphore, #tpu.memory_space<semaphore_mem>>) src(%dma_wait3A_87 : memref<40x128xi32, #tpu.memory_space<hbm>>) dst(%arg9 : memref<40x128xi32, #tpu.memory_space<vmem>>)
      tpu.yield
    }) : () -> ()
    %scan3A_49 = arith.constant 0 : i32
    %scan3A_50 = arith.constant 20 : i32
    %scan3A_51 = arith.constant 19 : i32
    %scan3A_52 = arith.addi %scan3A_50, %scan3A_51 : i32
    %scan3A_53 = arith.constant 1 : i32
    %scan3A_54 = scf.for %scan3A_79 = %scan3A_50 to %scan3A_52 step %scan3A_53 iter_args(%scan3A_80 = %scan3A_49) -> (i32)  : i32 {
      %mul3A_81 = arith.constant 2 : i32
      %mul3A_82 = arith.muli %mul3A_81, %scan3A_79 : i32
      %dma_wait3A_83 = arith.constant 0 : i32
      %dma_wait3A_84 = tpu.memref_slice %arg8[%mul3A_82, %dma_wait3A_83] : memref<80x128xi32, #tpu.memory_space<vmem>> -> memref<1x128xi32, #tpu.memory_space<vmem>>
      %dma_wait3A_85 = tpu.memref_squeeze %dma_wait3A_84 : memref<1x128xi32, #tpu.memory_space<vmem>> -> memref<128xi32, #tpu.memory_space<vmem>>
      %dma_wait3A_86 = arith.constant 0 : i32
      %dma_wait3A_87 = arith.constant 0 : i32
      %dma_wait3A_88 = tpu.memref_slice %arg2[%dma_wait3A_86, %dma_wait3A_87] : memref<10240x128xf32, #tpu.memory_space<hbm>> -> memref<10240x128xf32, #tpu.memory_space<hbm>>
      tpu.wait_indirect_dma semaphore(%arg13 : memref<!tpu.dma_semaphore, #tpu.memory_space<semaphore_mem>>) src(%dma_wait3A_88 : memref<10240x128xf32, #tpu.memory_space<hbm>>) dst(%arg10 : memref<128x128xf32, #tpu.memory_space<vmem>>)
      %sub3A = arith.constant 40 : i32
      %sub3A_89 = arith.subi %mul3A_82, %sub3A : i32
      "tpu.region"() ({
        %run_scoped3A_119 = tpu.sem_alloc : memref<!tpu.dma_semaphore, #tpu.memory_space<semaphore_mem>>
        %dma_start3A_120 = arith.constant 0 : i32
        %dma_start3A_121 = tpu.memref_slice %arg9[%sub3A_89, %dma_start3A_120] : memref<40x128xi32, #tpu.memory_space<vmem>> -> memref<1x128xi32, #tpu.memory_space<vmem>>
        %dma_start3A_122 = tpu.memref_squeeze %dma_start3A_121 : memref<1x128xi32, #tpu.memory_space<vmem>> -> memref<128xi32, #tpu.memory_space<vmem>>
        %dma_start3A_123 = arith.constant 0 : i32
        %dma_start3A_124 = arith.constant 0 : i32
        %dma_start3A_125 = tpu.memref_slice %arg12[%dma_start3A_123, %dma_start3A_124] : memref<10240x128xf32, #tpu.memory_space<vmem_shared>> -> memref<10240x128xf32, #tpu.memory_space<vmem_shared>>
        tpu.enqueue_indirect_dma source(%arg10 : memref<128x128xf32, #tpu.memory_space<vmem>>) target(%dma_start3A_125 : memref<10240x128xf32, #tpu.memory_space<vmem_shared>>) offsets(%dma_start3A_122 : memref<128xi32, #tpu.memory_space<vmem>>) semaphore(%run_scoped3A_119 : memref<!tpu.dma_semaphore, #tpu.memory_space<semaphore_mem>>) {add = true}
        %dma_wait3A_126 = arith.constant 0 : i32
        %dma_wait3A_127 = tpu.memref_slice %arg9[%sub3A_89, %dma_wait3A_126] : memref<40x128xi32, #tpu.memory_space<vmem>> -> memref<1x128xi32, #tpu.memory_space<vmem>>
        %dma_wait3A_128 = tpu.memref_squeeze %dma_wait3A_127 : memref<1x128xi32, #tpu.memory_space<vmem>> -> memref<128xi32, #tpu.memory_space<vmem>>
        %dma_wait3A_129 = arith.constant 0 : i32
        %dma_wait3A_130 = arith.constant 0 : i32
        %dma_wait3A_131 = tpu.memref_slice %arg12[%dma_wait3A_129, %dma_wait3A_130] : memref<10240x128xf32, #tpu.memory_space<vmem_shared>> -> memref<10240x128xf32, #tpu.memory_space<vmem_shared>>
        tpu.wait_indirect_dma semaphore(%run_scoped3A_119 : memref<!tpu.dma_semaphore, #tpu.memory_space<semaphore_mem>>) src(%arg10 : memref<128x128xf32, #tpu.memory_space<vmem>>) dst(%dma_wait3A_131 : memref<10240x128xf32, #tpu.memory_space<vmem_shared>>)
        tpu.yield
      }) : () -> ()
      %add3A_90 = arith.constant 2 : i32
      %add3A_91 = arith.addi %mul3A_82, %add3A_90 : i32
      %dma_start3A_92 = arith.constant 0 : i32
      %dma_start3A_93 = tpu.memref_slice %arg8[%add3A_91, %dma_start3A_92] : memref<80x128xi32, #tpu.memory_space<vmem>> -> memref<1x128xi32, #tpu.memory_space<vmem>>
      %dma_start3A_94 = tpu.memref_squeeze %dma_start3A_93 : memref<1x128xi32, #tpu.memory_space<vmem>> -> memref<128xi32, #tpu.memory_space<vmem>>
      %dma_start3A_95 = arith.constant 0 : i32
      %dma_start3A_96 = arith.constant 0 : i32
      %dma_start3A_97 = tpu.memref_slice %arg2[%dma_start3A_95, %dma_start3A_96] : memref<10240x128xf32, #tpu.memory_space<hbm>> -> memref<10240x128xf32, #tpu.memory_space<hbm>>
      tpu.enqueue_indirect_dma source(%dma_start3A_97 : memref<10240x128xf32, #tpu.memory_space<hbm>>) target(%arg10 : memref<128x128xf32, #tpu.memory_space<vmem>>) offsets(%dma_start3A_94 : memref<128xi32, #tpu.memory_space<vmem>>) semaphore(%arg13 : memref<!tpu.dma_semaphore, #tpu.memory_space<semaphore_mem>>)
      %add3A_98 = arith.constant 1 : i32
      %add3A_99 = arith.addi %mul3A_82, %add3A_98 : i32
      %dma_wait3A_100 = arith.constant 0 : i32
      %dma_wait3A_101 = tpu.memref_slice %arg8[%add3A_99, %dma_wait3A_100] : memref<80x128xi32, #tpu.memory_space<vmem>> -> memref<1x128xi32, #tpu.memory_space<vmem>>
      %dma_wait3A_102 = tpu.memref_squeeze %dma_wait3A_101 : memref<1x128xi32, #tpu.memory_space<vmem>> -> memref<128xi32, #tpu.memory_space<vmem>>
      %dma_wait3A_103 = arith.constant 0 : i32
      %dma_wait3A_104 = arith.constant 0 : i32
      %dma_wait3A_105 = tpu.memref_slice %arg2[%dma_wait3A_103, %dma_wait3A_104] : memref<10240x128xf32, #tpu.memory_space<hbm>> -> memref<10240x128xf32, #tpu.memory_space<hbm>>
      tpu.wait_indirect_dma semaphore(%arg14 : memref<!tpu.dma_semaphore, #tpu.memory_space<semaphore_mem>>) src(%dma_wait3A_105 : memref<10240x128xf32, #tpu.memory_space<hbm>>) dst(%arg11 : memref<128x128xf32, #tpu.memory_space<vmem>>)
      %add3A_106 = arith.constant 1 : i32
      %add3A_107 = arith.addi %mul3A_82, %add3A_106 : i32
      %sub3A_108 = arith.constant 40 : i32
      %sub3A_109 = arith.subi %add3A_107, %sub3A_108 : i32
      "tpu.region"() ({
        %run_scoped3A_119 = tpu.sem_alloc : memref<!tpu.dma_semaphore, #tpu.memory_space<semaphore_mem>>
        %dma_start3A_120 = arith.constant 0 : i32
        %dma_start3A_121 = tpu.memref_slice %arg9[%sub3A_109, %dma_start3A_120] : memref<40x128xi32, #tpu.memory_space<vmem>> -> memref<1x128xi32, #tpu.memory_space<vmem>>
        %dma_start3A_122 = tpu.memref_squeeze %dma_start3A_121 : memref<1x128xi32, #tpu.memory_space<vmem>> -> memref<128xi32, #tpu.memory_space<vmem>>
        %dma_start3A_123 = arith.constant 0 : i32
        %dma_start3A_124 = arith.constant 0 : i32
        %dma_start3A_125 = tpu.memref_slice %arg12[%dma_start3A_123, %dma_start3A_124] : memref<10240x128xf32, #tpu.memory_space<vmem_shared>> -> memref<10240x128xf32, #tpu.memory_space<vmem_shared>>
        tpu.enqueue_indirect_dma source(%arg11 : memref<128x128xf32, #tpu.memory_space<vmem>>) target(%dma_start3A_125 : memref<10240x128xf32, #tpu.memory_space<vmem_shared>>) offsets(%dma_start3A_122 : memref<128xi32, #tpu.memory_space<vmem>>) semaphore(%run_scoped3A_119 : memref<!tpu.dma_semaphore, #tpu.memory_space<semaphore_mem>>) {add = true}
        %dma_wait3A_126 = arith.constant 0 : i32
        %dma_wait3A_127 = tpu.memref_slice %arg9[%sub3A_109, %dma_wait3A_126] : memref<40x128xi32, #tpu.memory_space<vmem>> -> memref<1x128xi32, #tpu.memory_space<vmem>>
        %dma_wait3A_128 = tpu.memref_squeeze %dma_wait3A_127 : memref<1x128xi32, #tpu.memory_space<vmem>> -> memref<128xi32, #tpu.memory_space<vmem>>
        %dma_wait3A_129 = arith.constant 0 : i32
        %dma_wait3A_130 = arith.constant 0 : i32
        %dma_wait3A_131 = tpu.memref_slice %arg12[%dma_wait3A_129, %dma_wait3A_130] : memref<10240x128xf32, #tpu.memory_space<vmem_shared>> -> memref<10240x128xf32, #tpu.memory_space<vmem_shared>>
        tpu.wait_indirect_dma semaphore(%run_scoped3A_119 : memref<!tpu.dma_semaphore, #tpu.memory_space<semaphore_mem>>) src(%arg11 : memref<128x128xf32, #tpu.memory_space<vmem>>) dst(%dma_wait3A_131 : memref<10240x128xf32, #tpu.memory_space<vmem_shared>>)
        tpu.yield
      }) : () -> ()
      %add3A_110 = arith.constant 3 : i32
      %add3A_111 = arith.addi %mul3A_82, %add3A_110 : i32
      %dma_start3A_112 = arith.constant 0 : i32
      %dma_start3A_113 = tpu.memref_slice %arg8[%add3A_111, %dma_start3A_112] : memref<80x128xi32, #tpu.memory_space<vmem>> -> memref<1x128xi32, #tpu.memory_space<vmem>>
      %dma_start3A_114 = tpu.memref_squeeze %dma_start3A_113 : memref<1x128xi32, #tpu.memory_space<vmem>> -> memref<128xi32, #tpu.memory_space<vmem>>
      %dma_start3A_115 = arith.constant 0 : i32
      %dma_start3A_116 = arith.constant 0 : i32
      %dma_start3A_117 = tpu.memref_slice %arg2[%dma_start3A_115, %dma_start3A_116] : memref<10240x128xf32, #tpu.memory_space<hbm>> -> memref<10240x128xf32, #tpu.memory_space<hbm>>
      tpu.enqueue_indirect_dma source(%dma_start3A_117 : memref<10240x128xf32, #tpu.memory_space<hbm>>) target(%arg11 : memref<128x128xf32, #tpu.memory_space<vmem>>) offsets(%dma_start3A_114 : memref<128xi32, #tpu.memory_space<vmem>>) semaphore(%arg14 : memref<!tpu.dma_semaphore, #tpu.memory_space<semaphore_mem>>)
      %scan3A_118 = arith.constant 0 : i32
      scf.yield %scan3A_118 : i32
    }
    %scan3A_55 = arith.constant 19 : i32
    %dma_wait3A_56 = arith.constant 78 : i32
    %dma_wait3A_57 = arith.constant 0 : i32
    %dma_wait3A_58 = tpu.memref_slice %arg8[%dma_wait3A_56, %dma_wait3A_57] : memref<80x128xi32, #tpu.memory_space<vmem>> -> memref<1x128xi32, #tpu.memory_space<vmem>>
    %dma_wait3A_59 = tpu.memref_squeeze %dma_wait3A_58 : memref<1x128xi32, #tpu.memory_space<vmem>> -> memref<128xi32, #tpu.memory_space<vmem>>
    %dma_wait3A_60 = arith.constant 0 : i32
    %dma_wait3A_61 = arith.constant 0 : i32
    %dma_wait3A_62 = tpu.memref_slice %arg2[%dma_wait3A_60, %dma_wait3A_61] : memref<10240x128xf32, #tpu.memory_space<hbm>> -> memref<10240x128xf32, #tpu.memory_space<hbm>>
    tpu.wait_indirect_dma semaphore(%arg13 : memref<!tpu.dma_semaphore, #tpu.memory_space<semaphore_mem>>) src(%dma_wait3A_62 : memref<10240x128xf32, #tpu.memory_space<hbm>>) dst(%arg10 : memref<128x128xf32, #tpu.memory_space<vmem>>)
    %run_scoped3A = arith.constant 38 : i32
    "tpu.region"() ({
      %run_scoped3A_79 = tpu.sem_alloc : memref<!tpu.dma_semaphore, #tpu.memory_space<semaphore_mem>>
      %dma_start3A_80 = arith.constant 0 : i32
      %dma_start3A_81 = tpu.memref_slice %arg9[%run_scoped3A, %dma_start3A_80] : memref<40x128xi32, #tpu.memory_space<vmem>> -> memref<1x128xi32, #tpu.memory_space<vmem>>
      %dma_start3A_82 = tpu.memref_squeeze %dma_start3A_81 : memref<1x128xi32, #tpu.memory_space<vmem>> -> memref<128xi32, #tpu.memory_space<vmem>>
      %dma_start3A_83 = arith.constant 0 : i32
      %dma_start3A_84 = arith.constant 0 : i32
      %dma_start3A_85 = tpu.memref_slice %arg12[%dma_start3A_83, %dma_start3A_84] : memref<10240x128xf32, #tpu.memory_space<vmem_shared>> -> memref<10240x128xf32, #tpu.memory_space<vmem_shared>>
      tpu.enqueue_indirect_dma source(%arg10 : memref<128x128xf32, #tpu.memory_space<vmem>>) target(%dma_start3A_85 : memref<10240x128xf32, #tpu.memory_space<vmem_shared>>) offsets(%dma_start3A_82 : memref<128xi32, #tpu.memory_space<vmem>>) semaphore(%run_scoped3A_79 : memref<!tpu.dma_semaphore, #tpu.memory_space<semaphore_mem>>) {add = true}
      %dma_wait3A_86 = arith.constant 0 : i32
      %dma_wait3A_87 = tpu.memref_slice %arg9[%run_scoped3A, %dma_wait3A_86] : memref<40x128xi32, #tpu.memory_space<vmem>> -> memref<1x128xi32, #tpu.memory_space<vmem>>
      %dma_wait3A_88 = tpu.memref_squeeze %dma_wait3A_87 : memref<1x128xi32, #tpu.memory_space<vmem>> -> memref<128xi32, #tpu.memory_space<vmem>>
      %dma_wait3A_89 = arith.constant 0 : i32
      %dma_wait3A_90 = arith.constant 0 : i32
      %dma_wait3A_91 = tpu.memref_slice %arg12[%dma_wait3A_89, %dma_wait3A_90] : memref<10240x128xf32, #tpu.memory_space<vmem_shared>> -> memref<10240x128xf32, #tpu.memory_space<vmem_shared>>
      tpu.wait_indirect_dma semaphore(%run_scoped3A_79 : memref<!tpu.dma_semaphore, #tpu.memory_space<semaphore_mem>>) src(%arg10 : memref<128x128xf32, #tpu.memory_space<vmem>>) dst(%dma_wait3A_91 : memref<10240x128xf32, #tpu.memory_space<vmem_shared>>)
      tpu.yield
    }) : () -> ()
    %dma_wait3A_63 = arith.constant 79 : i32
    %dma_wait3A_64 = arith.constant 0 : i32
    %dma_wait3A_65 = tpu.memref_slice %arg8[%dma_wait3A_63, %dma_wait3A_64] : memref<80x128xi32, #tpu.memory_space<vmem>> -> memref<1x128xi32, #tpu.memory_space<vmem>>
    %dma_wait3A_66 = tpu.memref_squeeze %dma_wait3A_65 : memref<1x128xi32, #tpu.memory_space<vmem>> -> memref<128xi32, #tpu.memory_space<vmem>>
    %dma_wait3A_67 = arith.constant 0 : i32
    %dma_wait3A_68 = arith.constant 0 : i32
    %dma_wait3A_69 = tpu.memref_slice %arg2[%dma_wait3A_67, %dma_wait3A_68] : memref<10240x128xf32, #tpu.memory_space<hbm>> -> memref<10240x128xf32, #tpu.memory_space<hbm>>
    tpu.wait_indirect_dma semaphore(%arg14 : memref<!tpu.dma_semaphore, #tpu.memory_space<semaphore_mem>>) src(%dma_wait3A_69 : memref<10240x128xf32, #tpu.memory_space<hbm>>) dst(%arg11 : memref<128x128xf32, #tpu.memory_space<vmem>>)
    %run_scoped3A_70 = arith.constant 39 : i32
    "tpu.region"() ({
      %run_scoped3A_79 = tpu.sem_alloc : memref<!tpu.dma_semaphore, #tpu.memory_space<semaphore_mem>>
      %dma_start3A_80 = arith.constant 0 : i32
      %dma_start3A_81 = tpu.memref_slice %arg9[%run_scoped3A_70, %dma_start3A_80] : memref<40x128xi32, #tpu.memory_space<vmem>> -> memref<1x128xi32, #tpu.memory_space<vmem>>
      %dma_start3A_82 = tpu.memref_squeeze %dma_start3A_81 : memref<1x128xi32, #tpu.memory_space<vmem>> -> memref<128xi32, #tpu.memory_space<vmem>>
      %dma_start3A_83 = arith.constant 0 : i32
      %dma_start3A_84 = arith.constant 0 : i32
      %dma_start3A_85 = tpu.memref_slice %arg12[%dma_start3A_83, %dma_start3A_84] : memref<10240x128xf32, #tpu.memory_space<vmem_shared>> -> memref<10240x128xf32, #tpu.memory_space<vmem_shared>>
      tpu.enqueue_indirect_dma source(%arg11 : memref<128x128xf32, #tpu.memory_space<vmem>>) target(%dma_start3A_85 : memref<10240x128xf32, #tpu.memory_space<vmem_shared>>) offsets(%dma_start3A_82 : memref<128xi32, #tpu.memory_space<vmem>>) semaphore(%run_scoped3A_79 : memref<!tpu.dma_semaphore, #tpu.memory_space<semaphore_mem>>) {add = true}
      %dma_wait3A_86 = arith.constant 0 : i32
      %dma_wait3A_87 = tpu.memref_slice %arg9[%run_scoped3A_70, %dma_wait3A_86] : memref<40x128xi32, #tpu.memory_space<vmem>> -> memref<1x128xi32, #tpu.memory_space<vmem>>
      %dma_wait3A_88 = tpu.memref_squeeze %dma_wait3A_87 : memref<1x128xi32, #tpu.memory_space<vmem>> -> memref<128xi32, #tpu.memory_space<vmem>>
      %dma_wait3A_89 = arith.constant 0 : i32
      %dma_wait3A_90 = arith.constant 0 : i32
      %dma_wait3A_91 = tpu.memref_slice %arg12[%dma_wait3A_89, %dma_wait3A_90] : memref<10240x128xf32, #tpu.memory_space<vmem_shared>> -> memref<10240x128xf32, #tpu.memory_space<vmem_shared>>
      tpu.wait_indirect_dma semaphore(%run_scoped3A_79 : memref<!tpu.dma_semaphore, #tpu.memory_space<semaphore_mem>>) src(%arg11 : memref<128x128xf32, #tpu.memory_space<vmem>>) dst(%dma_wait3A_91 : memref<10240x128xf32, #tpu.memory_space<vmem_shared>>)
      tpu.yield
    }) : () -> ()
    %barrier3A_71 = arith.constant 0 : index
    tpu.barrier barrier_id(%barrier3A_71)
    %eq3A = arith.constant 0 : i32
    %eq3A_72 = arith.cmpi eq, %arg0, %eq3A : i32
    %convert_element_type3A = arith.extui %eq3A_72 : i1 to i32
    %cond3A = arith.constant 0 : i32
    %cond3A_73 = arith.cmpi ne, %convert_element_type3A, %cond3A : i32
    scf.if %cond3A_73 {
      "tpu.region"() ({
        %run_scoped3A_79 = tpu.sem_alloc : memref<!tpu.dma_semaphore, #tpu.memory_space<semaphore_mem>>
        %dma_start3A_80 = arith.constant 0 : i32
        %dma_start3A_81 = tpu.memref_slice %arg6[%mul3A_2, %dma_start3A_80] : memref<10240x128xf32, #tpu.memory_space<hbm>> -> memref<640x128xf32, #tpu.memory_space<hbm>>
        %dma_start3A_82 = arith.constant 0 : i32
        %dma_start3A_83 = tpu.memref_slice %arg12[%mul3A_2, %dma_start3A_82] : memref<10240x128xf32, #tpu.memory_space<vmem_shared>> -> memref<640x128xf32, #tpu.memory_space<vmem_shared>>
        tpu.enqueue_dma source(%dma_start3A_83 : memref<640x128xf32, #tpu.memory_space<vmem_shared>>) target(%dma_start3A_81 : memref<640x128xf32, #tpu.memory_space<hbm>>) target_semaphore(%run_scoped3A_79 : memref<!tpu.dma_semaphore, #tpu.memory_space<semaphore_mem>>)
        %dma_wait3A_84 = arith.constant 0 : i32
        %dma_wait3A_85 = tpu.memref_slice %arg6[%mul3A_2, %dma_wait3A_84] : memref<10240x128xf32, #tpu.memory_space<hbm>> -> memref<640x128xf32, #tpu.memory_space<hbm>>
        %dma_wait3A_86 = arith.constant 0 : i32
        %dma_wait3A_87 = tpu.memref_slice %arg12[%mul3A_2, %dma_wait3A_86] : memref<10240x128xf32, #tpu.memory_space<vmem_shared>> -> memref<640x128xf32, #tpu.memory_space<vmem_shared>>
        tpu.wait_dma2 semaphore(%run_scoped3A_79 : memref<!tpu.dma_semaphore, #tpu.memory_space<semaphore_mem>>) src(%dma_wait3A_87 : memref<640x128xf32, #tpu.memory_space<vmem_shared>>) dst(%dma_wait3A_85 : memref<640x128xf32, #tpu.memory_space<hbm>>)
        tpu.yield
      }) : () -> ()
    } else {
    }
    %eq3A_74 = arith.constant 1 : i32
    %eq3A_75 = arith.cmpi eq, %arg0, %eq3A_74 : i32
    %convert_element_type3A_76 = arith.extui %eq3A_75 : i1 to i32
    %cond3A_77 = arith.constant 0 : i32
    %cond3A_78 = arith.cmpi ne, %convert_element_type3A_76, %cond3A_77 : i32
    scf.if %cond3A_78 {
      "tpu.region"() ({
        %run_scoped3A_79 = tpu.sem_alloc : memref<!tpu.dma_semaphore, #tpu.memory_space<semaphore_mem>>
        %dma_start3A_80 = arith.constant 0 : i32
        %dma_start3A_81 = tpu.memref_slice %arg7[%mul3A_2, %dma_start3A_80] : memref<10240x128xf32, #tpu.memory_space<hbm>> -> memref<640x128xf32, #tpu.memory_space<hbm>>
        %dma_start3A_82 = arith.constant 0 : i32
        %dma_start3A_83 = tpu.memref_slice %arg12[%mul3A_2, %dma_start3A_82] : memref<10240x128xf32, #tpu.memory_space<vmem_shared>> -> memref<640x128xf32, #tpu.memory_space<vmem_shared>>
        tpu.enqueue_dma source(%dma_start3A_83 : memref<640x128xf32, #tpu.memory_space<vmem_shared>>) target(%dma_start3A_81 : memref<640x128xf32, #tpu.memory_space<hbm>>) target_semaphore(%run_scoped3A_79 : memref<!tpu.dma_semaphore, #tpu.memory_space<semaphore_mem>>)
        %dma_wait3A_84 = arith.constant 0 : i32
        %dma_wait3A_85 = tpu.memref_slice %arg7[%mul3A_2, %dma_wait3A_84] : memref<10240x128xf32, #tpu.memory_space<hbm>> -> memref<640x128xf32, #tpu.memory_space<hbm>>
        %dma_wait3A_86 = arith.constant 0 : i32
        %dma_wait3A_87 = tpu.memref_slice %arg12[%mul3A_2, %dma_wait3A_86] : memref<10240x128xf32, #tpu.memory_space<vmem_shared>> -> memref<640x128xf32, #tpu.memory_space<vmem_shared>>
        tpu.wait_dma2 semaphore(%run_scoped3A_79 : memref<!tpu.dma_semaphore, #tpu.memory_space<semaphore_mem>>) src(%dma_wait3A_87 : memref<640x128xf32, #tpu.memory_space<vmem_shared>>) dst(%dma_wait3A_85 : memref<640x128xf32, #tpu.memory_space<hbm>>)
        tpu.yield
      }) : () -> ()
    } else {
    }
    return
  }
}

#map = affine_map<(d0, d1) -> (0, 0)>
module attributes {stable_mosaic.version = 14 : i64} {
  func.func @_sc_deg(%arg0: i32, %arg1: i32, %arg2: memref<2560x128xi32, #tpu.memory_space<hbm>>, %arg3: memref<640x16xf32, #tpu.memory_space<hbm>>, %arg4: memref<20480x16xf32, #tpu.memory_space<hbm>>, %arg5: memref<80x128xi32, #tpu.memory_space<vmem>>, %arg6: memref<128x16xf32, #tpu.memory_space<vmem>>, %arg7: memref<10240x16xf32, #tpu.memory_space<vmem_shared>>) attributes {dimension_semantics = [#tpu.dimension_semantics<core_parallel>, #tpu.dimension_semantics<subcore_parallel>], iteration_bounds = array<i64: 2, 16>, scalar_prefetch = 0 : i64, scratch_operands = 3 : i64, tpu.core_type = #tpu.core_type<sc_vector_subcore>, window_params = [{transform_indices = #map}, {transform_indices = #map}, {transform_indices = #map}]} {
    %mul3A = arith.constant 16 : i32
    %mul3A_0 = arith.muli %arg0, %mul3A : i32
    %add3A = arith.addi %mul3A_0, %arg1 : i32
    %mul3A_1 = arith.constant 640 : i32
    %mul3A_2 = arith.muli %arg1, %mul3A_1 : i32
    %broadcast_in_dim3A = arith.constant 1.000000e+00 : f32
    %broadcast_in_dim3A_3 = vector.broadcast %broadcast_in_dim3A : f32 to vector<16xf32>
    %mul3A_4 = arith.constant 80 : i32
    %mul3A_5 = arith.muli %add3A, %mul3A_4 : i32
    "tpu.region"() ({
      %run_scoped3A = tpu.sem_alloc : memref<!tpu.dma_semaphore, #tpu.memory_space<semaphore_mem>>
      %dma_start3A = arith.constant 0 : i32
      %dma_start3A_25 = tpu.memref_slice %arg2[%mul3A_5, %dma_start3A] : memref<2560x128xi32, #tpu.memory_space<hbm>> -> memref<80x128xi32, #tpu.memory_space<hbm>>
      %dma_start3A_26 = arith.constant 0 : i32
      %dma_start3A_27 = tpu.memref_slice %arg2[%mul3A_5, %dma_start3A_26] : memref<2560x128xi32, #tpu.memory_space<hbm>> -> memref<80x128xi32, #tpu.memory_space<hbm>>
      tpu.enqueue_dma source(%dma_start3A_27 : memref<80x128xi32, #tpu.memory_space<hbm>>) target(%arg5 : memref<80x128xi32, #tpu.memory_space<vmem>>) target_semaphore(%run_scoped3A : memref<!tpu.dma_semaphore, #tpu.memory_space<semaphore_mem>>)
      %dma_wait3A = arith.constant 0 : i32
      %dma_wait3A_28 = tpu.memref_slice %arg2[%mul3A_5, %dma_wait3A] : memref<2560x128xi32, #tpu.memory_space<hbm>> -> memref<80x128xi32, #tpu.memory_space<hbm>>
      %dma_wait3A_29 = arith.constant 0 : i32
      %dma_wait3A_30 = tpu.memref_slice %arg2[%mul3A_5, %dma_wait3A_29] : memref<2560x128xi32, #tpu.memory_space<hbm>> -> memref<80x128xi32, #tpu.memory_space<hbm>>
      tpu.wait_dma2 semaphore(%run_scoped3A : memref<!tpu.dma_semaphore, #tpu.memory_space<semaphore_mem>>) src(%dma_wait3A_30 : memref<80x128xi32, #tpu.memory_space<hbm>>) dst(%arg5 : memref<80x128xi32, #tpu.memory_space<vmem>>)
      tpu.yield
    }) : () -> ()
    %scan3A = arith.constant 0 : i32
    %scan3A_6 = arith.constant 0 : i32
    %scan3A_7 = arith.constant 128 : i32
    %scan3A_8 = arith.addi %scan3A_6, %scan3A_7 : i32
    %scan3A_9 = arith.constant 1 : i32
    %scan3A_10 = scf.for %scan3A_25 = %scan3A_6 to %scan3A_8 step %scan3A_9 iter_args(%scan3A_26 = %scan3A) -> (i32)  : i32 {
      %swap3A = arith.index_cast %scan3A_25 : i32 to index
      %swap3A_27 = arith.constant 0 : index
      %swap3A_28 = tpu.vector_load %arg6[%swap3A, %swap3A_27] {strides = array<i32>} : memref<128x16xf32, #tpu.memory_space<vmem>>, vector<1x16xf32>,
      %swap3A_29 = vector.shape_cast %swap3A_28 : vector<1x16xf32> to vector<16xf32>
      %swap3A_30 = vector.shape_cast %broadcast_in_dim3A_3 : vector<16xf32> to vector<1x16xf32>
      tpu.vector_store %arg6[%swap3A, %swap3A_27], %swap3A_30 {strides = array<i32>} : memref<128x16xf32, #tpu.memory_space<vmem>>, vector<1x16xf32>,
      %scan3A_31 = arith.constant 0 : i32
      scf.yield %scan3A_31 : i32
    }
    %scan3A_11 = arith.constant 128 : i32
    "tpu.region"() ({
      %run_scoped3A = tpu.sem_alloc : memref<!tpu.dma_semaphore, #tpu.memory_space<semaphore_mem>>
      %dma_start3A = arith.constant 0 : i32
      %dma_start3A_25 = tpu.memref_slice %arg7[%mul3A_2, %dma_start3A] : memref<10240x16xf32, #tpu.memory_space<vmem_shared>> -> memref<640x16xf32, #tpu.memory_space<vmem_shared>>
      tpu.enqueue_dma source(%arg3 : memref<640x16xf32, #tpu.memory_space<hbm>>) target(%dma_start3A_25 : memref<640x16xf32, #tpu.memory_space<vmem_shared>>) target_semaphore(%run_scoped3A : memref<!tpu.dma_semaphore, #tpu.memory_space<semaphore_mem>>)
      %dma_wait3A = arith.constant 0 : i32
      %dma_wait3A_26 = tpu.memref_slice %arg7[%mul3A_2, %dma_wait3A] : memref<10240x16xf32, #tpu.memory_space<vmem_shared>> -> memref<640x16xf32, #tpu.memory_space<vmem_shared>>
      tpu.wait_dma2 semaphore(%run_scoped3A : memref<!tpu.dma_semaphore, #tpu.memory_space<semaphore_mem>>) src(%arg3 : memref<640x16xf32, #tpu.memory_space<hbm>>) dst(%dma_wait3A_26 : memref<640x16xf32, #tpu.memory_space<vmem_shared>>)
      tpu.yield
    }) : () -> ()
    %barrier3A = arith.constant 0 : index
    tpu.barrier barrier_id(%barrier3A)
    %scan3A_12 = arith.constant 0 : i32
    %scan3A_13 = arith.constant 0 : i32
    %scan3A_14 = arith.constant 80 : i32
    %scan3A_15 = arith.addi %scan3A_13, %scan3A_14 : i32
    %scan3A_16 = arith.constant 1 : i32
    %scan3A_17 = scf.for %scan3A_25 = %scan3A_13 to %scan3A_15 step %scan3A_16 iter_args(%scan3A_26 = %scan3A_12) -> (i32)  : i32 {
      "tpu.region"() ({
        %run_scoped3A = tpu.sem_alloc : memref<!tpu.dma_semaphore, #tpu.memory_space<semaphore_mem>>
        %dma_start3A = arith.constant 0 : i32
        %dma_start3A_28 = tpu.memref_slice %arg5[%scan3A_25, %dma_start3A] : memref<80x128xi32, #tpu.memory_space<vmem>> -> memref<1x128xi32, #tpu.memory_space<vmem>>
        %dma_start3A_29 = tpu.memref_squeeze %dma_start3A_28 : memref<1x128xi32, #tpu.memory_space<vmem>> -> memref<128xi32, #tpu.memory_space<vmem>>
        %dma_start3A_30 = arith.constant 0 : i32
        %dma_start3A_31 = arith.constant 0 : i32
        %dma_start3A_32 = tpu.memref_slice %arg7[%dma_start3A_30, %dma_start3A_31] : memref<10240x16xf32, #tpu.memory_space<vmem_shared>> -> memref<10240x16xf32, #tpu.memory_space<vmem_shared>>
        tpu.enqueue_indirect_dma source(%arg6 : memref<128x16xf32, #tpu.memory_space<vmem>>) target(%dma_start3A_32 : memref<10240x16xf32, #tpu.memory_space<vmem_shared>>) offsets(%dma_start3A_29 : memref<128xi32, #tpu.memory_space<vmem>>) semaphore(%run_scoped3A : memref<!tpu.dma_semaphore, #tpu.memory_space<semaphore_mem>>) {add = true}
        %dma_wait3A = arith.constant 0 : i32
        %dma_wait3A_33 = tpu.memref_slice %arg5[%scan3A_25, %dma_wait3A] : memref<80x128xi32, #tpu.memory_space<vmem>> -> memref<1x128xi32, #tpu.memory_space<vmem>>
        %dma_wait3A_34 = tpu.memref_squeeze %dma_wait3A_33 : memref<1x128xi32, #tpu.memory_space<vmem>> -> memref<128xi32, #tpu.memory_space<vmem>>
        %dma_wait3A_35 = arith.constant 0 : i32
        %dma_wait3A_36 = arith.constant 0 : i32
        %dma_wait3A_37 = tpu.memref_slice %arg7[%dma_wait3A_35, %dma_wait3A_36] : memref<10240x16xf32, #tpu.memory_space<vmem_shared>> -> memref<10240x16xf32, #tpu.memory_space<vmem_shared>>
        tpu.wait_indirect_dma semaphore(%run_scoped3A : memref<!tpu.dma_semaphore, #tpu.memory_space<semaphore_mem>>) src(%arg6 : memref<128x16xf32, #tpu.memory_space<vmem>>) dst(%dma_wait3A_37 : memref<10240x16xf32, #tpu.memory_space<vmem_shared>>)
        tpu.yield
      }) : () -> ()
      %scan3A_27 = arith.constant 0 : i32
      scf.yield %scan3A_27 : i32
    }
    %scan3A_18 = arith.constant 80 : i32
    %barrier3A_19 = arith.constant 0 : index
    tpu.barrier barrier_id(%barrier3A_19)
    %mul3A_20 = arith.constant 10240 : i32
    %mul3A_21 = arith.muli %arg0, %mul3A_20 : i32
    %mul3A_22 = arith.constant 640 : i32
    %mul3A_23 = arith.muli %arg1, %mul3A_22 : i32
    %add3A_24 = arith.addi %mul3A_21, %mul3A_23 : i32
    "tpu.region"() ({
      %run_scoped3A = tpu.sem_alloc : memref<!tpu.dma_semaphore, #tpu.memory_space<semaphore_mem>>
      %dma_start3A = arith.constant 0 : i32
      %dma_start3A_25 = tpu.memref_slice %arg4[%add3A_24, %dma_start3A] : memref<20480x16xf32, #tpu.memory_space<hbm>> -> memref<640x16xf32, #tpu.memory_space<hbm>>
      %dma_start3A_26 = arith.constant 0 : i32
      %dma_start3A_27 = tpu.memref_slice %arg7[%mul3A_2, %dma_start3A_26] : memref<10240x16xf32, #tpu.memory_space<vmem_shared>> -> memref<640x16xf32, #tpu.memory_space<vmem_shared>>
      tpu.enqueue_dma source(%dma_start3A_27 : memref<640x16xf32, #tpu.memory_space<vmem_shared>>) target(%dma_start3A_25 : memref<640x16xf32, #tpu.memory_space<hbm>>) target_semaphore(%run_scoped3A : memref<!tpu.dma_semaphore, #tpu.memory_space<semaphore_mem>>)
      %dma_wait3A = arith.constant 0 : i32
      %dma_wait3A_28 = tpu.memref_slice %arg4[%add3A_24, %dma_wait3A] : memref<20480x16xf32, #tpu.memory_space<hbm>> -> memref<640x16xf32, #tpu.memory_space<hbm>>
      %dma_wait3A_29 = arith.constant 0 : i32
      %dma_wait3A_30 = tpu.memref_slice %arg7[%mul3A_2, %dma_wait3A_29] : memref<10240x16xf32, #tpu.memory_space<vmem_shared>> -> memref<640x16xf32, #tpu.memory_space<vmem_shared>>
      tpu.wait_dma2 semaphore(%run_scoped3A : memref<!tpu.dma_semaphore, #tpu.memory_space<semaphore_mem>>) src(%dma_wait3A_30 : memref<640x16xf32, #tpu.memory_space<vmem_shared>>) dst(%dma_wait3A_28 : memref<640x16xf32, #tpu.memory_space<hbm>>)
      tpu.yield
    }) : () -> ()
    return
  }
}

#map = affine_map<(d0, d1) -> (0, 0)>
module attributes {stable_mosaic.version = 14 : i64} {
  func.func @_sc_gs(%arg0: i32, %arg1: i32, %arg2: memref<10240x128xf32, #tpu.memory_space<hbm>>, %arg3: memref<2560x128xi32, #tpu.memory_space<hbm>>, %arg4: memref<2560x128xi32, #tpu.memory_space<hbm>>, %arg5: memref<640x128xf32, #tpu.memory_space<hbm>>, %arg6: memref<10240x128xf32, #tpu.memory_space<hbm>>, %arg7: memref<10240x128xf32, #tpu.memory_space<hbm>>, %arg8: memref<80x128xi32, #tpu.memory_space<vmem>>, %arg9: memref<40x128xi32, #tpu.memory_space<vmem>>, %arg10: memref<128x128xf32, #tpu.memory_space<vmem>>, %arg11: memref<128x128xf32, #tpu.memory_space<vmem>>, %arg12: memref<10240x128xf32, #tpu.memory_space<vmem_shared>>, %arg13: memref<!tpu.dma_semaphore, #tpu.memory_space<semaphore_mem>>, %arg14: memref<!tpu.dma_semaphore, #tpu.memory_space<semaphore_mem>>, %arg15: memref<!tpu.dma_semaphore, #tpu.memory_space<semaphore_mem>>, %arg16: memref<!tpu.dma_semaphore, #tpu.memory_space<semaphore_mem>>) attributes {dimension_semantics = [#tpu.dimension_semantics<core_parallel>, #tpu.dimension_semantics<subcore_parallel>], iteration_bounds = array<i64: 2, 16>, scalar_prefetch = 0 : i64, scratch_operands = 9 : i64, tpu.core_type = #tpu.core_type<sc_vector_subcore>, window_params = [{transform_indices = #map}, {transform_indices = #map}, {transform_indices = #map}, {transform_indices = #map}, {transform_indices = #map}, {transform_indices = #map}]} {
    %mul3A = arith.constant 16 : i32
    %mul3A_0 = arith.muli %arg0, %mul3A : i32
    %add3A = arith.addi %mul3A_0, %arg1 : i32
    %mul3A_1 = arith.constant 640 : i32
    %mul3A_2 = arith.muli %arg1, %mul3A_1 : i32
    %mul3A_3 = arith.constant 80 : i32
    %mul3A_4 = arith.muli %add3A, %mul3A_3 : i32
    %dma_start3A = arith.constant 0 : i32
    %dma_start3A_5 = tpu.memref_slice %arg3[%mul3A_4, %dma_start3A] : memref<2560x128xi32, #tpu.memory_space<hbm>> -> memref<80x128xi32, #tpu.memory_space<hbm>>
    %dma_start3A_6 = arith.constant 0 : i32
    %dma_start3A_7 = tpu.memref_slice %arg3[%mul3A_4, %dma_start3A_6] : memref<2560x128xi32, #tpu.memory_space<hbm>> -> memref<80x128xi32, #tpu.memory_space<hbm>>
    tpu.enqueue_dma source(%dma_start3A_7 : memref<80x128xi32, #tpu.memory_space<hbm>>) target(%arg8 : memref<80x128xi32, #tpu.memory_space<vmem>>) target_semaphore(%arg15 : memref<!tpu.dma_semaphore, #tpu.memory_space<semaphore_mem>>)
    %mul3A_8 = arith.constant 80 : i32
    %mul3A_9 = arith.muli %add3A, %mul3A_8 : i32
    %dma_start3A_10 = arith.constant 0 : i32
    %dma_start3A_11 = tpu.memref_slice %arg4[%mul3A_9, %dma_start3A_10] : memref<2560x128xi32, #tpu.memory_space<hbm>> -> memref<40x128xi32, #tpu.memory_space<hbm>>
    %dma_start3A_12 = arith.constant 0 : i32
    %dma_start3A_13 = tpu.memref_slice %arg4[%mul3A_9, %dma_start3A_12] : memref<2560x128xi32, #tpu.memory_space<hbm>> -> memref<40x128xi32, #tpu.memory_space<hbm>>
    tpu.enqueue_dma source(%dma_start3A_13 : memref<40x128xi32, #tpu.memory_space<hbm>>) target(%arg9 : memref<40x128xi32, #tpu.memory_space<vmem>>) target_semaphore(%arg16 : memref<!tpu.dma_semaphore, #tpu.memory_space<semaphore_mem>>)
    "tpu.region"() ({
      %run_scoped3A_79 = tpu.sem_alloc : memref<!tpu.dma_semaphore, #tpu.memory_space<semaphore_mem>>
      %dma_start3A_80 = arith.constant 0 : i32
      %dma_start3A_81 = tpu.memref_slice %arg12[%mul3A_2, %dma_start3A_80] : memref<10240x128xf32, #tpu.memory_space<vmem_shared>> -> memref<640x128xf32, #tpu.memory_space<vmem_shared>>
      tpu.enqueue_dma source(%arg5 : memref<640x128xf32, #tpu.memory_space<hbm>>) target(%dma_start3A_81 : memref<640x128xf32, #tpu.memory_space<vmem_shared>>) target_semaphore(%run_scoped3A_79 : memref<!tpu.dma_semaphore, #tpu.memory_space<semaphore_mem>>)
      %dma_wait3A_82 = arith.constant 0 : i32
      %dma_wait3A_83 = tpu.memref_slice %arg12[%mul3A_2, %dma_wait3A_82] : memref<10240x128xf32, #tpu.memory_space<vmem_shared>> -> memref<640x128xf32, #tpu.memory_space<vmem_shared>>
      tpu.wait_dma2 semaphore(%run_scoped3A_79 : memref<!tpu.dma_semaphore, #tpu.memory_space<semaphore_mem>>) src(%arg5 : memref<640x128xf32, #tpu.memory_space<hbm>>) dst(%dma_wait3A_83 : memref<640x128xf32, #tpu.memory_space<vmem_shared>>)
      tpu.yield
    }) : () -> ()
    %mul3A_14 = arith.constant 80 : i32
    %mul3A_15 = arith.muli %add3A, %mul3A_14 : i32
    %dma_wait3A = arith.constant 0 : i32
    %dma_wait3A_16 = tpu.memref_slice %arg3[%mul3A_15, %dma_wait3A] : memref<2560x128xi32, #tpu.memory_space<hbm>> -> memref<80x128xi32, #tpu.memory_space<hbm>>
    %dma_wait3A_17 = arith.constant 0 : i32
    %dma_wait3A_18 = tpu.memref_slice %arg3[%mul3A_15, %dma_wait3A_17] : memref<2560x128xi32, #tpu.memory_space<hbm>> -> memref<80x128xi32, #tpu.memory_space<hbm>>
    tpu.wait_dma2 semaphore(%arg15 : memref<!tpu.dma_semaphore, #tpu.memory_space<semaphore_mem>>) src(%dma_wait3A_18 : memref<80x128xi32, #tpu.memory_space<hbm>>) dst(%arg8 : memref<80x128xi32, #tpu.memory_space<vmem>>)
    %mul3A_19 = arith.constant 80 : i32
    %mul3A_20 = arith.muli %add3A, %mul3A_19 : i32
    %dma_wait3A_21 = arith.constant 0 : i32
    %dma_wait3A_22 = tpu.memref_slice %arg4[%mul3A_20, %dma_wait3A_21] : memref<2560x128xi32, #tpu.memory_space<hbm>> -> memref<40x128xi32, #tpu.memory_space<hbm>>
    %dma_wait3A_23 = arith.constant 0 : i32
    %dma_wait3A_24 = tpu.memref_slice %arg4[%mul3A_20, %dma_wait3A_23] : memref<2560x128xi32, #tpu.memory_space<hbm>> -> memref<40x128xi32, #tpu.memory_space<hbm>>
    tpu.wait_dma2 semaphore(%arg16 : memref<!tpu.dma_semaphore, #tpu.memory_space<semaphore_mem>>) src(%dma_wait3A_24 : memref<40x128xi32, #tpu.memory_space<hbm>>) dst(%arg9 : memref<40x128xi32, #tpu.memory_space<vmem>>)
    %barrier3A = arith.constant 0 : index
    tpu.barrier barrier_id(%barrier3A)
    %dma_start3A_25 = arith.constant 0 : i32
    %dma_start3A_26 = arith.constant 0 : i32
    %dma_start3A_27 = tpu.memref_slice %arg8[%dma_start3A_25, %dma_start3A_26] : memref<80x128xi32, #tpu.memory_space<vmem>> -> memref<1x128xi32, #tpu.memory_space<vmem>>
    %dma_start3A_28 = tpu.memref_squeeze %dma_start3A_27 : memref<1x128xi32, #tpu.memory_space<vmem>> -> memref<128xi32, #tpu.memory_space<vmem>>
    %dma_start3A_29 = arith.constant 0 : i32
    %dma_start3A_30 = arith.constant 0 : i32
    %dma_start3A_31 = tpu.memref_slice %arg2[%dma_start3A_29, %dma_start3A_30] : memref<10240x128xf32, #tpu.memory_space<hbm>> -> memref<10240x128xf32, #tpu.memory_space<hbm>>
    tpu.enqueue_indirect_dma source(%dma_start3A_31 : memref<10240x128xf32, #tpu.memory_space<hbm>>) target(%arg10 : memref<128x128xf32, #tpu.memory_space<vmem>>) offsets(%dma_start3A_28 : memref<128xi32, #tpu.memory_space<vmem>>) semaphore(%arg13 : memref<!tpu.dma_semaphore, #tpu.memory_space<semaphore_mem>>)
    %dma_start3A_32 = arith.constant 1 : i32
    %dma_start3A_33 = arith.constant 0 : i32
    %dma_start3A_34 = tpu.memref_slice %arg8[%dma_start3A_32, %dma_start3A_33] : memref<80x128xi32, #tpu.memory_space<vmem>> -> memref<1x128xi32, #tpu.memory_space<vmem>>
    %dma_start3A_35 = tpu.memref_squeeze %dma_start3A_34 : memref<1x128xi32, #tpu.memory_space<vmem>> -> memref<128xi32, #tpu.memory_space<vmem>>
    %dma_start3A_36 = arith.constant 0 : i32
    %dma_start3A_37 = arith.constant 0 : i32
    %dma_start3A_38 = tpu.memref_slice %arg2[%dma_start3A_36, %dma_start3A_37] : memref<10240x128xf32, #tpu.memory_space<hbm>> -> memref<10240x128xf32, #tpu.memory_space<hbm>>
    tpu.enqueue_indirect_dma source(%dma_start3A_38 : memref<10240x128xf32, #tpu.memory_space<hbm>>) target(%arg11 : memref<128x128xf32, #tpu.memory_space<vmem>>) offsets(%dma_start3A_35 : memref<128xi32, #tpu.memory_space<vmem>>) semaphore(%arg14 : memref<!tpu.dma_semaphore, #tpu.memory_space<semaphore_mem>>)
    %scan3A = arith.constant 0 : i32
    %scan3A_39 = arith.constant 0 : i32
    %scan3A_40 = arith.constant 20 : i32
    %scan3A_41 = arith.addi %scan3A_39, %scan3A_40 : i32
    %scan3A_42 = arith.constant 1 : i32
    %scan3A_43 = scf.for %scan3A_79 = %scan3A_39 to %scan3A_41 step %scan3A_42 iter_args(%scan3A_80 = %scan3A) -> (i32)  : i32 {
      %mul3A_81 = arith.constant 2 : i32
      %mul3A_82 = arith.muli %mul3A_81, %scan3A_79 : i32
      %dma_wait3A_83 = arith.constant 0 : i32
      %dma_wait3A_84 = tpu.memref_slice %arg8[%mul3A_82, %dma_wait3A_83] : memref<80x128xi32, #tpu.memory_space<vmem>> -> memref<1x128xi32, #tpu.memory_space<vmem>>
      %dma_wait3A_85 = tpu.memref_squeeze %dma_wait3A_84 : memref<1x128xi32, #tpu.memory_space<vmem>> -> memref<128xi32, #tpu.memory_space<vmem>>
      %dma_wait3A_86 = arith.constant 0 : i32
      %dma_wait3A_87 = arith.constant 0 : i32
      %dma_wait3A_88 = tpu.memref_slice %arg2[%dma_wait3A_86, %dma_wait3A_87] : memref<10240x128xf32, #tpu.memory_space<hbm>> -> memref<10240x128xf32, #tpu.memory_space<hbm>>
      tpu.wait_indirect_dma semaphore(%arg13 : memref<!tpu.dma_semaphore, #tpu.memory_space<semaphore_mem>>) src(%dma_wait3A_88 : memref<10240x128xf32, #tpu.memory_space<hbm>>) dst(%arg10 : memref<128x128xf32, #tpu.memory_space<vmem>>)
      %sub3A = arith.constant 0 : i32
      %sub3A_89 = arith.subi %mul3A_82, %sub3A : i32
      "tpu.region"() ({
        %run_scoped3A_119 = tpu.sem_alloc : memref<!tpu.dma_semaphore, #tpu.memory_space<semaphore_mem>>
        %dma_start3A_120 = arith.constant 0 : i32
        %dma_start3A_121 = tpu.memref_slice %arg9[%sub3A_89, %dma_start3A_120] : memref<40x128xi32, #tpu.memory_space<vmem>> -> memref<1x128xi32, #tpu.memory_space<vmem>>
        %dma_start3A_122 = tpu.memref_squeeze %dma_start3A_121 : memref<1x128xi32, #tpu.memory_space<vmem>> -> memref<128xi32, #tpu.memory_space<vmem>>
        %dma_start3A_123 = arith.constant 0 : i32
        %dma_start3A_124 = arith.constant 0 : i32
        %dma_start3A_125 = tpu.memref_slice %arg12[%dma_start3A_123, %dma_start3A_124] : memref<10240x128xf32, #tpu.memory_space<vmem_shared>> -> memref<10240x128xf32, #tpu.memory_space<vmem_shared>>
        tpu.enqueue_indirect_dma source(%arg10 : memref<128x128xf32, #tpu.memory_space<vmem>>) target(%dma_start3A_125 : memref<10240x128xf32, #tpu.memory_space<vmem_shared>>) offsets(%dma_start3A_122 : memref<128xi32, #tpu.memory_space<vmem>>) semaphore(%run_scoped3A_119 : memref<!tpu.dma_semaphore, #tpu.memory_space<semaphore_mem>>) {add = true}
        %dma_wait3A_126 = arith.constant 0 : i32
        %dma_wait3A_127 = tpu.memref_slice %arg9[%sub3A_89, %dma_wait3A_126] : memref<40x128xi32, #tpu.memory_space<vmem>> -> memref<1x128xi32, #tpu.memory_space<vmem>>
        %dma_wait3A_128 = tpu.memref_squeeze %dma_wait3A_127 : memref<1x128xi32, #tpu.memory_space<vmem>> -> memref<128xi32, #tpu.memory_space<vmem>>
        %dma_wait3A_129 = arith.constant 0 : i32
        %dma_wait3A_130 = arith.constant 0 : i32
        %dma_wait3A_131 = tpu.memref_slice %arg12[%dma_wait3A_129, %dma_wait3A_130] : memref<10240x128xf32, #tpu.memory_space<vmem_shared>> -> memref<10240x128xf32, #tpu.memory_space<vmem_shared>>
        tpu.wait_indirect_dma semaphore(%run_scoped3A_119 : memref<!tpu.dma_semaphore, #tpu.memory_space<semaphore_mem>>) src(%arg10 : memref<128x128xf32, #tpu.memory_space<vmem>>) dst(%dma_wait3A_131 : memref<10240x128xf32, #tpu.memory_space<vmem_shared>>)
        tpu.yield
      }) : () -> ()
      %add3A_90 = arith.constant 2 : i32
      %add3A_91 = arith.addi %mul3A_82, %add3A_90 : i32
      %dma_start3A_92 = arith.constant 0 : i32
      %dma_start3A_93 = tpu.memref_slice %arg8[%add3A_91, %dma_start3A_92] : memref<80x128xi32, #tpu.memory_space<vmem>> -> memref<1x128xi32, #tpu.memory_space<vmem>>
      %dma_start3A_94 = tpu.memref_squeeze %dma_start3A_93 : memref<1x128xi32, #tpu.memory_space<vmem>> -> memref<128xi32, #tpu.memory_space<vmem>>
      %dma_start3A_95 = arith.constant 0 : i32
      %dma_start3A_96 = arith.constant 0 : i32
      %dma_start3A_97 = tpu.memref_slice %arg2[%dma_start3A_95, %dma_start3A_96] : memref<10240x128xf32, #tpu.memory_space<hbm>> -> memref<10240x128xf32, #tpu.memory_space<hbm>>
      tpu.enqueue_indirect_dma source(%dma_start3A_97 : memref<10240x128xf32, #tpu.memory_space<hbm>>) target(%arg10 : memref<128x128xf32, #tpu.memory_space<vmem>>) offsets(%dma_start3A_94 : memref<128xi32, #tpu.memory_space<vmem>>) semaphore(%arg13 : memref<!tpu.dma_semaphore, #tpu.memory_space<semaphore_mem>>)
      %add3A_98 = arith.constant 1 : i32
      %add3A_99 = arith.addi %mul3A_82, %add3A_98 : i32
      %dma_wait3A_100 = arith.constant 0 : i32
      %dma_wait3A_101 = tpu.memref_slice %arg8[%add3A_99, %dma_wait3A_100] : memref<80x128xi32, #tpu.memory_space<vmem>> -> memref<1x128xi32, #tpu.memory_space<vmem>>
      %dma_wait3A_102 = tpu.memref_squeeze %dma_wait3A_101 : memref<1x128xi32, #tpu.memory_space<vmem>> -> memref<128xi32, #tpu.memory_space<vmem>>
      %dma_wait3A_103 = arith.constant 0 : i32
      %dma_wait3A_104 = arith.constant 0 : i32
      %dma_wait3A_105 = tpu.memref_slice %arg2[%dma_wait3A_103, %dma_wait3A_104] : memref<10240x128xf32, #tpu.memory_space<hbm>> -> memref<10240x128xf32, #tpu.memory_space<hbm>>
      tpu.wait_indirect_dma semaphore(%arg14 : memref<!tpu.dma_semaphore, #tpu.memory_space<semaphore_mem>>) src(%dma_wait3A_105 : memref<10240x128xf32, #tpu.memory_space<hbm>>) dst(%arg11 : memref<128x128xf32, #tpu.memory_space<vmem>>)
      %add3A_106 = arith.constant 1 : i32
      %add3A_107 = arith.addi %mul3A_82, %add3A_106 : i32
      %sub3A_108 = arith.constant 0 : i32
      %sub3A_109 = arith.subi %add3A_107, %sub3A_108 : i32
      "tpu.region"() ({
        %run_scoped3A_119 = tpu.sem_alloc : memref<!tpu.dma_semaphore, #tpu.memory_space<semaphore_mem>>
        %dma_start3A_120 = arith.constant 0 : i32
        %dma_start3A_121 = tpu.memref_slice %arg9[%sub3A_109, %dma_start3A_120] : memref<40x128xi32, #tpu.memory_space<vmem>> -> memref<1x128xi32, #tpu.memory_space<vmem>>
        %dma_start3A_122 = tpu.memref_squeeze %dma_start3A_121 : memref<1x128xi32, #tpu.memory_space<vmem>> -> memref<128xi32, #tpu.memory_space<vmem>>
        %dma_start3A_123 = arith.constant 0 : i32
        %dma_start3A_124 = arith.constant 0 : i32
        %dma_start3A_125 = tpu.memref_slice %arg12[%dma_start3A_123, %dma_start3A_124] : memref<10240x128xf32, #tpu.memory_space<vmem_shared>> -> memref<10240x128xf32, #tpu.memory_space<vmem_shared>>
        tpu.enqueue_indirect_dma source(%arg11 : memref<128x128xf32, #tpu.memory_space<vmem>>) target(%dma_start3A_125 : memref<10240x128xf32, #tpu.memory_space<vmem_shared>>) offsets(%dma_start3A_122 : memref<128xi32, #tpu.memory_space<vmem>>) semaphore(%run_scoped3A_119 : memref<!tpu.dma_semaphore, #tpu.memory_space<semaphore_mem>>) {add = true}
        %dma_wait3A_126 = arith.constant 0 : i32
        %dma_wait3A_127 = tpu.memref_slice %arg9[%sub3A_109, %dma_wait3A_126] : memref<40x128xi32, #tpu.memory_space<vmem>> -> memref<1x128xi32, #tpu.memory_space<vmem>>
        %dma_wait3A_128 = tpu.memref_squeeze %dma_wait3A_127 : memref<1x128xi32, #tpu.memory_space<vmem>> -> memref<128xi32, #tpu.memory_space<vmem>>
        %dma_wait3A_129 = arith.constant 0 : i32
        %dma_wait3A_130 = arith.constant 0 : i32
        %dma_wait3A_131 = tpu.memref_slice %arg12[%dma_wait3A_129, %dma_wait3A_130] : memref<10240x128xf32, #tpu.memory_space<vmem_shared>> -> memref<10240x128xf32, #tpu.memory_space<vmem_shared>>
        tpu.wait_indirect_dma semaphore(%run_scoped3A_119 : memref<!tpu.dma_semaphore, #tpu.memory_space<semaphore_mem>>) src(%arg11 : memref<128x128xf32, #tpu.memory_space<vmem>>) dst(%dma_wait3A_131 : memref<10240x128xf32, #tpu.memory_space<vmem_shared>>)
        tpu.yield
      }) : () -> ()
      %add3A_110 = arith.constant 3 : i32
      %add3A_111 = arith.addi %mul3A_82, %add3A_110 : i32
      %dma_start3A_112 = arith.constant 0 : i32
      %dma_start3A_113 = tpu.memref_slice %arg8[%add3A_111, %dma_start3A_112] : memref<80x128xi32, #tpu.memory_space<vmem>> -> memref<1x128xi32, #tpu.memory_space<vmem>>
      %dma_start3A_114 = tpu.memref_squeeze %dma_start3A_113 : memref<1x128xi32, #tpu.memory_space<vmem>> -> memref<128xi32, #tpu.memory_space<vmem>>
      %dma_start3A_115 = arith.constant 0 : i32
      %dma_start3A_116 = arith.constant 0 : i32
      %dma_start3A_117 = tpu.memref_slice %arg2[%dma_start3A_115, %dma_start3A_116] : memref<10240x128xf32, #tpu.memory_space<hbm>> -> memref<10240x128xf32, #tpu.memory_space<hbm>>
      tpu.enqueue_indirect_dma source(%dma_start3A_117 : memref<10240x128xf32, #tpu.memory_space<hbm>>) target(%arg11 : memref<128x128xf32, #tpu.memory_space<vmem>>) offsets(%dma_start3A_114 : memref<128xi32, #tpu.memory_space<vmem>>) semaphore(%arg14 : memref<!tpu.dma_semaphore, #tpu.memory_space<semaphore_mem>>)
      %scan3A_118 = arith.constant 0 : i32
      scf.yield %scan3A_118 : i32
    }
    %scan3A_44 = arith.constant 20 : i32
    %mul3A_45 = arith.constant 80 : i32
    %mul3A_46 = arith.muli %add3A, %mul3A_45 : i32
    %add3A_47 = arith.constant 40 : i32
    %add3A_48 = arith.addi %mul3A_46, %add3A_47 : i32
    "tpu.region"() ({
      %run_scoped3A_79 = tpu.sem_alloc : memref<!tpu.dma_semaphore, #tpu.memory_space<semaphore_mem>>
      %dma_start3A_80 = arith.constant 0 : i32
      %dma_start3A_81 = tpu.memref_slice %arg4[%add3A_48, %dma_start3A_80] : memref<2560x128xi32, #tpu.memory_space<hbm>> -> memref<40x128xi32, #tpu.memory_space<hbm>>
      %dma_start3A_82 = arith.constant 0 : i32
      %dma_start3A_83 = tpu.memref_slice %arg4[%add3A_48, %dma_start3A_82] : memref<2560x128xi32, #tpu.memory_space<hbm>> -> memref<40x128xi32, #tpu.memory_space<hbm>>
      tpu.enqueue_dma source(%dma_start3A_83 : memref<40x128xi32, #tpu.memory_space<hbm>>) target(%arg9 : memref<40x128xi32, #tpu.memory_space<vmem>>) target_semaphore(%run_scoped3A_79 : memref<!tpu.dma_semaphore, #tpu.memory_space<semaphore_mem>>)
      %dma_wait3A_84 = arith.constant 0 : i32
      %dma_wait3A_85 = tpu.memref_slice %arg4[%add3A_48, %dma_wait3A_84] : memref<2560x128xi32, #tpu.memory_space<hbm>> -> memref<40x128xi32, #tpu.memory_space<hbm>>
      %dma_wait3A_86 = arith.constant 0 : i32
      %dma_wait3A_87 = tpu.memref_slice %arg4[%add3A_48, %dma_wait3A_86] : memref<2560x128xi32, #tpu.memory_space<hbm>> -> memref<40x128xi32, #tpu.memory_space<hbm>>
      tpu.wait_dma2 semaphore(%run_scoped3A_79 : memref<!tpu.dma_semaphore, #tpu.memory_space<semaphore_mem>>) src(%dma_wait3A_87 : memref<40x128xi32, #tpu.memory_space<hbm>>) dst(%arg9 : memref<40x128xi32, #tpu.memory_space<vmem>>)
      tpu.yield
    }) : () -> ()
    %scan3A_49 = arith.constant 0 : i32
    %scan3A_50 = arith.constant 20 : i32
    %scan3A_51 = arith.constant 19 : i32
    %scan3A_52 = arith.addi %scan3A_50, %scan3A_51 : i32
    %scan3A_53 = arith.constant 1 : i32
    %scan3A_54 = scf.for %scan3A_79 = %scan3A_50 to %scan3A_52 step %scan3A_53 iter_args(%scan3A_80 = %scan3A_49) -> (i32)  : i32 {
      %mul3A_81 = arith.constant 2 : i32
      %mul3A_82 = arith.muli %mul3A_81, %scan3A_79 : i32
      %dma_wait3A_83 = arith.constant 0 : i32
      %dma_wait3A_84 = tpu.memref_slice %arg8[%mul3A_82, %dma_wait3A_83] : memref<80x128xi32, #tpu.memory_space<vmem>> -> memref<1x128xi32, #tpu.memory_space<vmem>>
      %dma_wait3A_85 = tpu.memref_squeeze %dma_wait3A_84 : memref<1x128xi32, #tpu.memory_space<vmem>> -> memref<128xi32, #tpu.memory_space<vmem>>
      %dma_wait3A_86 = arith.constant 0 : i32
      %dma_wait3A_87 = arith.constant 0 : i32
      %dma_wait3A_88 = tpu.memref_slice %arg2[%dma_wait3A_86, %dma_wait3A_87] : memref<10240x128xf32, #tpu.memory_space<hbm>> -> memref<10240x128xf32, #tpu.memory_space<hbm>>
      tpu.wait_indirect_dma semaphore(%arg13 : memref<!tpu.dma_semaphore, #tpu.memory_space<semaphore_mem>>) src(%dma_wait3A_88 : memref<10240x128xf32, #tpu.memory_space<hbm>>) dst(%arg10 : memref<128x128xf32, #tpu.memory_space<vmem>>)
      %sub3A = arith.constant 40 : i32
      %sub3A_89 = arith.subi %mul3A_82, %sub3A : i32
      "tpu.region"() ({
        %run_scoped3A_119 = tpu.sem_alloc : memref<!tpu.dma_semaphore, #tpu.memory_space<semaphore_mem>>
        %dma_start3A_120 = arith.constant 0 : i32
        %dma_start3A_121 = tpu.memref_slice %arg9[%sub3A_89, %dma_start3A_120] : memref<40x128xi32, #tpu.memory_space<vmem>> -> memref<1x128xi32, #tpu.memory_space<vmem>>
        %dma_start3A_122 = tpu.memref_squeeze %dma_start3A_121 : memref<1x128xi32, #tpu.memory_space<vmem>> -> memref<128xi32, #tpu.memory_space<vmem>>
        %dma_start3A_123 = arith.constant 0 : i32
        %dma_start3A_124 = arith.constant 0 : i32
        %dma_start3A_125 = tpu.memref_slice %arg12[%dma_start3A_123, %dma_start3A_124] : memref<10240x128xf32, #tpu.memory_space<vmem_shared>> -> memref<10240x128xf32, #tpu.memory_space<vmem_shared>>
        tpu.enqueue_indirect_dma source(%arg10 : memref<128x128xf32, #tpu.memory_space<vmem>>) target(%dma_start3A_125 : memref<10240x128xf32, #tpu.memory_space<vmem_shared>>) offsets(%dma_start3A_122 : memref<128xi32, #tpu.memory_space<vmem>>) semaphore(%run_scoped3A_119 : memref<!tpu.dma_semaphore, #tpu.memory_space<semaphore_mem>>) {add = true}
        %dma_wait3A_126 = arith.constant 0 : i32
        %dma_wait3A_127 = tpu.memref_slice %arg9[%sub3A_89, %dma_wait3A_126] : memref<40x128xi32, #tpu.memory_space<vmem>> -> memref<1x128xi32, #tpu.memory_space<vmem>>
        %dma_wait3A_128 = tpu.memref_squeeze %dma_wait3A_127 : memref<1x128xi32, #tpu.memory_space<vmem>> -> memref<128xi32, #tpu.memory_space<vmem>>
        %dma_wait3A_129 = arith.constant 0 : i32
        %dma_wait3A_130 = arith.constant 0 : i32
        %dma_wait3A_131 = tpu.memref_slice %arg12[%dma_wait3A_129, %dma_wait3A_130] : memref<10240x128xf32, #tpu.memory_space<vmem_shared>> -> memref<10240x128xf32, #tpu.memory_space<vmem_shared>>
        tpu.wait_indirect_dma semaphore(%run_scoped3A_119 : memref<!tpu.dma_semaphore, #tpu.memory_space<semaphore_mem>>) src(%arg10 : memref<128x128xf32, #tpu.memory_space<vmem>>) dst(%dma_wait3A_131 : memref<10240x128xf32, #tpu.memory_space<vmem_shared>>)
        tpu.yield
      }) : () -> ()
      %add3A_90 = arith.constant 2 : i32
      %add3A_91 = arith.addi %mul3A_82, %add3A_90 : i32
      %dma_start3A_92 = arith.constant 0 : i32
      %dma_start3A_93 = tpu.memref_slice %arg8[%add3A_91, %dma_start3A_92] : memref<80x128xi32, #tpu.memory_space<vmem>> -> memref<1x128xi32, #tpu.memory_space<vmem>>
      %dma_start3A_94 = tpu.memref_squeeze %dma_start3A_93 : memref<1x128xi32, #tpu.memory_space<vmem>> -> memref<128xi32, #tpu.memory_space<vmem>>
      %dma_start3A_95 = arith.constant 0 : i32
      %dma_start3A_96 = arith.constant 0 : i32
      %dma_start3A_97 = tpu.memref_slice %arg2[%dma_start3A_95, %dma_start3A_96] : memref<10240x128xf32, #tpu.memory_space<hbm>> -> memref<10240x128xf32, #tpu.memory_space<hbm>>
      tpu.enqueue_indirect_dma source(%dma_start3A_97 : memref<10240x128xf32, #tpu.memory_space<hbm>>) target(%arg10 : memref<128x128xf32, #tpu.memory_space<vmem>>) offsets(%dma_start3A_94 : memref<128xi32, #tpu.memory_space<vmem>>) semaphore(%arg13 : memref<!tpu.dma_semaphore, #tpu.memory_space<semaphore_mem>>)
      %add3A_98 = arith.constant 1 : i32
      %add3A_99 = arith.addi %mul3A_82, %add3A_98 : i32
      %dma_wait3A_100 = arith.constant 0 : i32
      %dma_wait3A_101 = tpu.memref_slice %arg8[%add3A_99, %dma_wait3A_100] : memref<80x128xi32, #tpu.memory_space<vmem>> -> memref<1x128xi32, #tpu.memory_space<vmem>>
      %dma_wait3A_102 = tpu.memref_squeeze %dma_wait3A_101 : memref<1x128xi32, #tpu.memory_space<vmem>> -> memref<128xi32, #tpu.memory_space<vmem>>
      %dma_wait3A_103 = arith.constant 0 : i32
      %dma_wait3A_104 = arith.constant 0 : i32
      %dma_wait3A_105 = tpu.memref_slice %arg2[%dma_wait3A_103, %dma_wait3A_104] : memref<10240x128xf32, #tpu.memory_space<hbm>> -> memref<10240x128xf32, #tpu.memory_space<hbm>>
      tpu.wait_indirect_dma semaphore(%arg14 : memref<!tpu.dma_semaphore, #tpu.memory_space<semaphore_mem>>) src(%dma_wait3A_105 : memref<10240x128xf32, #tpu.memory_space<hbm>>) dst(%arg11 : memref<128x128xf32, #tpu.memory_space<vmem>>)
      %add3A_106 = arith.constant 1 : i32
      %add3A_107 = arith.addi %mul3A_82, %add3A_106 : i32
      %sub3A_108 = arith.constant 40 : i32
      %sub3A_109 = arith.subi %add3A_107, %sub3A_108 : i32
      "tpu.region"() ({
        %run_scoped3A_119 = tpu.sem_alloc : memref<!tpu.dma_semaphore, #tpu.memory_space<semaphore_mem>>
        %dma_start3A_120 = arith.constant 0 : i32
        %dma_start3A_121 = tpu.memref_slice %arg9[%sub3A_109, %dma_start3A_120] : memref<40x128xi32, #tpu.memory_space<vmem>> -> memref<1x128xi32, #tpu.memory_space<vmem>>
        %dma_start3A_122 = tpu.memref_squeeze %dma_start3A_121 : memref<1x128xi32, #tpu.memory_space<vmem>> -> memref<128xi32, #tpu.memory_space<vmem>>
        %dma_start3A_123 = arith.constant 0 : i32
        %dma_start3A_124 = arith.constant 0 : i32
        %dma_start3A_125 = tpu.memref_slice %arg12[%dma_start3A_123, %dma_start3A_124] : memref<10240x128xf32, #tpu.memory_space<vmem_shared>> -> memref<10240x128xf32, #tpu.memory_space<vmem_shared>>
        tpu.enqueue_indirect_dma source(%arg11 : memref<128x128xf32, #tpu.memory_space<vmem>>) target(%dma_start3A_125 : memref<10240x128xf32, #tpu.memory_space<vmem_shared>>) offsets(%dma_start3A_122 : memref<128xi32, #tpu.memory_space<vmem>>) semaphore(%run_scoped3A_119 : memref<!tpu.dma_semaphore, #tpu.memory_space<semaphore_mem>>) {add = true}
        %dma_wait3A_126 = arith.constant 0 : i32
        %dma_wait3A_127 = tpu.memref_slice %arg9[%sub3A_109, %dma_wait3A_126] : memref<40x128xi32, #tpu.memory_space<vmem>> -> memref<1x128xi32, #tpu.memory_space<vmem>>
        %dma_wait3A_128 = tpu.memref_squeeze %dma_wait3A_127 : memref<1x128xi32, #tpu.memory_space<vmem>> -> memref<128xi32, #tpu.memory_space<vmem>>
        %dma_wait3A_129 = arith.constant 0 : i32
        %dma_wait3A_130 = arith.constant 0 : i32
        %dma_wait3A_131 = tpu.memref_slice %arg12[%dma_wait3A_129, %dma_wait3A_130] : memref<10240x128xf32, #tpu.memory_space<vmem_shared>> -> memref<10240x128xf32, #tpu.memory_space<vmem_shared>>
        tpu.wait_indirect_dma semaphore(%run_scoped3A_119 : memref<!tpu.dma_semaphore, #tpu.memory_space<semaphore_mem>>) src(%arg11 : memref<128x128xf32, #tpu.memory_space<vmem>>) dst(%dma_wait3A_131 : memref<10240x128xf32, #tpu.memory_space<vmem_shared>>)
        tpu.yield
      }) : () -> ()
      %add3A_110 = arith.constant 3 : i32
      %add3A_111 = arith.addi %mul3A_82, %add3A_110 : i32
      %dma_start3A_112 = arith.constant 0 : i32
      %dma_start3A_113 = tpu.memref_slice %arg8[%add3A_111, %dma_start3A_112] : memref<80x128xi32, #tpu.memory_space<vmem>> -> memref<1x128xi32, #tpu.memory_space<vmem>>
      %dma_start3A_114 = tpu.memref_squeeze %dma_start3A_113 : memref<1x128xi32, #tpu.memory_space<vmem>> -> memref<128xi32, #tpu.memory_space<vmem>>
      %dma_start3A_115 = arith.constant 0 : i32
      %dma_start3A_116 = arith.constant 0 : i32
      %dma_start3A_117 = tpu.memref_slice %arg2[%dma_start3A_115, %dma_start3A_116] : memref<10240x128xf32, #tpu.memory_space<hbm>> -> memref<10240x128xf32, #tpu.memory_space<hbm>>
      tpu.enqueue_indirect_dma source(%dma_start3A_117 : memref<10240x128xf32, #tpu.memory_space<hbm>>) target(%arg11 : memref<128x128xf32, #tpu.memory_space<vmem>>) offsets(%dma_start3A_114 : memref<128xi32, #tpu.memory_space<vmem>>) semaphore(%arg14 : memref<!tpu.dma_semaphore, #tpu.memory_space<semaphore_mem>>)
      %scan3A_118 = arith.constant 0 : i32
      scf.yield %scan3A_118 : i32
    }
    %scan3A_55 = arith.constant 19 : i32
    %dma_wait3A_56 = arith.constant 78 : i32
    %dma_wait3A_57 = arith.constant 0 : i32
    %dma_wait3A_58 = tpu.memref_slice %arg8[%dma_wait3A_56, %dma_wait3A_57] : memref<80x128xi32, #tpu.memory_space<vmem>> -> memref<1x128xi32, #tpu.memory_space<vmem>>
    %dma_wait3A_59 = tpu.memref_squeeze %dma_wait3A_58 : memref<1x128xi32, #tpu.memory_space<vmem>> -> memref<128xi32, #tpu.memory_space<vmem>>
    %dma_wait3A_60 = arith.constant 0 : i32
    %dma_wait3A_61 = arith.constant 0 : i32
    %dma_wait3A_62 = tpu.memref_slice %arg2[%dma_wait3A_60, %dma_wait3A_61] : memref<10240x128xf32, #tpu.memory_space<hbm>> -> memref<10240x128xf32, #tpu.memory_space<hbm>>
    tpu.wait_indirect_dma semaphore(%arg13 : memref<!tpu.dma_semaphore, #tpu.memory_space<semaphore_mem>>) src(%dma_wait3A_62 : memref<10240x128xf32, #tpu.memory_space<hbm>>) dst(%arg10 : memref<128x128xf32, #tpu.memory_space<vmem>>)
    %run_scoped3A = arith.constant 38 : i32
    "tpu.region"() ({
      %run_scoped3A_79 = tpu.sem_alloc : memref<!tpu.dma_semaphore, #tpu.memory_space<semaphore_mem>>
      %dma_start3A_80 = arith.constant 0 : i32
      %dma_start3A_81 = tpu.memref_slice %arg9[%run_scoped3A, %dma_start3A_80] : memref<40x128xi32, #tpu.memory_space<vmem>> -> memref<1x128xi32, #tpu.memory_space<vmem>>
      %dma_start3A_82 = tpu.memref_squeeze %dma_start3A_81 : memref<1x128xi32, #tpu.memory_space<vmem>> -> memref<128xi32, #tpu.memory_space<vmem>>
      %dma_start3A_83 = arith.constant 0 : i32
      %dma_start3A_84 = arith.constant 0 : i32
      %dma_start3A_85 = tpu.memref_slice %arg12[%dma_start3A_83, %dma_start3A_84] : memref<10240x128xf32, #tpu.memory_space<vmem_shared>> -> memref<10240x128xf32, #tpu.memory_space<vmem_shared>>
      tpu.enqueue_indirect_dma source(%arg10 : memref<128x128xf32, #tpu.memory_space<vmem>>) target(%dma_start3A_85 : memref<10240x128xf32, #tpu.memory_space<vmem_shared>>) offsets(%dma_start3A_82 : memref<128xi32, #tpu.memory_space<vmem>>) semaphore(%run_scoped3A_79 : memref<!tpu.dma_semaphore, #tpu.memory_space<semaphore_mem>>) {add = true}
      %dma_wait3A_86 = arith.constant 0 : i32
      %dma_wait3A_87 = tpu.memref_slice %arg9[%run_scoped3A, %dma_wait3A_86] : memref<40x128xi32, #tpu.memory_space<vmem>> -> memref<1x128xi32, #tpu.memory_space<vmem>>
      %dma_wait3A_88 = tpu.memref_squeeze %dma_wait3A_87 : memref<1x128xi32, #tpu.memory_space<vmem>> -> memref<128xi32, #tpu.memory_space<vmem>>
      %dma_wait3A_89 = arith.constant 0 : i32
      %dma_wait3A_90 = arith.constant 0 : i32
      %dma_wait3A_91 = tpu.memref_slice %arg12[%dma_wait3A_89, %dma_wait3A_90] : memref<10240x128xf32, #tpu.memory_space<vmem_shared>> -> memref<10240x128xf32, #tpu.memory_space<vmem_shared>>
      tpu.wait_indirect_dma semaphore(%run_scoped3A_79 : memref<!tpu.dma_semaphore, #tpu.memory_space<semaphore_mem>>) src(%arg10 : memref<128x128xf32, #tpu.memory_space<vmem>>) dst(%dma_wait3A_91 : memref<10240x128xf32, #tpu.memory_space<vmem_shared>>)
      tpu.yield
    }) : () -> ()
    %dma_wait3A_63 = arith.constant 79 : i32
    %dma_wait3A_64 = arith.constant 0 : i32
    %dma_wait3A_65 = tpu.memref_slice %arg8[%dma_wait3A_63, %dma_wait3A_64] : memref<80x128xi32, #tpu.memory_space<vmem>> -> memref<1x128xi32, #tpu.memory_space<vmem>>
    %dma_wait3A_66 = tpu.memref_squeeze %dma_wait3A_65 : memref<1x128xi32, #tpu.memory_space<vmem>> -> memref<128xi32, #tpu.memory_space<vmem>>
    %dma_wait3A_67 = arith.constant 0 : i32
    %dma_wait3A_68 = arith.constant 0 : i32
    %dma_wait3A_69 = tpu.memref_slice %arg2[%dma_wait3A_67, %dma_wait3A_68] : memref<10240x128xf32, #tpu.memory_space<hbm>> -> memref<10240x128xf32, #tpu.memory_space<hbm>>
    tpu.wait_indirect_dma semaphore(%arg14 : memref<!tpu.dma_semaphore, #tpu.memory_space<semaphore_mem>>) src(%dma_wait3A_69 : memref<10240x128xf32, #tpu.memory_space<hbm>>) dst(%arg11 : memref<128x128xf32, #tpu.memory_space<vmem>>)
    %run_scoped3A_70 = arith.constant 39 : i32
    "tpu.region"() ({
      %run_scoped3A_79 = tpu.sem_alloc : memref<!tpu.dma_semaphore, #tpu.memory_space<semaphore_mem>>
      %dma_start3A_80 = arith.constant 0 : i32
      %dma_start3A_81 = tpu.memref_slice %arg9[%run_scoped3A_70, %dma_start3A_80] : memref<40x128xi32, #tpu.memory_space<vmem>> -> memref<1x128xi32, #tpu.memory_space<vmem>>
      %dma_start3A_82 = tpu.memref_squeeze %dma_start3A_81 : memref<1x128xi32, #tpu.memory_space<vmem>> -> memref<128xi32, #tpu.memory_space<vmem>>
      %dma_start3A_83 = arith.constant 0 : i32
      %dma_start3A_84 = arith.constant 0 : i32
      %dma_start3A_85 = tpu.memref_slice %arg12[%dma_start3A_83, %dma_start3A_84] : memref<10240x128xf32, #tpu.memory_space<vmem_shared>> -> memref<10240x128xf32, #tpu.memory_space<vmem_shared>>
      tpu.enqueue_indirect_dma source(%arg11 : memref<128x128xf32, #tpu.memory_space<vmem>>) target(%dma_start3A_85 : memref<10240x128xf32, #tpu.memory_space<vmem_shared>>) offsets(%dma_start3A_82 : memref<128xi32, #tpu.memory_space<vmem>>) semaphore(%run_scoped3A_79 : memref<!tpu.dma_semaphore, #tpu.memory_space<semaphore_mem>>) {add = true}
      %dma_wait3A_86 = arith.constant 0 : i32
      %dma_wait3A_87 = tpu.memref_slice %arg9[%run_scoped3A_70, %dma_wait3A_86] : memref<40x128xi32, #tpu.memory_space<vmem>> -> memref<1x128xi32, #tpu.memory_space<vmem>>
      %dma_wait3A_88 = tpu.memref_squeeze %dma_wait3A_87 : memref<1x128xi32, #tpu.memory_space<vmem>> -> memref<128xi32, #tpu.memory_space<vmem>>
      %dma_wait3A_89 = arith.constant 0 : i32
      %dma_wait3A_90 = arith.constant 0 : i32
      %dma_wait3A_91 = tpu.memref_slice %arg12[%dma_wait3A_89, %dma_wait3A_90] : memref<10240x128xf32, #tpu.memory_space<vmem_shared>> -> memref<10240x128xf32, #tpu.memory_space<vmem_shared>>
      tpu.wait_indirect_dma semaphore(%run_scoped3A_79 : memref<!tpu.dma_semaphore, #tpu.memory_space<semaphore_mem>>) src(%arg11 : memref<128x128xf32, #tpu.memory_space<vmem>>) dst(%dma_wait3A_91 : memref<10240x128xf32, #tpu.memory_space<vmem_shared>>)
      tpu.yield
    }) : () -> ()
    %barrier3A_71 = arith.constant 0 : index
    tpu.barrier barrier_id(%barrier3A_71)
    %eq3A = arith.constant 0 : i32
    %eq3A_72 = arith.cmpi eq, %arg0, %eq3A : i32
    %convert_element_type3A = arith.extui %eq3A_72 : i1 to i32
    %cond3A = arith.constant 0 : i32
    %cond3A_73 = arith.cmpi ne, %convert_element_type3A, %cond3A : i32
    scf.if %cond3A_73 {
      "tpu.region"() ({
        %run_scoped3A_79 = tpu.sem_alloc : memref<!tpu.dma_semaphore, #tpu.memory_space<semaphore_mem>>
        %dma_start3A_80 = arith.constant 0 : i32
        %dma_start3A_81 = tpu.memref_slice %arg6[%mul3A_2, %dma_start3A_80] : memref<10240x128xf32, #tpu.memory_space<hbm>> -> memref<640x128xf32, #tpu.memory_space<hbm>>
        %dma_start3A_82 = arith.constant 0 : i32
        %dma_start3A_83 = tpu.memref_slice %arg12[%mul3A_2, %dma_start3A_82] : memref<10240x128xf32, #tpu.memory_space<vmem_shared>> -> memref<640x128xf32, #tpu.memory_space<vmem_shared>>
        tpu.enqueue_dma source(%dma_start3A_83 : memref<640x128xf32, #tpu.memory_space<vmem_shared>>) target(%dma_start3A_81 : memref<640x128xf32, #tpu.memory_space<hbm>>) target_semaphore(%run_scoped3A_79 : memref<!tpu.dma_semaphore, #tpu.memory_space<semaphore_mem>>)
        %dma_wait3A_84 = arith.constant 0 : i32
        %dma_wait3A_85 = tpu.memref_slice %arg6[%mul3A_2, %dma_wait3A_84] : memref<10240x128xf32, #tpu.memory_space<hbm>> -> memref<640x128xf32, #tpu.memory_space<hbm>>
        %dma_wait3A_86 = arith.constant 0 : i32
        %dma_wait3A_87 = tpu.memref_slice %arg12[%mul3A_2, %dma_wait3A_86] : memref<10240x128xf32, #tpu.memory_space<vmem_shared>> -> memref<640x128xf32, #tpu.memory_space<vmem_shared>>
        tpu.wait_dma2 semaphore(%run_scoped3A_79 : memref<!tpu.dma_semaphore, #tpu.memory_space<semaphore_mem>>) src(%dma_wait3A_87 : memref<640x128xf32, #tpu.memory_space<vmem_shared>>) dst(%dma_wait3A_85 : memref<640x128xf32, #tpu.memory_space<hbm>>)
        tpu.yield
      }) : () -> ()
    } else {
    }
    %eq3A_74 = arith.constant 1 : i32
    %eq3A_75 = arith.cmpi eq, %arg0, %eq3A_74 : i32
    %convert_element_type3A_76 = arith.extui %eq3A_75 : i1 to i32
    %cond3A_77 = arith.constant 0 : i32
    %cond3A_78 = arith.cmpi ne, %convert_element_type3A_76, %cond3A_77 : i32
    scf.if %cond3A_78 {
      "tpu.region"() ({
        %run_scoped3A_79 = tpu.sem_alloc : memref<!tpu.dma_semaphore, #tpu.memory_space<semaphore_mem>>
        %dma_start3A_80 = arith.constant 0 : i32
        %dma_start3A_81 = tpu.memref_slice %arg7[%mul3A_2, %dma_start3A_80] : memref<10240x128xf32, #tpu.memory_space<hbm>> -> memref<640x128xf32, #tpu.memory_space<hbm>>
        %dma_start3A_82 = arith.constant 0 : i32
        %dma_start3A_83 = tpu.memref_slice %arg12[%mul3A_2, %dma_start3A_82] : memref<10240x128xf32, #tpu.memory_space<vmem_shared>> -> memref<640x128xf32, #tpu.memory_space<vmem_shared>>
        tpu.enqueue_dma source(%dma_start3A_83 : memref<640x128xf32, #tpu.memory_space<vmem_shared>>) target(%dma_start3A_81 : memref<640x128xf32, #tpu.memory_space<hbm>>) target_semaphore(%run_scoped3A_79 : memref<!tpu.dma_semaphore, #tpu.memory_space<semaphore_mem>>)
        %dma_wait3A_84 = arith.constant 0 : i32
        %dma_wait3A_85 = tpu.memref_slice %arg7[%mul3A_2, %dma_wait3A_84] : memref<10240x128xf32, #tpu.memory_space<hbm>> -> memref<640x128xf32, #tpu.memory_space<hbm>>
        %dma_wait3A_86 = arith.constant 0 : i32
        %dma_wait3A_87 = tpu.memref_slice %arg12[%mul3A_2, %dma_wait3A_86] : memref<10240x128xf32, #tpu.memory_space<vmem_shared>> -> memref<640x128xf32, #tpu.memory_space<vmem_shared>>
        tpu.wait_dma2 semaphore(%run_scoped3A_79 : memref<!tpu.dma_semaphore, #tpu.memory_space<semaphore_mem>>) src(%dma_wait3A_87 : memref<640x128xf32, #tpu.memory_space<vmem_shared>>) dst(%dma_wait3A_85 : memref<640x128xf32, #tpu.memory_space<hbm>>)
        tpu.yield
      }) : () -> ()
    } else {
    }
    return
  }
}

#map = affine_map<(d0, d1) -> (0, 0)>
module attributes {stable_mosaic.version = 14 : i64} {
  func.func @_sc_gs(%arg0: i32, %arg1: i32, %arg2: memref<10240x128xf32, #tpu.memory_space<hbm>>, %arg3: memref<2560x128xi32, #tpu.memory_space<hbm>>, %arg4: memref<2560x128xi32, #tpu.memory_space<hbm>>, %arg5: memref<640x128xf32, #tpu.memory_space<hbm>>, %arg6: memref<10240x128xf32, #tpu.memory_space<hbm>>, %arg7: memref<10240x128xf32, #tpu.memory_space<hbm>>, %arg8: memref<80x128xi32, #tpu.memory_space<vmem>>, %arg9: memref<40x128xi32, #tpu.memory_space<vmem>>, %arg10: memref<128x128xf32, #tpu.memory_space<vmem>>, %arg11: memref<128x128xf32, #tpu.memory_space<vmem>>, %arg12: memref<10240x128xf32, #tpu.memory_space<vmem_shared>>, %arg13: memref<!tpu.dma_semaphore, #tpu.memory_space<semaphore_mem>>, %arg14: memref<!tpu.dma_semaphore, #tpu.memory_space<semaphore_mem>>, %arg15: memref<!tpu.dma_semaphore, #tpu.memory_space<semaphore_mem>>, %arg16: memref<!tpu.dma_semaphore, #tpu.memory_space<semaphore_mem>>) attributes {dimension_semantics = [#tpu.dimension_semantics<core_parallel>, #tpu.dimension_semantics<subcore_parallel>], iteration_bounds = array<i64: 2, 16>, scalar_prefetch = 0 : i64, scratch_operands = 9 : i64, tpu.core_type = #tpu.core_type<sc_vector_subcore>, window_params = [{transform_indices = #map}, {transform_indices = #map}, {transform_indices = #map}, {transform_indices = #map}, {transform_indices = #map}, {transform_indices = #map}]} {
    %mul3A = arith.constant 16 : i32
    %mul3A_0 = arith.muli %arg0, %mul3A : i32
    %add3A = arith.addi %mul3A_0, %arg1 : i32
    %mul3A_1 = arith.constant 640 : i32
    %mul3A_2 = arith.muli %arg1, %mul3A_1 : i32
    %mul3A_3 = arith.constant 80 : i32
    %mul3A_4 = arith.muli %add3A, %mul3A_3 : i32
    %dma_start3A = arith.constant 0 : i32
    %dma_start3A_5 = tpu.memref_slice %arg3[%mul3A_4, %dma_start3A] : memref<2560x128xi32, #tpu.memory_space<hbm>> -> memref<80x128xi32, #tpu.memory_space<hbm>>
    %dma_start3A_6 = arith.constant 0 : i32
    %dma_start3A_7 = tpu.memref_slice %arg3[%mul3A_4, %dma_start3A_6] : memref<2560x128xi32, #tpu.memory_space<hbm>> -> memref<80x128xi32, #tpu.memory_space<hbm>>
    tpu.enqueue_dma source(%dma_start3A_7 : memref<80x128xi32, #tpu.memory_space<hbm>>) target(%arg8 : memref<80x128xi32, #tpu.memory_space<vmem>>) target_semaphore(%arg15 : memref<!tpu.dma_semaphore, #tpu.memory_space<semaphore_mem>>)
    %mul3A_8 = arith.constant 80 : i32
    %mul3A_9 = arith.muli %add3A, %mul3A_8 : i32
    %dma_start3A_10 = arith.constant 0 : i32
    %dma_start3A_11 = tpu.memref_slice %arg4[%mul3A_9, %dma_start3A_10] : memref<2560x128xi32, #tpu.memory_space<hbm>> -> memref<40x128xi32, #tpu.memory_space<hbm>>
    %dma_start3A_12 = arith.constant 0 : i32
    %dma_start3A_13 = tpu.memref_slice %arg4[%mul3A_9, %dma_start3A_12] : memref<2560x128xi32, #tpu.memory_space<hbm>> -> memref<40x128xi32, #tpu.memory_space<hbm>>
    tpu.enqueue_dma source(%dma_start3A_13 : memref<40x128xi32, #tpu.memory_space<hbm>>) target(%arg9 : memref<40x128xi32, #tpu.memory_space<vmem>>) target_semaphore(%arg16 : memref<!tpu.dma_semaphore, #tpu.memory_space<semaphore_mem>>)
    "tpu.region"() ({
      %run_scoped3A_79 = tpu.sem_alloc : memref<!tpu.dma_semaphore, #tpu.memory_space<semaphore_mem>>
      %dma_start3A_80 = arith.constant 0 : i32
      %dma_start3A_81 = tpu.memref_slice %arg12[%mul3A_2, %dma_start3A_80] : memref<10240x128xf32, #tpu.memory_space<vmem_shared>> -> memref<640x128xf32, #tpu.memory_space<vmem_shared>>
      tpu.enqueue_dma source(%arg5 : memref<640x128xf32, #tpu.memory_space<hbm>>) target(%dma_start3A_81 : memref<640x128xf32, #tpu.memory_space<vmem_shared>>) target_semaphore(%run_scoped3A_79 : memref<!tpu.dma_semaphore, #tpu.memory_space<semaphore_mem>>)
      %dma_wait3A_82 = arith.constant 0 : i32
      %dma_wait3A_83 = tpu.memref_slice %arg12[%mul3A_2, %dma_wait3A_82] : memref<10240x128xf32, #tpu.memory_space<vmem_shared>> -> memref<640x128xf32, #tpu.memory_space<vmem_shared>>
      tpu.wait_dma2 semaphore(%run_scoped3A_79 : memref<!tpu.dma_semaphore, #tpu.memory_space<semaphore_mem>>) src(%arg5 : memref<640x128xf32, #tpu.memory_space<hbm>>) dst(%dma_wait3A_83 : memref<640x128xf32, #tpu.memory_space<vmem_shared>>)
      tpu.yield
    }) : () -> ()
    %mul3A_14 = arith.constant 80 : i32
    %mul3A_15 = arith.muli %add3A, %mul3A_14 : i32
    %dma_wait3A = arith.constant 0 : i32
    %dma_wait3A_16 = tpu.memref_slice %arg3[%mul3A_15, %dma_wait3A] : memref<2560x128xi32, #tpu.memory_space<hbm>> -> memref<80x128xi32, #tpu.memory_space<hbm>>
    %dma_wait3A_17 = arith.constant 0 : i32
    %dma_wait3A_18 = tpu.memref_slice %arg3[%mul3A_15, %dma_wait3A_17] : memref<2560x128xi32, #tpu.memory_space<hbm>> -> memref<80x128xi32, #tpu.memory_space<hbm>>
    tpu.wait_dma2 semaphore(%arg15 : memref<!tpu.dma_semaphore, #tpu.memory_space<semaphore_mem>>) src(%dma_wait3A_18 : memref<80x128xi32, #tpu.memory_space<hbm>>) dst(%arg8 : memref<80x128xi32, #tpu.memory_space<vmem>>)
    %mul3A_19 = arith.constant 80 : i32
    %mul3A_20 = arith.muli %add3A, %mul3A_19 : i32
    %dma_wait3A_21 = arith.constant 0 : i32
    %dma_wait3A_22 = tpu.memref_slice %arg4[%mul3A_20, %dma_wait3A_21] : memref<2560x128xi32, #tpu.memory_space<hbm>> -> memref<40x128xi32, #tpu.memory_space<hbm>>
    %dma_wait3A_23 = arith.constant 0 : i32
    %dma_wait3A_24 = tpu.memref_slice %arg4[%mul3A_20, %dma_wait3A_23] : memref<2560x128xi32, #tpu.memory_space<hbm>> -> memref<40x128xi32, #tpu.memory_space<hbm>>
    tpu.wait_dma2 semaphore(%arg16 : memref<!tpu.dma_semaphore, #tpu.memory_space<semaphore_mem>>) src(%dma_wait3A_24 : memref<40x128xi32, #tpu.memory_space<hbm>>) dst(%arg9 : memref<40x128xi32, #tpu.memory_space<vmem>>)
    %barrier3A = arith.constant 0 : index
    tpu.barrier barrier_id(%barrier3A)
    %dma_start3A_25 = arith.constant 0 : i32
    %dma_start3A_26 = arith.constant 0 : i32
    %dma_start3A_27 = tpu.memref_slice %arg8[%dma_start3A_25, %dma_start3A_26] : memref<80x128xi32, #tpu.memory_space<vmem>> -> memref<1x128xi32, #tpu.memory_space<vmem>>
    %dma_start3A_28 = tpu.memref_squeeze %dma_start3A_27 : memref<1x128xi32, #tpu.memory_space<vmem>> -> memref<128xi32, #tpu.memory_space<vmem>>
    %dma_start3A_29 = arith.constant 0 : i32
    %dma_start3A_30 = arith.constant 0 : i32
    %dma_start3A_31 = tpu.memref_slice %arg2[%dma_start3A_29, %dma_start3A_30] : memref<10240x128xf32, #tpu.memory_space<hbm>> -> memref<10240x128xf32, #tpu.memory_space<hbm>>
    tpu.enqueue_indirect_dma source(%dma_start3A_31 : memref<10240x128xf32, #tpu.memory_space<hbm>>) target(%arg10 : memref<128x128xf32, #tpu.memory_space<vmem>>) offsets(%dma_start3A_28 : memref<128xi32, #tpu.memory_space<vmem>>) semaphore(%arg13 : memref<!tpu.dma_semaphore, #tpu.memory_space<semaphore_mem>>)
    %dma_start3A_32 = arith.constant 1 : i32
    %dma_start3A_33 = arith.constant 0 : i32
    %dma_start3A_34 = tpu.memref_slice %arg8[%dma_start3A_32, %dma_start3A_33] : memref<80x128xi32, #tpu.memory_space<vmem>> -> memref<1x128xi32, #tpu.memory_space<vmem>>
    %dma_start3A_35 = tpu.memref_squeeze %dma_start3A_34 : memref<1x128xi32, #tpu.memory_space<vmem>> -> memref<128xi32, #tpu.memory_space<vmem>>
    %dma_start3A_36 = arith.constant 0 : i32
    %dma_start3A_37 = arith.constant 0 : i32
    %dma_start3A_38 = tpu.memref_slice %arg2[%dma_start3A_36, %dma_start3A_37] : memref<10240x128xf32, #tpu.memory_space<hbm>> -> memref<10240x128xf32, #tpu.memory_space<hbm>>
    tpu.enqueue_indirect_dma source(%dma_start3A_38 : memref<10240x128xf32, #tpu.memory_space<hbm>>) target(%arg11 : memref<128x128xf32, #tpu.memory_space<vmem>>) offsets(%dma_start3A_35 : memref<128xi32, #tpu.memory_space<vmem>>) semaphore(%arg14 : memref<!tpu.dma_semaphore, #tpu.memory_space<semaphore_mem>>)
    %scan3A = arith.constant 0 : i32
    %scan3A_39 = arith.constant 0 : i32
    %scan3A_40 = arith.constant 20 : i32
    %scan3A_41 = arith.addi %scan3A_39, %scan3A_40 : i32
    %scan3A_42 = arith.constant 1 : i32
    %scan3A_43 = scf.for %scan3A_79 = %scan3A_39 to %scan3A_41 step %scan3A_42 iter_args(%scan3A_80 = %scan3A) -> (i32)  : i32 {
      %mul3A_81 = arith.constant 2 : i32
      %mul3A_82 = arith.muli %mul3A_81, %scan3A_79 : i32
      %dma_wait3A_83 = arith.constant 0 : i32
      %dma_wait3A_84 = tpu.memref_slice %arg8[%mul3A_82, %dma_wait3A_83] : memref<80x128xi32, #tpu.memory_space<vmem>> -> memref<1x128xi32, #tpu.memory_space<vmem>>
      %dma_wait3A_85 = tpu.memref_squeeze %dma_wait3A_84 : memref<1x128xi32, #tpu.memory_space<vmem>> -> memref<128xi32, #tpu.memory_space<vmem>>
      %dma_wait3A_86 = arith.constant 0 : i32
      %dma_wait3A_87 = arith.constant 0 : i32
      %dma_wait3A_88 = tpu.memref_slice %arg2[%dma_wait3A_86, %dma_wait3A_87] : memref<10240x128xf32, #tpu.memory_space<hbm>> -> memref<10240x128xf32, #tpu.memory_space<hbm>>
      tpu.wait_indirect_dma semaphore(%arg13 : memref<!tpu.dma_semaphore, #tpu.memory_space<semaphore_mem>>) src(%dma_wait3A_88 : memref<10240x128xf32, #tpu.memory_space<hbm>>) dst(%arg10 : memref<128x128xf32, #tpu.memory_space<vmem>>)
      %sub3A = arith.constant 0 : i32
      %sub3A_89 = arith.subi %mul3A_82, %sub3A : i32
      "tpu.region"() ({
        %run_scoped3A_119 = tpu.sem_alloc : memref<!tpu.dma_semaphore, #tpu.memory_space<semaphore_mem>>
        %dma_start3A_120 = arith.constant 0 : i32
        %dma_start3A_121 = tpu.memref_slice %arg9[%sub3A_89, %dma_start3A_120] : memref<40x128xi32, #tpu.memory_space<vmem>> -> memref<1x128xi32, #tpu.memory_space<vmem>>
        %dma_start3A_122 = tpu.memref_squeeze %dma_start3A_121 : memref<1x128xi32, #tpu.memory_space<vmem>> -> memref<128xi32, #tpu.memory_space<vmem>>
        %dma_start3A_123 = arith.constant 0 : i32
        %dma_start3A_124 = arith.constant 0 : i32
        %dma_start3A_125 = tpu.memref_slice %arg12[%dma_start3A_123, %dma_start3A_124] : memref<10240x128xf32, #tpu.memory_space<vmem_shared>> -> memref<10240x128xf32, #tpu.memory_space<vmem_shared>>
        tpu.enqueue_indirect_dma source(%arg10 : memref<128x128xf32, #tpu.memory_space<vmem>>) target(%dma_start3A_125 : memref<10240x128xf32, #tpu.memory_space<vmem_shared>>) offsets(%dma_start3A_122 : memref<128xi32, #tpu.memory_space<vmem>>) semaphore(%run_scoped3A_119 : memref<!tpu.dma_semaphore, #tpu.memory_space<semaphore_mem>>) {add = true}
        %dma_wait3A_126 = arith.constant 0 : i32
        %dma_wait3A_127 = tpu.memref_slice %arg9[%sub3A_89, %dma_wait3A_126] : memref<40x128xi32, #tpu.memory_space<vmem>> -> memref<1x128xi32, #tpu.memory_space<vmem>>
        %dma_wait3A_128 = tpu.memref_squeeze %dma_wait3A_127 : memref<1x128xi32, #tpu.memory_space<vmem>> -> memref<128xi32, #tpu.memory_space<vmem>>
        %dma_wait3A_129 = arith.constant 0 : i32
        %dma_wait3A_130 = arith.constant 0 : i32
        %dma_wait3A_131 = tpu.memref_slice %arg12[%dma_wait3A_129, %dma_wait3A_130] : memref<10240x128xf32, #tpu.memory_space<vmem_shared>> -> memref<10240x128xf32, #tpu.memory_space<vmem_shared>>
        tpu.wait_indirect_dma semaphore(%run_scoped3A_119 : memref<!tpu.dma_semaphore, #tpu.memory_space<semaphore_mem>>) src(%arg10 : memref<128x128xf32, #tpu.memory_space<vmem>>) dst(%dma_wait3A_131 : memref<10240x128xf32, #tpu.memory_space<vmem_shared>>)
        tpu.yield
      }) : () -> ()
      %add3A_90 = arith.constant 2 : i32
      %add3A_91 = arith.addi %mul3A_82, %add3A_90 : i32
      %dma_start3A_92 = arith.constant 0 : i32
      %dma_start3A_93 = tpu.memref_slice %arg8[%add3A_91, %dma_start3A_92] : memref<80x128xi32, #tpu.memory_space<vmem>> -> memref<1x128xi32, #tpu.memory_space<vmem>>
      %dma_start3A_94 = tpu.memref_squeeze %dma_start3A_93 : memref<1x128xi32, #tpu.memory_space<vmem>> -> memref<128xi32, #tpu.memory_space<vmem>>
      %dma_start3A_95 = arith.constant 0 : i32
      %dma_start3A_96 = arith.constant 0 : i32
      %dma_start3A_97 = tpu.memref_slice %arg2[%dma_start3A_95, %dma_start3A_96] : memref<10240x128xf32, #tpu.memory_space<hbm>> -> memref<10240x128xf32, #tpu.memory_space<hbm>>
      tpu.enqueue_indirect_dma source(%dma_start3A_97 : memref<10240x128xf32, #tpu.memory_space<hbm>>) target(%arg10 : memref<128x128xf32, #tpu.memory_space<vmem>>) offsets(%dma_start3A_94 : memref<128xi32, #tpu.memory_space<vmem>>) semaphore(%arg13 : memref<!tpu.dma_semaphore, #tpu.memory_space<semaphore_mem>>)
      %add3A_98 = arith.constant 1 : i32
      %add3A_99 = arith.addi %mul3A_82, %add3A_98 : i32
      %dma_wait3A_100 = arith.constant 0 : i32
      %dma_wait3A_101 = tpu.memref_slice %arg8[%add3A_99, %dma_wait3A_100] : memref<80x128xi32, #tpu.memory_space<vmem>> -> memref<1x128xi32, #tpu.memory_space<vmem>>
      %dma_wait3A_102 = tpu.memref_squeeze %dma_wait3A_101 : memref<1x128xi32, #tpu.memory_space<vmem>> -> memref<128xi32, #tpu.memory_space<vmem>>
      %dma_wait3A_103 = arith.constant 0 : i32
      %dma_wait3A_104 = arith.constant 0 : i32
      %dma_wait3A_105 = tpu.memref_slice %arg2[%dma_wait3A_103, %dma_wait3A_104] : memref<10240x128xf32, #tpu.memory_space<hbm>> -> memref<10240x128xf32, #tpu.memory_space<hbm>>
      tpu.wait_indirect_dma semaphore(%arg14 : memref<!tpu.dma_semaphore, #tpu.memory_space<semaphore_mem>>) src(%dma_wait3A_105 : memref<10240x128xf32, #tpu.memory_space<hbm>>) dst(%arg11 : memref<128x128xf32, #tpu.memory_space<vmem>>)
      %add3A_106 = arith.constant 1 : i32
      %add3A_107 = arith.addi %mul3A_82, %add3A_106 : i32
      %sub3A_108 = arith.constant 0 : i32
      %sub3A_109 = arith.subi %add3A_107, %sub3A_108 : i32
      "tpu.region"() ({
        %run_scoped3A_119 = tpu.sem_alloc : memref<!tpu.dma_semaphore, #tpu.memory_space<semaphore_mem>>
        %dma_start3A_120 = arith.constant 0 : i32
        %dma_start3A_121 = tpu.memref_slice %arg9[%sub3A_109, %dma_start3A_120] : memref<40x128xi32, #tpu.memory_space<vmem>> -> memref<1x128xi32, #tpu.memory_space<vmem>>
        %dma_start3A_122 = tpu.memref_squeeze %dma_start3A_121 : memref<1x128xi32, #tpu.memory_space<vmem>> -> memref<128xi32, #tpu.memory_space<vmem>>
        %dma_start3A_123 = arith.constant 0 : i32
        %dma_start3A_124 = arith.constant 0 : i32
        %dma_start3A_125 = tpu.memref_slice %arg12[%dma_start3A_123, %dma_start3A_124] : memref<10240x128xf32, #tpu.memory_space<vmem_shared>> -> memref<10240x128xf32, #tpu.memory_space<vmem_shared>>
        tpu.enqueue_indirect_dma source(%arg11 : memref<128x128xf32, #tpu.memory_space<vmem>>) target(%dma_start3A_125 : memref<10240x128xf32, #tpu.memory_space<vmem_shared>>) offsets(%dma_start3A_122 : memref<128xi32, #tpu.memory_space<vmem>>) semaphore(%run_scoped3A_119 : memref<!tpu.dma_semaphore, #tpu.memory_space<semaphore_mem>>) {add = true}
        %dma_wait3A_126 = arith.constant 0 : i32
        %dma_wait3A_127 = tpu.memref_slice %arg9[%sub3A_109, %dma_wait3A_126] : memref<40x128xi32, #tpu.memory_space<vmem>> -> memref<1x128xi32, #tpu.memory_space<vmem>>
        %dma_wait3A_128 = tpu.memref_squeeze %dma_wait3A_127 : memref<1x128xi32, #tpu.memory_space<vmem>> -> memref<128xi32, #tpu.memory_space<vmem>>
        %dma_wait3A_129 = arith.constant 0 : i32
        %dma_wait3A_130 = arith.constant 0 : i32
        %dma_wait3A_131 = tpu.memref_slice %arg12[%dma_wait3A_129, %dma_wait3A_130] : memref<10240x128xf32, #tpu.memory_space<vmem_shared>> -> memref<10240x128xf32, #tpu.memory_space<vmem_shared>>
        tpu.wait_indirect_dma semaphore(%run_scoped3A_119 : memref<!tpu.dma_semaphore, #tpu.memory_space<semaphore_mem>>) src(%arg11 : memref<128x128xf32, #tpu.memory_space<vmem>>) dst(%dma_wait3A_131 : memref<10240x128xf32, #tpu.memory_space<vmem_shared>>)
        tpu.yield
      }) : () -> ()
      %add3A_110 = arith.constant 3 : i32
      %add3A_111 = arith.addi %mul3A_82, %add3A_110 : i32
      %dma_start3A_112 = arith.constant 0 : i32
      %dma_start3A_113 = tpu.memref_slice %arg8[%add3A_111, %dma_start3A_112] : memref<80x128xi32, #tpu.memory_space<vmem>> -> memref<1x128xi32, #tpu.memory_space<vmem>>
      %dma_start3A_114 = tpu.memref_squeeze %dma_start3A_113 : memref<1x128xi32, #tpu.memory_space<vmem>> -> memref<128xi32, #tpu.memory_space<vmem>>
      %dma_start3A_115 = arith.constant 0 : i32
      %dma_start3A_116 = arith.constant 0 : i32
      %dma_start3A_117 = tpu.memref_slice %arg2[%dma_start3A_115, %dma_start3A_116] : memref<10240x128xf32, #tpu.memory_space<hbm>> -> memref<10240x128xf32, #tpu.memory_space<hbm>>
      tpu.enqueue_indirect_dma source(%dma_start3A_117 : memref<10240x128xf32, #tpu.memory_space<hbm>>) target(%arg11 : memref<128x128xf32, #tpu.memory_space<vmem>>) offsets(%dma_start3A_114 : memref<128xi32, #tpu.memory_space<vmem>>) semaphore(%arg14 : memref<!tpu.dma_semaphore, #tpu.memory_space<semaphore_mem>>)
      %scan3A_118 = arith.constant 0 : i32
      scf.yield %scan3A_118 : i32
    }
    %scan3A_44 = arith.constant 20 : i32
    %mul3A_45 = arith.constant 80 : i32
    %mul3A_46 = arith.muli %add3A, %mul3A_45 : i32
    %add3A_47 = arith.constant 40 : i32
    %add3A_48 = arith.addi %mul3A_46, %add3A_47 : i32
    "tpu.region"() ({
      %run_scoped3A_79 = tpu.sem_alloc : memref<!tpu.dma_semaphore, #tpu.memory_space<semaphore_mem>>
      %dma_start3A_80 = arith.constant 0 : i32
      %dma_start3A_81 = tpu.memref_slice %arg4[%add3A_48, %dma_start3A_80] : memref<2560x128xi32, #tpu.memory_space<hbm>> -> memref<40x128xi32, #tpu.memory_space<hbm>>
      %dma_start3A_82 = arith.constant 0 : i32
      %dma_start3A_83 = tpu.memref_slice %arg4[%add3A_48, %dma_start3A_82] : memref<2560x128xi32, #tpu.memory_space<hbm>> -> memref<40x128xi32, #tpu.memory_space<hbm>>
      tpu.enqueue_dma source(%dma_start3A_83 : memref<40x128xi32, #tpu.memory_space<hbm>>) target(%arg9 : memref<40x128xi32, #tpu.memory_space<vmem>>) target_semaphore(%run_scoped3A_79 : memref<!tpu.dma_semaphore, #tpu.memory_space<semaphore_mem>>)
      %dma_wait3A_84 = arith.constant 0 : i32
      %dma_wait3A_85 = tpu.memref_slice %arg4[%add3A_48, %dma_wait3A_84] : memref<2560x128xi32, #tpu.memory_space<hbm>> -> memref<40x128xi32, #tpu.memory_space<hbm>>
      %dma_wait3A_86 = arith.constant 0 : i32
      %dma_wait3A_87 = tpu.memref_slice %arg4[%add3A_48, %dma_wait3A_86] : memref<2560x128xi32, #tpu.memory_space<hbm>> -> memref<40x128xi32, #tpu.memory_space<hbm>>
      tpu.wait_dma2 semaphore(%run_scoped3A_79 : memref<!tpu.dma_semaphore, #tpu.memory_space<semaphore_mem>>) src(%dma_wait3A_87 : memref<40x128xi32, #tpu.memory_space<hbm>>) dst(%arg9 : memref<40x128xi32, #tpu.memory_space<vmem>>)
      tpu.yield
    }) : () -> ()
    %scan3A_49 = arith.constant 0 : i32
    %scan3A_50 = arith.constant 20 : i32
    %scan3A_51 = arith.constant 19 : i32
    %scan3A_52 = arith.addi %scan3A_50, %scan3A_51 : i32
    %scan3A_53 = arith.constant 1 : i32
    %scan3A_54 = scf.for %scan3A_79 = %scan3A_50 to %scan3A_52 step %scan3A_53 iter_args(%scan3A_80 = %scan3A_49) -> (i32)  : i32 {
      %mul3A_81 = arith.constant 2 : i32
      %mul3A_82 = arith.muli %mul3A_81, %scan3A_79 : i32
      %dma_wait3A_83 = arith.constant 0 : i32
      %dma_wait3A_84 = tpu.memref_slice %arg8[%mul3A_82, %dma_wait3A_83] : memref<80x128xi32, #tpu.memory_space<vmem>> -> memref<1x128xi32, #tpu.memory_space<vmem>>
      %dma_wait3A_85 = tpu.memref_squeeze %dma_wait3A_84 : memref<1x128xi32, #tpu.memory_space<vmem>> -> memref<128xi32, #tpu.memory_space<vmem>>
      %dma_wait3A_86 = arith.constant 0 : i32
      %dma_wait3A_87 = arith.constant 0 : i32
      %dma_wait3A_88 = tpu.memref_slice %arg2[%dma_wait3A_86, %dma_wait3A_87] : memref<10240x128xf32, #tpu.memory_space<hbm>> -> memref<10240x128xf32, #tpu.memory_space<hbm>>
      tpu.wait_indirect_dma semaphore(%arg13 : memref<!tpu.dma_semaphore, #tpu.memory_space<semaphore_mem>>) src(%dma_wait3A_88 : memref<10240x128xf32, #tpu.memory_space<hbm>>) dst(%arg10 : memref<128x128xf32, #tpu.memory_space<vmem>>)
      %sub3A = arith.constant 40 : i32
      %sub3A_89 = arith.subi %mul3A_82, %sub3A : i32
      "tpu.region"() ({
        %run_scoped3A_119 = tpu.sem_alloc : memref<!tpu.dma_semaphore, #tpu.memory_space<semaphore_mem>>
        %dma_start3A_120 = arith.constant 0 : i32
        %dma_start3A_121 = tpu.memref_slice %arg9[%sub3A_89, %dma_start3A_120] : memref<40x128xi32, #tpu.memory_space<vmem>> -> memref<1x128xi32, #tpu.memory_space<vmem>>
        %dma_start3A_122 = tpu.memref_squeeze %dma_start3A_121 : memref<1x128xi32, #tpu.memory_space<vmem>> -> memref<128xi32, #tpu.memory_space<vmem>>
        %dma_start3A_123 = arith.constant 0 : i32
        %dma_start3A_124 = arith.constant 0 : i32
        %dma_start3A_125 = tpu.memref_slice %arg12[%dma_start3A_123, %dma_start3A_124] : memref<10240x128xf32, #tpu.memory_space<vmem_shared>> -> memref<10240x128xf32, #tpu.memory_space<vmem_shared>>
        tpu.enqueue_indirect_dma source(%arg10 : memref<128x128xf32, #tpu.memory_space<vmem>>) target(%dma_start3A_125 : memref<10240x128xf32, #tpu.memory_space<vmem_shared>>) offsets(%dma_start3A_122 : memref<128xi32, #tpu.memory_space<vmem>>) semaphore(%run_scoped3A_119 : memref<!tpu.dma_semaphore, #tpu.memory_space<semaphore_mem>>) {add = true}
        %dma_wait3A_126 = arith.constant 0 : i32
        %dma_wait3A_127 = tpu.memref_slice %arg9[%sub3A_89, %dma_wait3A_126] : memref<40x128xi32, #tpu.memory_space<vmem>> -> memref<1x128xi32, #tpu.memory_space<vmem>>
        %dma_wait3A_128 = tpu.memref_squeeze %dma_wait3A_127 : memref<1x128xi32, #tpu.memory_space<vmem>> -> memref<128xi32, #tpu.memory_space<vmem>>
        %dma_wait3A_129 = arith.constant 0 : i32
        %dma_wait3A_130 = arith.constant 0 : i32
        %dma_wait3A_131 = tpu.memref_slice %arg12[%dma_wait3A_129, %dma_wait3A_130] : memref<10240x128xf32, #tpu.memory_space<vmem_shared>> -> memref<10240x128xf32, #tpu.memory_space<vmem_shared>>
        tpu.wait_indirect_dma semaphore(%run_scoped3A_119 : memref<!tpu.dma_semaphore, #tpu.memory_space<semaphore_mem>>) src(%arg10 : memref<128x128xf32, #tpu.memory_space<vmem>>) dst(%dma_wait3A_131 : memref<10240x128xf32, #tpu.memory_space<vmem_shared>>)
        tpu.yield
      }) : () -> ()
      %add3A_90 = arith.constant 2 : i32
      %add3A_91 = arith.addi %mul3A_82, %add3A_90 : i32
      %dma_start3A_92 = arith.constant 0 : i32
      %dma_start3A_93 = tpu.memref_slice %arg8[%add3A_91, %dma_start3A_92] : memref<80x128xi32, #tpu.memory_space<vmem>> -> memref<1x128xi32, #tpu.memory_space<vmem>>
      %dma_start3A_94 = tpu.memref_squeeze %dma_start3A_93 : memref<1x128xi32, #tpu.memory_space<vmem>> -> memref<128xi32, #tpu.memory_space<vmem>>
      %dma_start3A_95 = arith.constant 0 : i32
      %dma_start3A_96 = arith.constant 0 : i32
      %dma_start3A_97 = tpu.memref_slice %arg2[%dma_start3A_95, %dma_start3A_96] : memref<10240x128xf32, #tpu.memory_space<hbm>> -> memref<10240x128xf32, #tpu.memory_space<hbm>>
      tpu.enqueue_indirect_dma source(%dma_start3A_97 : memref<10240x128xf32, #tpu.memory_space<hbm>>) target(%arg10 : memref<128x128xf32, #tpu.memory_space<vmem>>) offsets(%dma_start3A_94 : memref<128xi32, #tpu.memory_space<vmem>>) semaphore(%arg13 : memref<!tpu.dma_semaphore, #tpu.memory_space<semaphore_mem>>)
      %add3A_98 = arith.constant 1 : i32
      %add3A_99 = arith.addi %mul3A_82, %add3A_98 : i32
      %dma_wait3A_100 = arith.constant 0 : i32
      %dma_wait3A_101 = tpu.memref_slice %arg8[%add3A_99, %dma_wait3A_100] : memref<80x128xi32, #tpu.memory_space<vmem>> -> memref<1x128xi32, #tpu.memory_space<vmem>>
      %dma_wait3A_102 = tpu.memref_squeeze %dma_wait3A_101 : memref<1x128xi32, #tpu.memory_space<vmem>> -> memref<128xi32, #tpu.memory_space<vmem>>
      %dma_wait3A_103 = arith.constant 0 : i32
      %dma_wait3A_104 = arith.constant 0 : i32
      %dma_wait3A_105 = tpu.memref_slice %arg2[%dma_wait3A_103, %dma_wait3A_104] : memref<10240x128xf32, #tpu.memory_space<hbm>> -> memref<10240x128xf32, #tpu.memory_space<hbm>>
      tpu.wait_indirect_dma semaphore(%arg14 : memref<!tpu.dma_semaphore, #tpu.memory_space<semaphore_mem>>) src(%dma_wait3A_105 : memref<10240x128xf32, #tpu.memory_space<hbm>>) dst(%arg11 : memref<128x128xf32, #tpu.memory_space<vmem>>)
      %add3A_106 = arith.constant 1 : i32
      %add3A_107 = arith.addi %mul3A_82, %add3A_106 : i32
      %sub3A_108 = arith.constant 40 : i32
      %sub3A_109 = arith.subi %add3A_107, %sub3A_108 : i32
      "tpu.region"() ({
        %run_scoped3A_119 = tpu.sem_alloc : memref<!tpu.dma_semaphore, #tpu.memory_space<semaphore_mem>>
        %dma_start3A_120 = arith.constant 0 : i32
        %dma_start3A_121 = tpu.memref_slice %arg9[%sub3A_109, %dma_start3A_120] : memref<40x128xi32, #tpu.memory_space<vmem>> -> memref<1x128xi32, #tpu.memory_space<vmem>>
        %dma_start3A_122 = tpu.memref_squeeze %dma_start3A_121 : memref<1x128xi32, #tpu.memory_space<vmem>> -> memref<128xi32, #tpu.memory_space<vmem>>
        %dma_start3A_123 = arith.constant 0 : i32
        %dma_start3A_124 = arith.constant 0 : i32
        %dma_start3A_125 = tpu.memref_slice %arg12[%dma_start3A_123, %dma_start3A_124] : memref<10240x128xf32, #tpu.memory_space<vmem_shared>> -> memref<10240x128xf32, #tpu.memory_space<vmem_shared>>
        tpu.enqueue_indirect_dma source(%arg11 : memref<128x128xf32, #tpu.memory_space<vmem>>) target(%dma_start3A_125 : memref<10240x128xf32, #tpu.memory_space<vmem_shared>>) offsets(%dma_start3A_122 : memref<128xi32, #tpu.memory_space<vmem>>) semaphore(%run_scoped3A_119 : memref<!tpu.dma_semaphore, #tpu.memory_space<semaphore_mem>>) {add = true}
        %dma_wait3A_126 = arith.constant 0 : i32
        %dma_wait3A_127 = tpu.memref_slice %arg9[%sub3A_109, %dma_wait3A_126] : memref<40x128xi32, #tpu.memory_space<vmem>> -> memref<1x128xi32, #tpu.memory_space<vmem>>
        %dma_wait3A_128 = tpu.memref_squeeze %dma_wait3A_127 : memref<1x128xi32, #tpu.memory_space<vmem>> -> memref<128xi32, #tpu.memory_space<vmem>>
        %dma_wait3A_129 = arith.constant 0 : i32
        %dma_wait3A_130 = arith.constant 0 : i32
        %dma_wait3A_131 = tpu.memref_slice %arg12[%dma_wait3A_129, %dma_wait3A_130] : memref<10240x128xf32, #tpu.memory_space<vmem_shared>> -> memref<10240x128xf32, #tpu.memory_space<vmem_shared>>
        tpu.wait_indirect_dma semaphore(%run_scoped3A_119 : memref<!tpu.dma_semaphore, #tpu.memory_space<semaphore_mem>>) src(%arg11 : memref<128x128xf32, #tpu.memory_space<vmem>>) dst(%dma_wait3A_131 : memref<10240x128xf32, #tpu.memory_space<vmem_shared>>)
        tpu.yield
      }) : () -> ()
      %add3A_110 = arith.constant 3 : i32
      %add3A_111 = arith.addi %mul3A_82, %add3A_110 : i32
      %dma_start3A_112 = arith.constant 0 : i32
      %dma_start3A_113 = tpu.memref_slice %arg8[%add3A_111, %dma_start3A_112] : memref<80x128xi32, #tpu.memory_space<vmem>> -> memref<1x128xi32, #tpu.memory_space<vmem>>
      %dma_start3A_114 = tpu.memref_squeeze %dma_start3A_113 : memref<1x128xi32, #tpu.memory_space<vmem>> -> memref<128xi32, #tpu.memory_space<vmem>>
      %dma_start3A_115 = arith.constant 0 : i32
      %dma_start3A_116 = arith.constant 0 : i32
      %dma_start3A_117 = tpu.memref_slice %arg2[%dma_start3A_115, %dma_start3A_116] : memref<10240x128xf32, #tpu.memory_space<hbm>> -> memref<10240x128xf32, #tpu.memory_space<hbm>>
      tpu.enqueue_indirect_dma source(%dma_start3A_117 : memref<10240x128xf32, #tpu.memory_space<hbm>>) target(%arg11 : memref<128x128xf32, #tpu.memory_space<vmem>>) offsets(%dma_start3A_114 : memref<128xi32, #tpu.memory_space<vmem>>) semaphore(%arg14 : memref<!tpu.dma_semaphore, #tpu.memory_space<semaphore_mem>>)
      %scan3A_118 = arith.constant 0 : i32
      scf.yield %scan3A_118 : i32
    }
    %scan3A_55 = arith.constant 19 : i32
    %dma_wait3A_56 = arith.constant 78 : i32
    %dma_wait3A_57 = arith.constant 0 : i32
    %dma_wait3A_58 = tpu.memref_slice %arg8[%dma_wait3A_56, %dma_wait3A_57] : memref<80x128xi32, #tpu.memory_space<vmem>> -> memref<1x128xi32, #tpu.memory_space<vmem>>
    %dma_wait3A_59 = tpu.memref_squeeze %dma_wait3A_58 : memref<1x128xi32, #tpu.memory_space<vmem>> -> memref<128xi32, #tpu.memory_space<vmem>>
    %dma_wait3A_60 = arith.constant 0 : i32
    %dma_wait3A_61 = arith.constant 0 : i32
    %dma_wait3A_62 = tpu.memref_slice %arg2[%dma_wait3A_60, %dma_wait3A_61] : memref<10240x128xf32, #tpu.memory_space<hbm>> -> memref<10240x128xf32, #tpu.memory_space<hbm>>
    tpu.wait_indirect_dma semaphore(%arg13 : memref<!tpu.dma_semaphore, #tpu.memory_space<semaphore_mem>>) src(%dma_wait3A_62 : memref<10240x128xf32, #tpu.memory_space<hbm>>) dst(%arg10 : memref<128x128xf32, #tpu.memory_space<vmem>>)
    %run_scoped3A = arith.constant 38 : i32
    "tpu.region"() ({
      %run_scoped3A_79 = tpu.sem_alloc : memref<!tpu.dma_semaphore, #tpu.memory_space<semaphore_mem>>
      %dma_start3A_80 = arith.constant 0 : i32
      %dma_start3A_81 = tpu.memref_slice %arg9[%run_scoped3A, %dma_start3A_80] : memref<40x128xi32, #tpu.memory_space<vmem>> -> memref<1x128xi32, #tpu.memory_space<vmem>>
      %dma_start3A_82 = tpu.memref_squeeze %dma_start3A_81 : memref<1x128xi32, #tpu.memory_space<vmem>> -> memref<128xi32, #tpu.memory_space<vmem>>
      %dma_start3A_83 = arith.constant 0 : i32
      %dma_start3A_84 = arith.constant 0 : i32
      %dma_start3A_85 = tpu.memref_slice %arg12[%dma_start3A_83, %dma_start3A_84] : memref<10240x128xf32, #tpu.memory_space<vmem_shared>> -> memref<10240x128xf32, #tpu.memory_space<vmem_shared>>
      tpu.enqueue_indirect_dma source(%arg10 : memref<128x128xf32, #tpu.memory_space<vmem>>) target(%dma_start3A_85 : memref<10240x128xf32, #tpu.memory_space<vmem_shared>>) offsets(%dma_start3A_82 : memref<128xi32, #tpu.memory_space<vmem>>) semaphore(%run_scoped3A_79 : memref<!tpu.dma_semaphore, #tpu.memory_space<semaphore_mem>>) {add = true}
      %dma_wait3A_86 = arith.constant 0 : i32
      %dma_wait3A_87 = tpu.memref_slice %arg9[%run_scoped3A, %dma_wait3A_86] : memref<40x128xi32, #tpu.memory_space<vmem>> -> memref<1x128xi32, #tpu.memory_space<vmem>>
      %dma_wait3A_88 = tpu.memref_squeeze %dma_wait3A_87 : memref<1x128xi32, #tpu.memory_space<vmem>> -> memref<128xi32, #tpu.memory_space<vmem>>
      %dma_wait3A_89 = arith.constant 0 : i32
      %dma_wait3A_90 = arith.constant 0 : i32
      %dma_wait3A_91 = tpu.memref_slice %arg12[%dma_wait3A_89, %dma_wait3A_90] : memref<10240x128xf32, #tpu.memory_space<vmem_shared>> -> memref<10240x128xf32, #tpu.memory_space<vmem_shared>>
      tpu.wait_indirect_dma semaphore(%run_scoped3A_79 : memref<!tpu.dma_semaphore, #tpu.memory_space<semaphore_mem>>) src(%arg10 : memref<128x128xf32, #tpu.memory_space<vmem>>) dst(%dma_wait3A_91 : memref<10240x128xf32, #tpu.memory_space<vmem_shared>>)
      tpu.yield
    }) : () -> ()
    %dma_wait3A_63 = arith.constant 79 : i32
    %dma_wait3A_64 = arith.constant 0 : i32
    %dma_wait3A_65 = tpu.memref_slice %arg8[%dma_wait3A_63, %dma_wait3A_64] : memref<80x128xi32, #tpu.memory_space<vmem>> -> memref<1x128xi32, #tpu.memory_space<vmem>>
    %dma_wait3A_66 = tpu.memref_squeeze %dma_wait3A_65 : memref<1x128xi32, #tpu.memory_space<vmem>> -> memref<128xi32, #tpu.memory_space<vmem>>
    %dma_wait3A_67 = arith.constant 0 : i32
    %dma_wait3A_68 = arith.constant 0 : i32
    %dma_wait3A_69 = tpu.memref_slice %arg2[%dma_wait3A_67, %dma_wait3A_68] : memref<10240x128xf32, #tpu.memory_space<hbm>> -> memref<10240x128xf32, #tpu.memory_space<hbm>>
    tpu.wait_indirect_dma semaphore(%arg14 : memref<!tpu.dma_semaphore, #tpu.memory_space<semaphore_mem>>) src(%dma_wait3A_69 : memref<10240x128xf32, #tpu.memory_space<hbm>>) dst(%arg11 : memref<128x128xf32, #tpu.memory_space<vmem>>)
    %run_scoped3A_70 = arith.constant 39 : i32
    "tpu.region"() ({
      %run_scoped3A_79 = tpu.sem_alloc : memref<!tpu.dma_semaphore, #tpu.memory_space<semaphore_mem>>
      %dma_start3A_80 = arith.constant 0 : i32
      %dma_start3A_81 = tpu.memref_slice %arg9[%run_scoped3A_70, %dma_start3A_80] : memref<40x128xi32, #tpu.memory_space<vmem>> -> memref<1x128xi32, #tpu.memory_space<vmem>>
      %dma_start3A_82 = tpu.memref_squeeze %dma_start3A_81 : memref<1x128xi32, #tpu.memory_space<vmem>> -> memref<128xi32, #tpu.memory_space<vmem>>
      %dma_start3A_83 = arith.constant 0 : i32
      %dma_start3A_84 = arith.constant 0 : i32
      %dma_start3A_85 = tpu.memref_slice %arg12[%dma_start3A_83, %dma_start3A_84] : memref<10240x128xf32, #tpu.memory_space<vmem_shared>> -> memref<10240x128xf32, #tpu.memory_space<vmem_shared>>
      tpu.enqueue_indirect_dma source(%arg11 : memref<128x128xf32, #tpu.memory_space<vmem>>) target(%dma_start3A_85 : memref<10240x128xf32, #tpu.memory_space<vmem_shared>>) offsets(%dma_start3A_82 : memref<128xi32, #tpu.memory_space<vmem>>) semaphore(%run_scoped3A_79 : memref<!tpu.dma_semaphore, #tpu.memory_space<semaphore_mem>>) {add = true}
      %dma_wait3A_86 = arith.constant 0 : i32
      %dma_wait3A_87 = tpu.memref_slice %arg9[%run_scoped3A_70, %dma_wait3A_86] : memref<40x128xi32, #tpu.memory_space<vmem>> -> memref<1x128xi32, #tpu.memory_space<vmem>>
      %dma_wait3A_88 = tpu.memref_squeeze %dma_wait3A_87 : memref<1x128xi32, #tpu.memory_space<vmem>> -> memref<128xi32, #tpu.memory_space<vmem>>
      %dma_wait3A_89 = arith.constant 0 : i32
      %dma_wait3A_90 = arith.constant 0 : i32
      %dma_wait3A_91 = tpu.memref_slice %arg12[%dma_wait3A_89, %dma_wait3A_90] : memref<10240x128xf32, #tpu.memory_space<vmem_shared>> -> memref<10240x128xf32, #tpu.memory_space<vmem_shared>>
      tpu.wait_indirect_dma semaphore(%run_scoped3A_79 : memref<!tpu.dma_semaphore, #tpu.memory_space<semaphore_mem>>) src(%arg11 : memref<128x128xf32, #tpu.memory_space<vmem>>) dst(%dma_wait3A_91 : memref<10240x128xf32, #tpu.memory_space<vmem_shared>>)
      tpu.yield
    }) : () -> ()
    %barrier3A_71 = arith.constant 0 : index
    tpu.barrier barrier_id(%barrier3A_71)
    %eq3A = arith.constant 0 : i32
    %eq3A_72 = arith.cmpi eq, %arg0, %eq3A : i32
    %convert_element_type3A = arith.extui %eq3A_72 : i1 to i32
    %cond3A = arith.constant 0 : i32
    %cond3A_73 = arith.cmpi ne, %convert_element_type3A, %cond3A : i32
    scf.if %cond3A_73 {
      "tpu.region"() ({
        %run_scoped3A_79 = tpu.sem_alloc : memref<!tpu.dma_semaphore, #tpu.memory_space<semaphore_mem>>
        %dma_start3A_80 = arith.constant 0 : i32
        %dma_start3A_81 = tpu.memref_slice %arg6[%mul3A_2, %dma_start3A_80] : memref<10240x128xf32, #tpu.memory_space<hbm>> -> memref<640x128xf32, #tpu.memory_space<hbm>>
        %dma_start3A_82 = arith.constant 0 : i32
        %dma_start3A_83 = tpu.memref_slice %arg12[%mul3A_2, %dma_start3A_82] : memref<10240x128xf32, #tpu.memory_space<vmem_shared>> -> memref<640x128xf32, #tpu.memory_space<vmem_shared>>
        tpu.enqueue_dma source(%dma_start3A_83 : memref<640x128xf32, #tpu.memory_space<vmem_shared>>) target(%dma_start3A_81 : memref<640x128xf32, #tpu.memory_space<hbm>>) target_semaphore(%run_scoped3A_79 : memref<!tpu.dma_semaphore, #tpu.memory_space<semaphore_mem>>)
        %dma_wait3A_84 = arith.constant 0 : i32
        %dma_wait3A_85 = tpu.memref_slice %arg6[%mul3A_2, %dma_wait3A_84] : memref<10240x128xf32, #tpu.memory_space<hbm>> -> memref<640x128xf32, #tpu.memory_space<hbm>>
        %dma_wait3A_86 = arith.constant 0 : i32
        %dma_wait3A_87 = tpu.memref_slice %arg12[%mul3A_2, %dma_wait3A_86] : memref<10240x128xf32, #tpu.memory_space<vmem_shared>> -> memref<640x128xf32, #tpu.memory_space<vmem_shared>>
        tpu.wait_dma2 semaphore(%run_scoped3A_79 : memref<!tpu.dma_semaphore, #tpu.memory_space<semaphore_mem>>) src(%dma_wait3A_87 : memref<640x128xf32, #tpu.memory_space<vmem_shared>>) dst(%dma_wait3A_85 : memref<640x128xf32, #tpu.memory_space<hbm>>)
        tpu.yield
      }) : () -> ()
    } else {
    }
    %eq3A_74 = arith.constant 1 : i32
    %eq3A_75 = arith.cmpi eq, %arg0, %eq3A_74 : i32
    %convert_element_type3A_76 = arith.extui %eq3A_75 : i1 to i32
    %cond3A_77 = arith.constant 0 : i32
    %cond3A_78 = arith.cmpi ne, %convert_element_type3A_76, %cond3A_77 : i32
    scf.if %cond3A_78 {
      "tpu.region"() ({
        %run_scoped3A_79 = tpu.sem_alloc : memref<!tpu.dma_semaphore, #tpu.memory_space<semaphore_mem>>
        %dma_start3A_80 = arith.constant 0 : i32
        %dma_start3A_81 = tpu.memref_slice %arg7[%mul3A_2, %dma_start3A_80] : memref<10240x128xf32, #tpu.memory_space<hbm>> -> memref<640x128xf32, #tpu.memory_space<hbm>>
        %dma_start3A_82 = arith.constant 0 : i32
        %dma_start3A_83 = tpu.memref_slice %arg12[%mul3A_2, %dma_start3A_82] : memref<10240x128xf32, #tpu.memory_space<vmem_shared>> -> memref<640x128xf32, #tpu.memory_space<vmem_shared>>
        tpu.enqueue_dma source(%dma_start3A_83 : memref<640x128xf32, #tpu.memory_space<vmem_shared>>) target(%dma_start3A_81 : memref<640x128xf32, #tpu.memory_space<hbm>>) target_semaphore(%run_scoped3A_79 : memref<!tpu.dma_semaphore, #tpu.memory_space<semaphore_mem>>)
        %dma_wait3A_84 = arith.constant 0 : i32
        %dma_wait3A_85 = tpu.memref_slice %arg7[%mul3A_2, %dma_wait3A_84] : memref<10240x128xf32, #tpu.memory_space<hbm>> -> memref<640x128xf32, #tpu.memory_space<hbm>>
        %dma_wait3A_86 = arith.constant 0 : i32
        %dma_wait3A_87 = tpu.memref_slice %arg12[%mul3A_2, %dma_wait3A_86] : memref<10240x128xf32, #tpu.memory_space<vmem_shared>> -> memref<640x128xf32, #tpu.memory_space<vmem_shared>>
        tpu.wait_dma2 semaphore(%run_scoped3A_79 : memref<!tpu.dma_semaphore, #tpu.memory_space<semaphore_mem>>) src(%dma_wait3A_87 : memref<640x128xf32, #tpu.memory_space<vmem_shared>>) dst(%dma_wait3A_85 : memref<640x128xf32, #tpu.memory_space<hbm>>)
        tpu.yield
      }) : () -> ()
    } else {
    }
    return
  }
}

module attributes {stable_mosaic.version = 14 : i64} {
  func.func @_tc_first_body(%arg0: i32, %arg1: memref<640x128xf32, #tpu.memory_space<vmem>>, %arg2: memref<128x128xf32, #tpu.memory_space<vmem>>, %arg3: memref<640x2xf32, #tpu.memory_space<vmem>>, %arg4: memref<640x128xf32, #tpu.memory_space<vmem>>) attributes {dimension_semantics = [#tpu.dimension_semantics<arbitrary>], iteration_bounds = array<i64: 16>, scalar_prefetch = 0 : i64, scratch_operands = 0 : i64, tpu.core_type = #tpu.core_type<tc>, window_params = [{transform_indices = @transform_0, window_bounds = array<i64: 640, 128>}, {pipeline_mode = #tpu.pipeline_mode<synchronous>, transform_indices = @transform_1, window_bounds = array<i64: 128, 128>}, {transform_indices = @transform_2, window_bounds = array<i64: 640, 2>}, {transform_indices = @transform_3, window_bounds = array<i64: 640, 128>}]} {
    %get3A = arith.constant 0 : index
    %get3A_0 = arith.constant 0 : index
    %get3A_1 = vector.load %arg3[%get3A, %get3A_0] : memref<640x2xf32, #tpu.memory_space<vmem>>, vector<640x1xf32>
    %get3A_2 = arith.constant 0 : index
    %get3A_3 = arith.constant 1 : index
    %get3A_4 = vector.load %arg3[%get3A_2, %get3A_3] : memref<640x2xf32, #tpu.memory_space<vmem>>, vector<640x1xf32>
    %add3A = arith.addf %get3A_1, %get3A_4 : vector<640x1xf32>
    %add3A_5 = arith.constant 1.000000e+00 : f32
    %add3A_6 = vector.broadcast %add3A_5 : f32 to vector<640x1xf32>
    %add3A_7 = arith.addf %add3A, %add3A_6 : vector<640x1xf32>
    %rsqrt3A = math.rsqrt %add3A_7 : vector<640x1xf32>
    %get3A_8 = arith.constant 0 : index
    %get3A_9 = arith.constant 0 : index
    %get3A_10 = vector.load %arg1[%get3A_8, %get3A_9] : memref<640x128xf32, #tpu.memory_space<vmem>>, vector<640x128xf32>
    %get3A_11 = arith.constant 0 : index
    %get3A_12 = arith.constant 0 : index
    %get3A_13 = vector.load %arg2[%get3A_11, %get3A_12] : memref<128x128xf32, #tpu.memory_space<vmem>>, vector<128x128xf32>
    %dot_general3A = arith.constant dense<0.000000e+00> : vector<640x128xf32>
    %dot_general3A_14 = tpu.matmul %get3A_10, %get3A_13, %dot_general3A {dimension_numbers = #tpu.dot_dimension_numbers<[1], [0], [0], [1], [0, 0, 1, 1], [], []>, transpose_lhs_hint = false} : vector<640x128xf32>, vector<128x128xf32>, vector<640x128xf32> -> vector<640x128xf32>
    %mul3A = vector.broadcast %rsqrt3A : vector<640x1xf32> to vector<640x128xf32>
    %mul3A_15 = arith.mulf %dot_general3A_14, %mul3A : vector<640x128xf32>
    %mul3A_16 = arith.constant 640 : i32
    %mul3A_17 = arith.muli %arg0, %mul3A_16 : i32
    %iota3A = tpu.iota {dimensions = array<i32: 0>} : vector<640x1xi32>
    %add3A_18 = vector.broadcast %mul3A_17 : i32 to vector<640x1xi32>
    %add3A_19 = arith.addi %add3A_18, %iota3A : vector<640x1xi32>
    %lt3A = arith.constant 10000 : i32
    %lt3A_20 = vector.broadcast %lt3A : i32 to vector<640x1xi32>
    %lt3A_21 = arith.cmpi slt, %add3A_19, %lt3A_20 : vector<640x1xi32>
    %jit3A = arith.constant 0.000000e+00 : f32
    %broadcast_in_dim3A = vector.shape_cast %lt3A_21 : vector<640x1xi1> to vector<640x1xi1>
    %broadcast_in_dim3A_22 = vector.broadcast %broadcast_in_dim3A : vector<640x1xi1> to vector<640x128xi1>
    %broadcast_in_dim3A_23 = vector.broadcast %jit3A : f32 to vector<640x128xf32>
    %select_n3A = arith.select %broadcast_in_dim3A_22, %mul3A_15, %broadcast_in_dim3A_23 : vector<640x128xi1>, vector<640x128xf32>
    %swap3A = arith.constant 0 : index
    %swap3A_24 = arith.constant 0 : index
    %swap3A_25 = vector.load %arg4[%swap3A, %swap3A_24] : memref<640x128xf32, #tpu.memory_space<vmem>>, vector<640x128xf32>
    tpu.vector_store %arg4[%swap3A, %swap3A_24], %select_n3A {strides = array<i32>} : memref<640x128xf32, #tpu.memory_space<vmem>>, vector<640x128xf32>,
    return
  }
  func.func @transform_0(%arg0: i32) -> (i32, i32) {
    %c0_i32 = arith.constant 0 : i32
    %c0_i32_0 = arith.constant 0 : i32
    return %arg0, %c0_i32 : i32, i32
  }
  func.func @transform_1(%arg0: i32) -> (i32, i32) {
    %c0_i32 = arith.constant 0 : i32
    %c0_i32_0 = arith.constant 0 : i32
    %c0_i32_1 = arith.constant 0 : i32
    return %c0_i32, %c0_i32_0 : i32, i32
  }
  func.func @transform_2(%arg0: i32) -> (i32, i32) {
    %c0_i32 = arith.constant 0 : i32
    %c0_i32_0 = arith.constant 0 : i32
    return %arg0, %c0_i32 : i32, i32
  }
  func.func @transform_3(%arg0: i32) -> (i32, i32) {
    %c0_i32 = arith.constant 0 : i32
    %c0_i32_0 = arith.constant 0 : i32
    return %arg0, %c0_i32 : i32, i32
  }
}

module attributes {stable_mosaic.version = 14 : i64} {
  func.func @_tc_mid_body(%arg0: i32, %arg1: memref<640x128xf32, #tpu.memory_space<vmem>>, %arg2: memref<640x128xf32, #tpu.memory_space<vmem>>, %arg3: memref<640x128xf32, #tpu.memory_space<vmem>>, %arg4: memref<640x2xf32, #tpu.memory_space<vmem>>, %arg5: memref<1x128xf32, #tpu.memory_space<vmem>>, %arg6: memref<128x128xf32, #tpu.memory_space<vmem>>, %arg7: memref<640x128xf32, #tpu.memory_space<vmem>>) attributes {dimension_semantics = [#tpu.dimension_semantics<arbitrary>], iteration_bounds = array<i64: 16>, scalar_prefetch = 0 : i64, scratch_operands = 0 : i64, tpu.core_type = #tpu.core_type<tc>, window_params = [{transform_indices = @transform_0, window_bounds = array<i64: 640, 128>}, {transform_indices = @transform_1, window_bounds = array<i64: 640, 128>}, {transform_indices = @transform_2, window_bounds = array<i64: 640, 128>}, {transform_indices = @transform_3, window_bounds = array<i64: 640, 2>}, {pipeline_mode = #tpu.pipeline_mode<synchronous>, transform_indices = @transform_4, window_bounds = array<i64: 1, 128>}, {pipeline_mode = #tpu.pipeline_mode<synchronous>, transform_indices = @transform_5, window_bounds = array<i64: 128, 128>}, {transform_indices = @transform_6, window_bounds = array<i64: 640, 128>}]} {
    %get3A = arith.constant 0 : index
    %get3A_0 = arith.constant 0 : index
    %get3A_1 = vector.load %arg4[%get3A, %get3A_0] : memref<640x2xf32, #tpu.memory_space<vmem>>, vector<640x1xf32>
    %get3A_2 = arith.constant 0 : index
    %get3A_3 = arith.constant 1 : index
    %get3A_4 = vector.load %arg4[%get3A_2, %get3A_3] : memref<640x2xf32, #tpu.memory_space<vmem>>, vector<640x1xf32>
    %add3A = arith.addf %get3A_1, %get3A_4 : vector<640x1xf32>
    %add3A_5 = arith.constant 1.000000e+00 : f32
    %add3A_6 = vector.broadcast %add3A_5 : f32 to vector<640x1xf32>
    %add3A_7 = arith.addf %add3A, %add3A_6 : vector<640x1xf32>
    %rsqrt3A = math.rsqrt %add3A_7 : vector<640x1xf32>
    %get3A_8 = arith.constant 0 : index
    %get3A_9 = arith.constant 0 : index
    %get3A_10 = vector.load %arg2[%get3A_8, %get3A_9] : memref<640x128xf32, #tpu.memory_space<vmem>>, vector<640x128xf32>
    %get3A_11 = arith.constant 0 : index
    %get3A_12 = arith.constant 0 : index
    %get3A_13 = vector.load %arg3[%get3A_11, %get3A_12] : memref<640x128xf32, #tpu.memory_space<vmem>>, vector<640x128xf32>
    %add3A_14 = arith.addf %get3A_10, %get3A_13 : vector<640x128xf32>
    %get3A_15 = arith.constant 0 : index
    %get3A_16 = arith.constant 0 : index
    %get3A_17 = vector.load %arg1[%get3A_15, %get3A_16] : memref<640x128xf32, #tpu.memory_space<vmem>>, vector<640x128xf32>
    %add3A_18 = arith.addf %add3A_14, %get3A_17 : vector<640x128xf32>
    %mul3A = vector.broadcast %rsqrt3A : vector<640x1xf32> to vector<640x128xf32>
    %mul3A_19 = arith.mulf %add3A_18, %mul3A : vector<640x128xf32>
    %get3A_20 = arith.constant 0 : index
    %get3A_21 = arith.constant 0 : index
    %get3A_22 = vector.load %arg5[%get3A_20, %get3A_21] : memref<1x128xf32, #tpu.memory_space<vmem>>, vector<1x128xf32>
    %add3A_23 = vector.broadcast %get3A_22 : vector<1x128xf32> to vector<640x128xf32>
    %add3A_24 = arith.addf %mul3A_19, %add3A_23 : vector<640x128xf32>
    %max3A = arith.constant 0.000000e+00 : f32
    %max3A_25 = vector.broadcast %max3A : f32 to vector<640x128xf32>
    %max3A_26 = arith.maximumf %add3A_24, %max3A_25 : vector<640x128xf32>
    %get3A_27 = arith.constant 0 : index
    %get3A_28 = arith.constant 0 : index
    %get3A_29 = vector.load %arg6[%get3A_27, %get3A_28] : memref<128x128xf32, #tpu.memory_space<vmem>>, vector<128x128xf32>
    %dot_general3A = arith.constant dense<0.000000e+00> : vector<640x128xf32>
    %dot_general3A_30 = tpu.matmul %max3A_26, %get3A_29, %dot_general3A {dimension_numbers = #tpu.dot_dimension_numbers<[1], [0], [0], [1], [0, 0, 1, 1], [], []>, transpose_lhs_hint = false} : vector<640x128xf32>, vector<128x128xf32>, vector<640x128xf32> -> vector<640x128xf32>
    %mul3A_31 = vector.broadcast %rsqrt3A : vector<640x1xf32> to vector<640x128xf32>
    %mul3A_32 = arith.mulf %dot_general3A_30, %mul3A_31 : vector<640x128xf32>
    %mul3A_33 = arith.constant 640 : i32
    %mul3A_34 = arith.muli %arg0, %mul3A_33 : i32
    %iota3A = tpu.iota {dimensions = array<i32: 0>} : vector<640x1xi32>
    %add3A_35 = vector.broadcast %mul3A_34 : i32 to vector<640x1xi32>
    %add3A_36 = arith.addi %add3A_35, %iota3A : vector<640x1xi32>
    %lt3A = arith.constant 10000 : i32
    %lt3A_37 = vector.broadcast %lt3A : i32 to vector<640x1xi32>
    %lt3A_38 = arith.cmpi slt, %add3A_36, %lt3A_37 : vector<640x1xi32>
    %jit3A = arith.constant 0.000000e+00 : f32
    %broadcast_in_dim3A = vector.shape_cast %lt3A_38 : vector<640x1xi1> to vector<640x1xi1>
    %broadcast_in_dim3A_39 = vector.broadcast %broadcast_in_dim3A : vector<640x1xi1> to vector<640x128xi1>
    %broadcast_in_dim3A_40 = vector.broadcast %jit3A : f32 to vector<640x128xf32>
    %select_n3A = arith.select %broadcast_in_dim3A_39, %mul3A_32, %broadcast_in_dim3A_40 : vector<640x128xi1>, vector<640x128xf32>
    %swap3A = arith.constant 0 : index
    %swap3A_41 = arith.constant 0 : index
    %swap3A_42 = vector.load %arg7[%swap3A, %swap3A_41] : memref<640x128xf32, #tpu.memory_space<vmem>>, vector<640x128xf32>
    tpu.vector_store %arg7[%swap3A, %swap3A_41], %select_n3A {strides = array<i32>} : memref<640x128xf32, #tpu.memory_space<vmem>>, vector<640x128xf32>,
    return
  }
  func.func @transform_0(%arg0: i32) -> (i32, i32) {
    %c0_i32 = arith.constant 0 : i32
    %c0_i32_0 = arith.constant 0 : i32
    return %arg0, %c0_i32 : i32, i32
  }
  func.func @transform_1(%arg0: i32) -> (i32, i32) {
    %c0_i32 = arith.constant 0 : i32
    %c0_i32_0 = arith.constant 0 : i32
    return %arg0, %c0_i32 : i32, i32
  }
  func.func @transform_2(%arg0: i32) -> (i32, i32) {
    %c0_i32 = arith.constant 0 : i32
    %c0_i32_0 = arith.constant 0 : i32
    return %arg0, %c0_i32 : i32, i32
  }
  func.func @transform_3(%arg0: i32) -> (i32, i32) {
    %c0_i32 = arith.constant 0 : i32
    %c0_i32_0 = arith.constant 0 : i32
    return %arg0, %c0_i32 : i32, i32
  }
  func.func @transform_4(%arg0: i32) -> (i32, i32) {
    %c0_i32 = arith.constant 0 : i32
    %c0_i32_0 = arith.constant 0 : i32
    %c0_i32_1 = arith.constant 0 : i32
    return %c0_i32, %c0_i32_0 : i32, i32
  }
  func.func @transform_5(%arg0: i32) -> (i32, i32) {
    %c0_i32 = arith.constant 0 : i32
    %c0_i32_0 = arith.constant 0 : i32
    %c0_i32_1 = arith.constant 0 : i32
    return %c0_i32, %c0_i32_0 : i32, i32
  }
  func.func @transform_6(%arg0: i32) -> (i32, i32) {
    %c0_i32 = arith.constant 0 : i32
    %c0_i32_0 = arith.constant 0 : i32
    return %arg0, %c0_i32 : i32, i32
  }
}

module attributes {stable_mosaic.version = 14 : i64} {
  func.func @_tc_last_body(%arg0: i32, %arg1: memref<640x128xf32, #tpu.memory_space<vmem>>, %arg2: memref<640x128xf32, #tpu.memory_space<vmem>>, %arg3: memref<640x128xf32, #tpu.memory_space<vmem>>, %arg4: memref<640x2xf32, #tpu.memory_space<vmem>>, %arg5: memref<1x128xf32, #tpu.memory_space<vmem>>, %arg6: memref<640x128xf32, #tpu.memory_space<vmem>>) attributes {dimension_semantics = [#tpu.dimension_semantics<arbitrary>], iteration_bounds = array<i64: 16>, scalar_prefetch = 0 : i64, scratch_operands = 0 : i64, tpu.core_type = #tpu.core_type<tc>, window_params = [{transform_indices = @transform_0, window_bounds = array<i64: 640, 128>}, {transform_indices = @transform_1, window_bounds = array<i64: 640, 128>}, {transform_indices = @transform_2, window_bounds = array<i64: 640, 128>}, {transform_indices = @transform_3, window_bounds = array<i64: 640, 2>}, {pipeline_mode = #tpu.pipeline_mode<synchronous>, transform_indices = @transform_4, window_bounds = array<i64: 1, 128>}, {transform_indices = @transform_5, window_bounds = array<i64: 640, 128>}]} {
    %get3A = arith.constant 0 : index
    %get3A_0 = arith.constant 0 : index
    %get3A_1 = vector.load %arg4[%get3A, %get3A_0] : memref<640x2xf32, #tpu.memory_space<vmem>>, vector<640x1xf32>
    %get3A_2 = arith.constant 0 : index
    %get3A_3 = arith.constant 1 : index
    %get3A_4 = vector.load %arg4[%get3A_2, %get3A_3] : memref<640x2xf32, #tpu.memory_space<vmem>>, vector<640x1xf32>
    %add3A = arith.addf %get3A_1, %get3A_4 : vector<640x1xf32>
    %add3A_5 = arith.constant 1.000000e+00 : f32
    %add3A_6 = vector.broadcast %add3A_5 : f32 to vector<640x1xf32>
    %add3A_7 = arith.addf %add3A, %add3A_6 : vector<640x1xf32>
    %rsqrt3A = math.rsqrt %add3A_7 : vector<640x1xf32>
    %get3A_8 = arith.constant 0 : index
    %get3A_9 = arith.constant 0 : index
    %get3A_10 = vector.load %arg2[%get3A_8, %get3A_9] : memref<640x128xf32, #tpu.memory_space<vmem>>, vector<640x128xf32>
    %get3A_11 = arith.constant 0 : index
    %get3A_12 = arith.constant 0 : index
    %get3A_13 = vector.load %arg3[%get3A_11, %get3A_12] : memref<640x128xf32, #tpu.memory_space<vmem>>, vector<640x128xf32>
    %add3A_14 = arith.addf %get3A_10, %get3A_13 : vector<640x128xf32>
    %get3A_15 = arith.constant 0 : index
    %get3A_16 = arith.constant 0 : index
    %get3A_17 = vector.load %arg1[%get3A_15, %get3A_16] : memref<640x128xf32, #tpu.memory_space<vmem>>, vector<640x128xf32>
    %add3A_18 = arith.addf %add3A_14, %get3A_17 : vector<640x128xf32>
    %mul3A = vector.broadcast %rsqrt3A : vector<640x1xf32> to vector<640x128xf32>
    %mul3A_19 = arith.mulf %add3A_18, %mul3A : vector<640x128xf32>
    %get3A_20 = arith.constant 0 : index
    %get3A_21 = arith.constant 0 : index
    %get3A_22 = vector.load %arg5[%get3A_20, %get3A_21] : memref<1x128xf32, #tpu.memory_space<vmem>>, vector<1x128xf32>
    %add3A_23 = vector.broadcast %get3A_22 : vector<1x128xf32> to vector<640x128xf32>
    %add3A_24 = arith.addf %mul3A_19, %add3A_23 : vector<640x128xf32>
    %swap3A = arith.constant 0 : index
    %swap3A_25 = arith.constant 0 : index
    %swap3A_26 = vector.load %arg6[%swap3A, %swap3A_25] : memref<640x128xf32, #tpu.memory_space<vmem>>, vector<640x128xf32>
    tpu.vector_store %arg6[%swap3A, %swap3A_25], %add3A_24 {strides = array<i32>} : memref<640x128xf32, #tpu.memory_space<vmem>>, vector<640x128xf32>,
    return
  }
  func.func @transform_0(%arg0: i32) -> (i32, i32) {
    %c0_i32 = arith.constant 0 : i32
    %c0_i32_0 = arith.constant 0 : i32
    return %arg0, %c0_i32 : i32, i32
  }
  func.func @transform_1(%arg0: i32) -> (i32, i32) {
    %c0_i32 = arith.constant 0 : i32
    %c0_i32_0 = arith.constant 0 : i32
    return %arg0, %c0_i32 : i32, i32
  }
  func.func @transform_2(%arg0: i32) -> (i32, i32) {
    %c0_i32 = arith.constant 0 : i32
    %c0_i32_0 = arith.constant 0 : i32
    return %arg0, %c0_i32 : i32, i32
  }
  func.func @transform_3(%arg0: i32) -> (i32, i32) {
    %c0_i32 = arith.constant 0 : i32
    %c0_i32_0 = arith.constant 0 : i32
    return %arg0, %c0_i32 : i32, i32
  }
  func.func @transform_4(%arg0: i32) -> (i32, i32) {
    %c0_i32 = arith.constant 0 : i32
    %c0_i32_0 = arith.constant 0 : i32
    %c0_i32_1 = arith.constant 0 : i32
    return %c0_i32, %c0_i32_0 : i32, i32
  }
  func.func @transform_5(%arg0: i32) -> (i32, i32) {
    %c0_i32 = arith.constant 0 : i32
    %c0_i32_0 = arith.constant 0 : i32
    return %arg0, %c0_i32 : i32, i32
  }
}

</mosaic_0001>

<sc_bundles>
// kernel: kernel.10.cloned.1.call-start
scs
__scs_entry_jumppad:
0x0: {  	(pc) =	sbr.rel $0x88, $3  }
0x1: {  	(tag) =	ssettag $0x0;
	lr =	simm.s32 $0x1  }
0x2: {  	[smem:$0x3F99] =	sst lr;
	_ =	strace $0xD0000000  }
0x3: {  	_ = 	snop  }
0x4: {  	_ = 	snop  }
0x5: {  	_ = 	snop  }
0x6: {  	_ = 	snop  }
0x7: {  	_ = 	snop  }
__scs_overlays_trampoline_lowered:
0x8: {  	[smem:$0x3FA8] =	sst s0  }
0x9: {  	[smem:$0x3FA9] =	sst s1  }
0xa: {  	[smem:$0x3FAA] =	sst s2  }
0xb: {  	[smem:$0x3FAB] =	sst s3  }
0xc: {  	[smem:$0x3FAC] =	sst s4  }
0xd: {  	[smem:$0x3FAD] =	sst s5  }
0xe: {  	[smem:$0x3FAE] =	sst s6  }
0xf: {  	[smem:$0x3FAF] =	sst s7  }
0x10: {  	[smem:$0x3FB0] =	sst s8  }
0x11: {  	[smem:$0x3FB1] =	sst s9;
	s0 =	simm.s32 @!p0 $0x0  }
0x12: {  	s1 =	sld [smem:$0x3F97];
	s0 =	simm.s32 @p0 $0x1  }
0x13: {  	[smem:$0x3FB2] =	sst s0;
	s0 =	simm.s32 @!p1 $0x0  }
0x14: {  	s2 =	sld [smem:$0x3F96];
	s0 =	simm.s32 @p1 $0x1  }
0x15: {  	[smem:$0x3FB3] =	sst s0;
	s0 =	simm.s32 @!p2 $0x0  }
0x16: {  	s3 =	sld [smem:$0x3FDB];
	s0 =	simm.s32 @p2 $0x1  }
0x17: {  	s4 =	simm.s32 $0x1BF5;
	[smem:$0x3FB5] =	sst s0  }
0x18: {  	s0 =	sld [smem:$0x3F98];
	_ =	swait.ge [sflag:s4], $0x0  }
0x19: {  	s7 =	sld [smem:$0x3F99]  }
0x1a: {  	s8 =	sadd.s32 $0xFFFFE003, lr  }
0x1b: {  	s9 =	sadd.s32 $0xFFFFFEF7, lr;
	s5 =	simm.s32 $0xFFFFFFFF;
	p2 =	slt.u32 s8, $0xFFFFF086  }
0x1c: {  	p1 =	slt.u32 s9, $0xF7A;
	s5 =	simm.s32 @!p2 $0x0  }
0x1d: {  	s5 =	simm.s32 @p1 $0x1;
	p0 =	seq.s32 s7, s2  }
0x1e: {  	s7 =	smul.u32 @!p0 $0xF7A, s2;
	p2 =	seq.s32 @!p0 s5, $0x0  }
0x1f: {  	s9 =	smul.u32 $0xF7A, s1;
	s8 =	simm.s32 @!p0 $0x1BF5;
	p2 =	por !p2, p0  }
0x20: {  	[sflag:s8] =	ssyncset.s32 @!p0 $0xFFFFF086;
	s6 =	sadd.s32 @!p0 s3, s7;
	s7 =	simm.s32 @!p0 $0x108  }
0x21: {  	s3 =	sadd.s32 s3, s9;
	s6 =	sadd.s32 @!p0 $0x88, s6;
	s7 =	simm.s32 @p2 $0x1082  }
0x22: {  	[simem:s7], [sflag:s8] =	dma.local @!p0 [hbm:s6], $0xF7A  }
0x23: {  	s9 =	sor.u32 $0xD0000000, s2;
	s6 =	simm.s32 $0x108;
	_ =	swait.ge @!p0 [sflag:s8], $0x0  }
0x24: {  	s3 =	sadd.s32 $0x88, s3;
	s6 =	simm.s32 @!p1 $0x1082;
	[sflag:s4] =	ssyncset.s32 $0xFFFFF086  }
0x25: {  	[simem:s6], [sflag:s4] =	dma.local [hbm:s3], $0xF7A  }
0x26: {  	[smem:$0x3F99] =	sst s1;
	(tag) =	ssettag s2;
	_ =	strace s9  }
0x27: {  	s1 =	sld [smem:$0x3FA9]  }
0x28: {  	s2 =	sld [smem:$0x3FAA]  }
0x29: {  	s4 =	sld [smem:$0x3FAC]  }
0x2a: {  	p0 =	seq.s32 s5, $0x0;
	s5 =	sld [smem:$0x3FAD]  }
0x2b: {  	s6 =	sld [smem:$0x3FAE]  }
0x2c: {  	s7 =	sld [smem:$0x3FAF]  }
0x2d: {  	s3 =	simm.s32 $0x108;
	s8 =	sld [smem:$0x3FB0]  }
0x2e: {  	s3 =	simm.s32 @!p0 $0x1082;
	s9 =	sld [smem:$0x3FB1]  }
0x2f: {  	lr =	sadd.s32 s0, s3;
	s0 =	sld [smem:$0x3FA8]  }
0x30: {  	s3 =	sld [smem:$0x3FAB]  }
0x31: {  	[smem:$0x3FB4] =	sst s10  }
0x32: {  	s10 =	sld [smem:$0x3FB2];
	_ =	sdelay $0x3  }
0x33: {  	p0 =	seq.s32 s10, $0x1;
	s10 =	sld [smem:$0x3FB4];
	_ =	sdelay $0x3  }
0x34: {  	[smem:$0x3FB4] =	sst s10  }
0x35: {  	s10 =	sld [smem:$0x3FB3];
	_ =	sdelay $0x3  }
0x36: {  	p1 =	seq.s32 s10, $0x1;
	s10 =	sld [smem:$0x3FB4];
	_ =	sdelay $0x3  }
0x37: {  	[smem:$0x3FB4] =	sst s10  }
0x38: {  	s10 =	sld [smem:$0x3FB5]  }
0x39: {  	_ = 	snop;
	(pc) =	sbr.ind lr, $3  }
0x3a: {  	_ = 	snop  }
0x3b: {  	_ = 	snop  }
0x3c: {  	p2 =	seq.s32 s10, $0x1;
	s10 =	sld [smem:$0x3FB4]  }
0x3d: {  	_ =	shalt  }
0x3e: {  	_ =	shalt  }
0x3f: {  	_ =	shalt  }
0x40: {  	_ =	shalt  }
0x41: {  	_ =	shalt  }
0x42: {  	_ =	shalt  }
0x43: {  	_ =	shalt  }
0x44: {  	_ =	shalt  }
0x45: {  	_ =	shalt  }
0x46: {  	_ =	shalt  }
0x47: {  	_ =	shalt  }
0x48: {  	_ =	shalt  }
0x49: {  	_ =	shalt  }
0x4a: {  	_ =	shalt  }
0x4b: {  	_ =	shalt  }
0x4c: {  	_ =	shalt  }
0x4d: {  	_ =	shalt  }
0x4e: {  	_ =	shalt  }
0x4f: {  	_ =	shalt  }
0x50: {  	_ =	shalt  }
0x51: {  	_ =	shalt  }
0x52: {  	_ =	shalt  }
0x53: {  	_ =	shalt  }
0x54: {  	_ =	shalt  }
0x55: {  	_ =	shalt  }
0x56: {  	_ =	shalt  }
0x57: {  	_ =	shalt  }
0x58: {  	_ =	shalt  }
0x59: {  	_ =	shalt  }
0x5a: {  	_ =	shalt  }
0x5b: {  	_ =	shalt  }
0x5c: {  	_ =	shalt  }
0x5d: {  	_ =	shalt  }
0x5e: {  	_ =	shalt  }
0x5f: {  	_ =	shalt  }
0x60: {  	_ =	shalt  }
0x61: {  	_ =	shalt  }
0x62: {  	_ =	shalt  }
0x63: {  	_ =	shalt  }
0x64: {  	_ =	shalt  }
0x65: {  	_ =	shalt  }
0x66: {  	_ =	shalt  }
0x67: {  	_ =	shalt  }
0x68: {  	_ =	shalt  }
0x69: {  	_ =	shalt  }
0x6a: {  	_ =	shalt  }
0x6b: {  	_ =	shalt  }
0x6c: {  	_ =	shalt  }
0x6d: {  	_ =	shalt  }
0x6e: {  	_ =	shalt  }
0x6f: {  	_ =	shalt  }
0x70: {  	_ =	shalt  }
0x71: {  	_ =	shalt  }
0x72: {  	_ =	shalt  }
0x73: {  	_ =	shalt  }
0x74: {  	_ =	shalt  }
0x75: {  	_ =	shalt  }
0x76: {  	_ =	shalt  }
0x77: {  	_ =	shalt  }
0x78: {  	_ =	shalt  }
0x79: {  	_ =	shalt  }
0x7a: {  	_ =	shalt  }
0x7b: {  	_ =	shalt  }
0x7c: {  	_ =	shalt  }
0x7d: {  	_ =	shalt  }
0x7e: {  	_ =	shalt  }
0x7f: {  	_ =	shalt  }
0x80: {  	_ =	shalt  }
0x81: {  	_ =	shalt  }
0x82: {  	_ =	shalt  }
0x83: {  	_ =	shalt  }
0x84: {  	_ =	shalt  }
0x85: {  	_ =	shalt  }
0x86: {  	_ =	shalt  }
0x87: {  	_ =	shalt  }
.Lfunc_end0:
.L_simem_size_0:
called_computation_lowered:
.L_overlay_start_0:
0x88: {  	s2 =	sld [smem:$0x3FD9]  }
0x89: {  	s3 =	sld [smem:$0x3FFE];
	_ =	sdelay $0x1  }
0x8a: {  	s1 =	srdreg.scid  }
0x8b: {  	s0 =	sand.u32 $0x1, s1  }
0x8c: {  	s16 =	sshll.u32 s0, $0xA;
	s2 =	sadd.s32 s3, s2  }
0x8d: {  	s2 =	sadd.s32 s2, s16  }
0x8e: {  	[smem:$0x3FC0] =	sst s2  }
0x8f: {  	_ = 	snop  }
0x90: {  	(tm) =	ssettm $0x1  }
0x91: {  	s17 =	sld [smem:$0x3FFB];
	_ =	sdelay $0x3  }
0x92: {  	_ =	strace s17  }
0x93: {  	s2 =	sld [smem:$0x3FFC];
	_ =	sdelay $0x3  }
0x94: {  	_ =	strace s2  }
0x95: {  	s2 =	sld [smem:$0x3FFD];
	_ =	sdelay $0x3  }
0x96: {  	_ =	strace s2  }
0x97: {  	_ =	strace $0x8FFFFFFF  }
0x98: {  	s18 =	sld [smem:$0x3FDB];
	_ =	sdelay $0x1  }
0x99: {  	s19 =	simm.s32 $_scs_section_size  }
0x9a: {  	s4 =	simm.s32 $_size__tile_overlayer_lowered;
	s5 =	simm.s32 $_tile_overlayer_lowered  }
0x9b: {  	s22 =	simm.s32 $0x1BFF;
	s21 =	sshll.u32 s5, $0x1;
	s2 =	sadd.s32 s19, s18  }
0x9c: {  	s6 =	simm.s32 $0x0;
	s20 =	sshll.u32 s4, $0x1;
	s4 =	sadd.s32 s21, s2  }
0x9d: {  	[timem:s6], [sflag:s22] =	dma.local [hbm:s4], s20  }
0x9e: {  	_ =	swait.ge [sflag:s22], s20  }
0x9f: {  	s3 =	ssub.s32 $0x0, s20;
	[sflag:s22] =	ssyncset.done $0x0  }
0xa0: {  	[sflag:s22] =	ssyncadd.s32 s3;
	_ =	sdelay $0x1  }
0xa1: {  	s23 =	simm.s32 $0x1B8B  }
0xa2: {  	_ =	swait.ge [sflag:s23], $0x1  }
0xa3: {  	[sflag:s23] =	ssyncset.done $0x0  }
0xa4: {  	s25 =	simm.s32 $0x1B8E;
	s24 =	sld [smem:$0x3FFE];
	[sflag:s23] =	ssyncadd.s32 $0xFFFFFFFF  }
0xa5: {  	s26 =	simm.s32 $execute0_lowered;
	[smem:$0x3FD2] =	sst s25  }
0xa6: {  	s4 =	sshll.u32 s26, $0x1;
	_ =	strace $0x80000046;
	[dreg:$0x1] =	wrdreg $0xFFFFFFFF  }
0xa7: {  	s28 =	simm.s32 $_size_execute0_lowered;
	s2 =	sadd.s32 s2, s4;
	[dreg:$0x0] =	wrdreg $0x0  }
0xa8: {  	s4 =	sshll.u32 s28, $0x1;
	[dreg:$0x2] =	wrdreg s2  }
0xa9: {  	[dreg:$0x3] =	wrdreg s4  }
0xaa: {  	[dreg:$0x4] =	wrdreg $0xC0  }
0xab: {  	_ =	task [dreg:s6], $0x5FFFF  }
0xac: {  	[dreg:$0x1] =	wrdreg $0xFFFFFFFF  }
0xad: {  	[dreg:$0x0] =	wrdreg $0x60  }
0xae: {  	[dreg:$0x2] =	wrdreg s24  }
0xaf: {  	[dreg:$0x3] =	wrdreg $0x68000  }
0xb0: {  	[dreg:$0x4] =	wrdreg $0x9  }
0xb1: {  	_ =	task.clear_ibuf [dreg:s6], $0x5FFFF;
	_ =	strace $0x90000046  }
0xb2: {  	s29 =	simm.s32 $0x9;
	_ =	strace $0x80000048  }
0xb3: {  	_ =	swait.ge [sflag:s29], $0x1  }
0xb4: {  	[sflag:s29] =	ssyncadd.s32 $0xFFFFFFFF  }
0xb5: {  	_ =	strace $0x90000048  }
0xb6: {  	_ =	sfence  }
0xb7: {  	s30 =	sld [smem:$0x0];
	_ =	sdelay $0x2  }
0xb8: {  	s31 =	sshll.u32 s1, $0xD;
	s1 =	sshrl.u32 s1, $0x2  }
0xb9: {  	s3 =	sand.u32 $0x4000, s31;
	s1 =	sadd.s32 s1, s30  }
0xba: {  	s0 =	sor.u32 s3, s0;
	s1 =	sshll.u32 s1, $0x11  }
0xbb: {  	s0 =	sor.u32 s1, s0  }
0xbc: {  	s0 =	sadd.s32 $0x8F2B, s0  }
0xbd: {  	[sflag:s0] =	ssyncadd.remote.s32 $0x1  }
0xbe: {  	_ =	sfence.sel $0xFFFF  }
0xbf: {  	[dreg:$0x0] =	wrdreg $0xFFFFFFFF;
	(pc) =	sbr.abs _section_cstart, $3  }
0xc0: {  	[dreg:$0x1] =	wrdreg $0xFFFFFFFF  }
0xc1: {  	_ =	task.clear_ibuf [dreg:s6], $0x2FFFF;
	_ =	strace $0x9FFFFFFF  }
0xc2: {  	(tm) =	ssettm $0x7FFFFFFF  }
0xc3: {  	_ =	shalt  }
tec
execute0_lowered:
.L_overlay_start_1:
0x0: {  	(tag) =	ssettag $0x1  }
0x1: {  	s6 =	rddreg [dreg:$0x0]  }
0x2: {  	s0 =	srdreg.scid;
	s2 =	rddreg [dreg:$0x1];
	s3 =	simm.s32 $0x0  }
0x3: {  	s11 =	simm.s32 $0x80;
	s5 =	sand.u32 $0x1, s0;
	s0 =	stileid.u32  }
0x4: {  	s12 =	simm.s32 $0x2800;
	s13 =	simm.s32 $0x0;
	s7 =	smul.u32 $0x2800, s0  }
0x5: {  	[smem:$0x7FF] =	sst s3;
	s1 =	sshll.u32 s5, $0x4;
	s8 =	smul.u32 $0x28000, s5  }
0x6: {  	s10 =	smul.u32 $0x50000, s0;
	s5 =	ssub.s32 $0x2, s5;
	s1 =	sor.u32 s0, s1  }
0x7: {  	s31 =	sshll.u32 s0, $0x6;
	s29 =	sshrl.u32 s5, $0x1;
	s4 =	smul.u32 $0x500, s1  }
0x8: {  	s1 =	rddreg [dreg:$0x2];
	_ =	strace $0x80000047;
	s30 =	sshrl.u32 s10, $0x2  }
0x9: {  	s7 =	sadd.s32 s7, s8;
	s8 =	simm.s32 $0x1;
	s10 =	sadd.s32 s30, s2  }
0xa: {  	s9 =	sadd.s32 s4, s6;
	s4 =	sadd.s32 $0xEE00, s6;
	s6 =	sadd.s32 s7, s6  }
0xb: {  	s7 =	ssub.s32 s5, s29;
	s10 =	sshrl.u32 s10, $0x3;
	s5 =	sadd.s32 $0x4E00, s9  }
0xc: {  	v0 =	vimm.f32 $1.000000000e+00;
	s6 =	sadd.s32 $0x11600, s6;
	s7 =	smax.u32 s7, $0x1;
	s9 =	sor.u32 $0x1C01, s31  }
.LBB2_1:
0xd: {  	[tilespmem:s3], [sflag:$0x1] =	stream.linear.gather [hbm4b:s5+s3], $0x2800, $0x38;
	[tilespmem:$0x9000] =	vst v63  }
0xe: {  	_ =	swait.ge [sflag:s8], $0x2800  }
0xf: {  	[sflag:s8] =	ssyncset.done $0x0  }
0x10: {  	s14 =	simm.s32 $0x200;
	s15 =	simm.s32 $0x0;
	[sflag:s8] =	ssyncadd.s32 $0xFFFFD800  }
.LBB2_2:
0x11: {  	p0 =	sne.s32 s14, $0xFE00;
	[tilespmem:s15+$0x2800] =	vst v0;
	s15 =	smov.u32 s14;
	s14 =	sadd.s32 $0x200, s14  }
.Ltmp0:
0x12: {  	(pc) =	sbr.rel @p0 .LBB2_2-.Ltmp0, $2  }
0x13: {  	_ =	sdelay $0x2  }
0x14: {  	s15 =	sshra.s32 s15, $0x2  }
0x15: {  	[tilespmem:s15+$0x2800] =	vst v0  }
0x16: {  	[spmem:s10], [sflag:s9] =	dma.local [hbm:s4], $0x2800  }
0x17: {  	_ =	swait.ge [sflag:s8], $0x2800  }
0x18: {  	[sflag:s8] =	ssyncset.done $0x0  }
0x19: {  	[sflag:s8] =	ssyncadd.s32 $0xFFFFD800  }
0x1a: {  	s14 =	simm.s32 $0x0;
	[bflag:$0x0] =	sbarrier.arrive $0xFFFF  }
0x1b: {  	[spmem:s2] =	stream.indirect.scatter.add.f32 [tilespmem:s12], [sflag:$0x1], $0x10, s14, s11, $0xb8;
	[tilespmem:$0x9000] =	vst v63  }
0x1c: {  	_ =	swait.ge [sflag:s8], $0x800  }
0x1d: {  	s14 =	simm.s32 $0x200;
	[sflag:s8] =	ssyncset.done $0x0  }
.LBB2_4:
0x1e: {  	s15 =	sshra.s32 s14, $0x2;
	[sflag:s8] =	ssyncadd.s32 $0xFFFFF800;
	p0 =	sne.s32 s14, $0x9E00  }
0x1f: {  	[spmem:s2] =	stream.indirect.scatter.add.f32 [tilespmem:s12], [sflag:$0x1], $0x10, s15, s11, $0xb8;
	[tilespmem:$0x9000] =	vst v63  }
.Ltmp1:
0x20: {  	_ = 	snop;
	(pc) =	sbr.rel @p0 .LBB2_4-.Ltmp1, $4  }
0x21: {  	_ = 	snop  }
0x22: {  	s14 =	sadd.s32 $0x200, s14  }
0x23: {  	_ =	swait.ge [sflag:s8], $0x800  }
0x24: {  	[sflag:s8] =	ssyncset.done $0x0  }
0x25: {  	s13 =	sadd.s32 $0x1, s13  }
0x26: {  	[sflag:s8] =	ssyncadd.s32 $0xFFFFF800;
	p0 =	sne.s32 s13, s7  }
.Ltmp2:
0x27: {  	[bflag:$0x0] =	sbarrier.arrive $0xFFFF;
	(pc) =	sbr.rel @p0 .LBB2_1-.Ltmp2, $4  }
0x28: {  	[hbm:s6], [sflag:s9] =	dma.local [spmem:s10], $0x2800  }
0x29: {  	_ =	swait.ge [sflag:s8], $0x2800  }
0x2a: {  	[sflag:s8] =	ssyncset.done $0x0  }
0x2b: {  	[sflag:s8] =	ssyncadd.s32 $0xFFFFD800  }
0x2c: {  	_ =	sfence.sel $0x180000  }
0x2d: {  	[bflag:$0x0] =	sbarrier.arrive $0xFFFF  }
0x2e: {  	p0 =	sne.s32 s0, $0x0;
	_ =	strace $0x90000047  }
0x2f: {  	s0 =	sadd.s32 @!p0 $0x100000, s1;
	[bflag:$0x2] =	sbarrier.arrive $0xFFFF  }
0x30: {  	[sflag:s0] =	ssyncadd.tile.s32 @!p0 $0x1;
	_ =	shalt  }
.Lfunc_end2:
_tile_overlayer_lowered:
.L_overlay_start_2:
0x31: {  	(tag) =	ssettag $0x2  }
0x32: {  	s0 =	rddreg [dreg:$0x0];
	s2 =	stileid.u32  }
0x33: {  	s1 =	rddreg [dreg:$0x1];
	p0 =	sne.s32 s2, $0x0  }
0x34: {  	s3 =	rddreg [dreg:$0x2];
	[bflag:$0x3] =	sbarrier.arrive $0xFFFF;
	s2 =	simm.s32 @!p0 $0x1C01  }
0x35: {  	[timem:s3], [sflag:s2] =	dma.local @!p0 [hbm:s0], s1  }
0x36: {  	s0 =	simm.s32 @!p0 $0x1  }
0x37: {  	_ =	swait.ge @!p0 [sflag:s0], s1  }
0x38: {  	s1 =	ssub.s32 @!p0 $0x0, s1;
	[sflag:s0] =	ssyncset.done @!p0 $0x0  }
0x39: {  	[sflag:s0] =	ssyncadd.s32 @!p0 s1  }
0x3a: {  	[bflag:$0x3] =	sbarrier.arrive $0xFFFF  }
0x3b: {  	_ =	shalt  }

// kernel: kernel.13.cloned.1.call-start
scs
__scs_entry_jumppad:
0x0: {  	(pc) =	sbr.rel $0x88, $3  }
0x1: {  	(tag) =	ssettag $0x0;
	lr =	simm.s32 $0x1  }
0x2: {  	[smem:$0x3F99] =	sst lr;
	_ =	strace $0xD0000000  }
0x3: {  	_ = 	snop  }
0x4: {  	_ = 	snop  }
0x5: {  	_ = 	snop  }
0x6: {  	_ = 	snop  }
0x7: {  	_ = 	snop  }
__scs_overlays_trampoline_lowered:
0x8: {  	[smem:$0x3FA8] =	sst s0  }
0x9: {  	[smem:$0x3FA9] =	sst s1  }
0xa: {  	[smem:$0x3FAA] =	sst s2  }
0xb: {  	[smem:$0x3FAB] =	sst s3  }
0xc: {  	[smem:$0x3FAC] =	sst s4  }
0xd: {  	[smem:$0x3FAD] =	sst s5  }
0xe: {  	[smem:$0x3FAE] =	sst s6  }
0xf: {  	[smem:$0x3FAF] =	sst s7  }
0x10: {  	[smem:$0x3FB0] =	sst s8  }
0x11: {  	[smem:$0x3FB1] =	sst s9;
	s0 =	simm.s32 @!p0 $0x0  }
0x12: {  	s1 =	sld [smem:$0x3F97];
	s0 =	simm.s32 @p0 $0x1  }
0x13: {  	[smem:$0x3FB2] =	sst s0;
	s0 =	simm.s32 @!p1 $0x0  }
0x14: {  	s2 =	sld [smem:$0x3F96];
	s0 =	simm.s32 @p1 $0x1  }
0x15: {  	[smem:$0x3FB3] =	sst s0;
	s0 =	simm.s32 @!p2 $0x0  }
0x16: {  	s3 =	sld [smem:$0x3FDB];
	s0 =	simm.s32 @p2 $0x1  }
0x17: {  	s4 =	simm.s32 $0x1BF5;
	[smem:$0x3FB5] =	sst s0  }
0x18: {  	s0 =	sld [smem:$0x3F98];
	_ =	swait.ge [sflag:s4], $0x0  }
0x19: {  	s7 =	sld [smem:$0x3F99]  }
0x1a: {  	s8 =	sadd.s32 $0xFFFFE003, lr  }
0x1b: {  	s9 =	sadd.s32 $0xFFFFFEF7, lr;
	s5 =	simm.s32 $0xFFFFFFFF;
	p2 =	slt.u32 s8, $0xFFFFF086  }
0x1c: {  	p1 =	slt.u32 s9, $0xF7A;
	s5 =	simm.s32 @!p2 $0x0  }
0x1d: {  	s5 =	simm.s32 @p1 $0x1;
	p0 =	seq.s32 s7, s2  }
0x1e: {  	s7 =	smul.u32 @!p0 $0xF7A, s2;
	p2 =	seq.s32 @!p0 s5, $0x0  }
0x1f: {  	s9 =	smul.u32 $0xF7A, s1;
	s8 =	simm.s32 @!p0 $0x1BF5;
	p2 =	por !p2, p0  }
0x20: {  	[sflag:s8] =	ssyncset.s32 @!p0 $0xFFFFF086;
	s6 =	sadd.s32 @!p0 s3, s7;
	s7 =	simm.s32 @!p0 $0x108  }
0x21: {  	s3 =	sadd.s32 s3, s9;
	s6 =	sadd.s32 @!p0 $0x88, s6;
	s7 =	simm.s32 @p2 $0x1082  }
0x22: {  	[simem:s7], [sflag:s8] =	dma.local @!p0 [hbm:s6], $0xF7A  }
0x23: {  	s9 =	sor.u32 $0xD0000000, s2;
	s6 =	simm.s32 $0x108;
	_ =	swait.ge @!p0 [sflag:s8], $0x0  }
0x24: {  	s3 =	sadd.s32 $0x88, s3;
	s6 =	simm.s32 @!p1 $0x1082;
	[sflag:s4] =	ssyncset.s32 $0xFFFFF086  }
0x25: {  	[simem:s6], [sflag:s4] =	dma.local [hbm:s3], $0xF7A  }
0x26: {  	[smem:$0x3F99] =	sst s1;
	(tag) =	ssettag s2;
	_ =	strace s9  }
0x27: {  	s1 =	sld [smem:$0x3FA9]  }
0x28: {  	s2 =	sld [smem:$0x3FAA]  }
0x29: {  	s4 =	sld [smem:$0x3FAC]  }
0x2a: {  	p0 =	seq.s32 s5, $0x0;
	s5 =	sld [smem:$0x3FAD]  }
0x2b: {  	s6 =	sld [smem:$0x3FAE]  }
0x2c: {  	s7 =	sld [smem:$0x3FAF]  }
0x2d: {  	s3 =	simm.s32 $0x108;
	s8 =	sld [smem:$0x3FB0]  }
0x2e: {  	s3 =	simm.s32 @!p0 $0x1082;
	s9 =	sld [smem:$0x3FB1]  }
0x2f: {  	lr =	sadd.s32 s0, s3;
	s0 =	sld [smem:$0x3FA8]  }
0x30: {  	s3 =	sld [smem:$0x3FAB]  }
0x31: {  	[smem:$0x3FB4] =	sst s10  }
0x32: {  	s10 =	sld [smem:$0x3FB2];
	_ =	sdelay $0x3  }
0x33: {  	p0 =	seq.s32 s10, $0x1;
	s10 =	sld [smem:$0x3FB4];
	_ =	sdelay $0x3  }
0x34: {  	[smem:$0x3FB4] =	sst s10  }
0x35: {  	s10 =	sld [smem:$0x3FB3];
	_ =	sdelay $0x3  }
0x36: {  	p1 =	seq.s32 s10, $0x1;
	s10 =	sld [smem:$0x3FB4];
	_ =	sdelay $0x3  }
0x37: {  	[smem:$0x3FB4] =	sst s10  }
0x38: {  	s10 =	sld [smem:$0x3FB5]  }
0x39: {  	_ = 	snop;
	(pc) =	sbr.ind lr, $3  }
0x3a: {  	_ = 	snop  }
0x3b: {  	_ = 	snop  }
0x3c: {  	p2 =	seq.s32 s10, $0x1;
	s10 =	sld [smem:$0x3FB4]  }
0x3d: {  	_ =	shalt  }
0x3e: {  	_ =	shalt  }
0x3f: {  	_ =	shalt  }
0x40: {  	_ =	shalt  }
0x41: {  	_ =	shalt  }
0x42: {  	_ =	shalt  }
0x43: {  	_ =	shalt  }
0x44: {  	_ =	shalt  }
0x45: {  	_ =	shalt  }
0x46: {  	_ =	shalt  }
0x47: {  	_ =	shalt  }
0x48: {  	_ =	shalt  }
0x49: {  	_ =	shalt  }
0x4a: {  	_ =	shalt  }
0x4b: {  	_ =	shalt  }
0x4c: {  	_ =	shalt  }
0x4d: {  	_ =	shalt  }
0x4e: {  	_ =	shalt  }
0x4f: {  	_ =	shalt  }
0x50: {  	_ =	shalt  }
0x51: {  	_ =	shalt  }
0x52: {  	_ =	shalt  }
0x53: {  	_ =	shalt  }
0x54: {  	_ =	shalt  }
0x55: {  	_ =	shalt  }
0x56: {  	_ =	shalt  }
0x57: {  	_ =	shalt  }
0x58: {  	_ =	shalt  }
0x59: {  	_ =	shalt  }
0x5a: {  	_ =	shalt  }
0x5b: {  	_ =	shalt  }
0x5c: {  	_ =	shalt  }
0x5d: {  	_ =	shalt  }
0x5e: {  	_ =	shalt  }
0x5f: {  	_ =	shalt  }
0x60: {  	_ =	shalt  }
0x61: {  	_ =	shalt  }
0x62: {  	_ =	shalt  }
0x63: {  	_ =	shalt  }
0x64: {  	_ =	shalt  }
0x65: {  	_ =	shalt  }
0x66: {  	_ =	shalt  }
0x67: {  	_ =	shalt  }
0x68: {  	_ =	shalt  }
0x69: {  	_ =	shalt  }
0x6a: {  	_ =	shalt  }
0x6b: {  	_ =	shalt  }
0x6c: {  	_ =	shalt  }
0x6d: {  	_ =	shalt  }
0x6e: {  	_ =	shalt  }
0x6f: {  	_ =	shalt  }
0x70: {  	_ =	shalt  }
0x71: {  	_ =	shalt  }
0x72: {  	_ =	shalt  }
0x73: {  	_ =	shalt  }
0x74: {  	_ =	shalt  }
0x75: {  	_ =	shalt  }
0x76: {  	_ =	shalt  }
0x77: {  	_ =	shalt  }
0x78: {  	_ =	shalt  }
0x79: {  	_ =	shalt  }
0x7a: {  	_ =	shalt  }
0x7b: {  	_ =	shalt  }
0x7c: {  	_ =	shalt  }
0x7d: {  	_ =	shalt  }
0x7e: {  	_ =	shalt  }
0x7f: {  	_ =	shalt  }
0x80: {  	_ =	shalt  }
0x81: {  	_ =	shalt  }
0x82: {  	_ =	shalt  }
0x83: {  	_ =	shalt  }
0x84: {  	_ =	shalt  }
0x85: {  	_ =	shalt  }
0x86: {  	_ =	shalt  }
0x87: {  	_ =	shalt  }
.Lfunc_end0:
.L_simem_size_0:
called_computation.1_lowered:
.L_overlay_start_0:
0x88: {  	s2 =	sld [smem:$0x3FD9]  }
0x89: {  	s3 =	sld [smem:$0x3FFE];
	_ =	sdelay $0x1  }
0x8a: {  	s1 =	srdreg.scid  }
0x8b: {  	s0 =	sand.u32 $0x1, s1  }
0x8c: {  	s17 =	sshll.u32 s0, $0xA;
	s2 =	sadd.s32 s3, s2  }
0x8d: {  	s2 =	sadd.s32 s2, s17  }
0x8e: {  	[smem:$0x3FC0] =	sst s2  }
0x8f: {  	_ = 	snop  }
0x90: {  	s2 =	sld [smem:$0x3FD0];
	(tm) =	ssettm $0x1  }
0x91: {  	s18 =	sld [smem:$0x3FFB];
	_ =	sdelay $0x3  }
0x92: {  	_ =	strace s18  }
0x93: {  	s3 =	sld [smem:$0x3FFC];
	_ =	sdelay $0x3  }
0x94: {  	_ =	strace s3  }
0x95: {  	s3 =	sld [smem:$0x3FFD];
	_ =	sdelay $0x3  }
0x96: {  	_ =	strace s3  }
0x97: {  	_ =	strace $0x8FFFFFFF  }
0x98: {  	s19 =	sld [smem:$0x3FDB];
	_ =	sdelay $0x1  }
0x99: {  	s4 =	simm.s32 $_scs_section_size  }
0x9a: {  	s5 =	simm.s32 $_size__tile_overlayer_lowered;
	s6 =	simm.s32 $_tile_overlayer_lowered  }
0x9b: {  	s22 =	simm.s32 $0x1BFF;
	s21 =	sshll.u32 s6, $0x1;
	s3 =	sadd.s32 s4, s19  }
0x9c: {  	s7 =	simm.s32 $0x0;
	s20 =	sshll.u32 s5, $0x1;
	s5 =	sadd.s32 s21, s3  }
0x9d: {  	[timem:s7], [sflag:s22] =	dma.local [hbm:s5], s20  }
0x9e: {  	_ =	swait.ge [sflag:s22], s20  }
0x9f: {  	s4 =	ssub.s32 $0x0, s20;
	[sflag:s22] =	ssyncset.done $0x0  }
0xa0: {  	[sflag:s22] =	ssyncadd.s32 s4;
	_ =	sdelay $0x1  }
0xa1: {  	s23 =	simm.s32 $0x1B8B  }
0xa2: {  	_ =	swait.ge [sflag:s23], $0x1  }
0xa3: {  	[sflag:s23] =	ssyncset.done $0x0  }
0xa4: {  	s25 =	simm.s32 $0x1B8E;
	s24 =	sld [smem:$0x3FFE];
	[sflag:s23] =	ssyncadd.s32 $0xFFFFFFFF  }
0xa5: {  	s26 =	simm.s32 $execute0_lowered;
	[smem:$0x3FD2] =	sst s25  }
0xa6: {  	s5 =	sshll.u32 s26, $0x1;
	_ =	strace $0x80000049;
	[dreg:$0x1] =	wrdreg $0xFFFFFFFF  }
0xa7: {  	s28 =	simm.s32 $_size_execute0_lowered;
	s3 =	sadd.s32 s3, s5;
	[dreg:$0x0] =	wrdreg $0x0  }
0xa8: {  	s5 =	sshll.u32 s28, $0x1;
	[dreg:$0x2] =	wrdreg s3  }
0xa9: {  	[dreg:$0x3] =	wrdreg s5  }
0xaa: {  	[dreg:$0x4] =	wrdreg $0xC0  }
0xab: {  	_ =	task [dreg:s7], $0x5FFFF  }
0xac: {  	[dreg:$0x1] =	wrdreg $0xFFFFFFFF  }
0xad: {  	[dreg:$0x0] =	wrdreg $0x60  }
0xae: {  	[dreg:$0x2] =	wrdreg s24  }
0xaf: {  	[dreg:$0x3] =	wrdreg s2  }
0xb0: {  	[dreg:$0x4] =	wrdreg $0xBC000  }
0xb1: {  	[dreg:$0x5] =	wrdreg $0x9  }
0xb2: {  	_ =	task.clear_ibuf [dreg:s7], $0x6FFFF;
	_ =	strace $0x90000049  }
0xb3: {  	s29 =	simm.s32 $0x9;
	_ =	strace $0x8000004B  }
0xb4: {  	_ =	swait.ge [sflag:s29], $0x1  }
0xb5: {  	[sflag:s29] =	ssyncadd.s32 $0xFFFFFFFF  }
0xb6: {  	_ =	strace $0x9000004B  }
0xb7: {  	_ =	sfence  }
0xb8: {  	s30 =	sld [smem:$0x0];
	_ =	sdelay $0x2  }
0xb9: {  	s31 =	sshll.u32 s1, $0xD;
	s1 =	sshrl.u32 s1, $0x2  }
0xba: {  	s3 =	sand.u32 $0x4000, s31;
	s1 =	sadd.s32 s1, s30  }
0xbb: {  	s0 =	sor.u32 s3, s0;
	s1 =	sshll.u32 s1, $0x11  }
0xbc: {  	s0 =	sor.u32 s1, s0  }
0xbd: {  	s0 =	sadd.s32 $0x8F2B, s0  }
0xbe: {  	[sflag:s0] =	ssyncadd.remote.s32 $0x1  }
0xbf: {  	_ =	sfence.sel $0xFFFF  }
0xc0: {  	[dreg:$0x0] =	wrdreg $0xFFFFFFFF;
	(pc) =	sbr.abs _section_cstart, $3  }
0xc1: {  	[dreg:$0x1] =	wrdreg $0xFFFFFFFF  }
0xc2: {  	_ =	task.clear_ibuf [dreg:s7], $0x2FFFF;
	_ =	strace $0x9FFFFFFF  }
0xc3: {  	(tm) =	ssettm $0x7FFFFFFF  }
tec
execute0_lowered:
.L_overlay_start_1:
0x0: {  	(tag) =	ssettag $0x1  }
0x1: {  	s10 =	rddreg [dreg:$0x0]  }
0x2: {  	s6 =	rddreg [dreg:$0x1]  }
0x3: {  	s1 =	rddreg [dreg:$0x2]  }
0x4: {  	s2 =	srdreg.scid;
	s0 =	rddreg [dreg:$0x3]  }
0x5: {  	s3 =	simm.s32 $0x0;
	s16 =	simm.s32 $0x4;
	s17 =	simm.s32 $0x80  }
0x6: {  	s18 =	simm.s32 $0x3C00;
	s19 =	simm.s32 $0x7C00;
	s20 =	simm.s32 $0x1  }
0x7: {  	s21 =	simm.s32 $0x2;
	s22 =	simm.s32 $0x3B00;
	s23 =	simm.s32 $0x3B80  }
0x8: {  	s24 =	simm.s32 $0x0;
	s8 =	sand.u32 $0x1, s2;
	s2 =	stileid.u32  }
0x9: {  	[smem:$0x7FF] =	sst s3;
	s14 =	sadd.s32 $0x4E00, s10;
	s5 =	sadd.s32 $0x5EE00, s10  }
0xa: {  	s4 =	sshll.u32 s8, $0x4;
	_ =	strace $0x8000004A;
	s9 =	ssub.s32 $0x2, s8  }
0xb: {  	s13 =	smul.u32 $0x50000, s2;
	s28 =	sshll.u32 s2, $0x6;
	p0 =	seq.s32 s8, $0x1  }
0xc: {  	s30 =	smul.u32 $0x2800, s2;
	s7 =	sor.u32 s2, s4;
	s4 =	sadd.s32 $0x36E00, s10  }
0xd: {  	s12 =	sshrl.u32 s9, $0x1;
	s8 =	sor.u32 $0x1C05, s28;
	s11 =	smul.u32 $0x500, s7  }
0xe: {  	s25 =	sshrl.u32 s13, $0x2;
	s26 =	smul.u32 $0x2800, s7;
	s13 =	simm.s32 $0x89600  }
0xf: {  	s12 =	ssub.s32 s9, s12;
	s15 =	sadd.s32 s25, s1;
	s13 =	simm.s32 @!p0 $0x61600  }
0x10: {  	s6 =	sadd.s32 s6, s11;
	s7 =	sadd.s32 s14, s11;
	s29 =	sshrl.u32 s26, $0x3  }
0x11: {  	s31 =	sadd.s32 s13, s10;
	s10 =	smax.u32 s12, $0x1;
	s12 =	simm.s32 $0x2800  }
0x12: {  	s13 =	sshrl.u32 s15, $0x3;
	s15 =	simm.s32 $0x3;
	s11 =	sadd.s32 s14, s29  }
0x13: {  	s14 =	simm.s32 $0x5;
	s9 =	sadd.s32 $0x280, s11;
	s11 =	sadd.s32 s31, s30  }
.LBB2_1:
0x14: {  	[tilespmem:s3], [sflag:$0x3] =	stream.linear.gather [hbm4b:s6+s3], $0x2800, $0x38;
	[tilespmem:$0x1FC00] =	vst v63  }
0x15: {  	_ = 	snop  }
0x16: {  	[tilespmem:s12], [sflag:$0x4] =	stream.linear.gather [hbm4b:s7+s3], $0x1400, $0x38;
	[tilespmem:$0x1FC00] =	vst v63  }
0x17: {  	[spmem:s13], [sflag:s8] =	dma.local [hbm:s5], $0x2800  }
0x18: {  	_ =	swait.ge [sflag:s14], $0x2800  }
0x19: {  	[sflag:s14] =	ssyncset.done $0x0  }
0x1a: {  	[sflag:s14] =	ssyncadd.s32 $0xFFFFD800  }
0x1b: {  	_ =	swait.ge [sflag:s15], $0x2800  }
0x1c: {  	[sflag:s15] =	ssyncset.done $0x0  }
0x1d: {  	[sflag:s15] =	ssyncadd.s32 $0xFFFFD800  }
0x1e: {  	_ =	swait.ge [sflag:s16], $0x1400  }
0x1f: {  	[sflag:s16] =	ssyncset.done $0x0  }
0x20: {  	[sflag:s16] =	ssyncadd.s32 $0xFFFFEC00  }
0x21: {  	[bflag:$0x0] =	sbarrier.arrive $0xFFFF  }
0x22: {  	[tilespmem:s18], [sflag:$0x1] =	stream.indirect.gather [hbm4b:s4+s17], $0x80, s3, s17, $0xb8;
	[tilespmem:$0x1FC00] =	vst v63  }
0x23: {  	_ = 	snop  }
0x24: {  	[tilespmem:s19], [sflag:$0x2] =	stream.indirect.gather [hbm4b:s4+s17], $0x80, s17, s17, $0xb8;
	[tilespmem:$0x1FC00] =	vst v63  }
0x25: {  	_ =	swait.ge [sflag:s20], $0x4000  }
0x26: {  	[sflag:s20] =	ssyncset.done $0x0  }
0x27: {  	s25 =	simm.s32 $0x2800;
	[sflag:s20] =	ssyncadd.s32 $0xFFFFC000  }
0x28: {  	[spmem:s1] =	stream.indirect.scatter.add.f32 [tilespmem:s18], [sflag:$0x5], $0x80, s25, s17, $0xb8;
	[tilespmem:$0x1FC00] =	vst v63  }
0x29: {  	_ =	swait.ge [sflag:s14], $0x4000  }
0x2a: {  	[sflag:s14] =	ssyncset.done $0x0  }
0x2b: {  	s30 =	simm.s32 $0x100;
	[sflag:s14] =	ssyncadd.s32 $0xFFFFC000  }
0x2c: {  	[tilespmem:s18], [sflag:$0x1] =	stream.indirect.gather [hbm4b:s4+s17], $0x80, s30, s17, $0xb8;
	[tilespmem:$0x1FC00] =	vst v63  }
0x2d: {  	_ =	swait.ge [sflag:s21], $0x4000  }
0x2e: {  	[sflag:s21] =	ssyncset.done $0x0  }
0x2f: {  	s31 =	simm.s32 $0x2880;
	[sflag:s21] =	ssyncadd.s32 $0xFFFFC000  }
0x30: {  	[spmem:s1] =	stream.indirect.scatter.add.f32 [tilespmem:s19], [sflag:$0x5], $0x80, s31, s17, $0xb8;
	[tilespmem:$0x1FC00] =	vst v63  }
0x31: {  	_ =	swait.ge [sflag:s14], $0x4000  }
0x32: {  	[sflag:s14] =	ssyncset.done $0x0  }
0x33: {  	s26 =	simm.s32 $0x180;
	s25 =	simm.s32 $0x400;
	[sflag:s14] =	ssyncadd.s32 $0xFFFFC000  }
.LBB2_2:
0x34: {  	[tilespmem:s19], [sflag:$0x2] =	stream.indirect.gather [hbm4b:s4+s17], $0x80, s26, s17, $0xb8;
	[tilespmem:$0x1FC00] =	vst v63  }
0x35: {  	s26 =	smov.u32 s25  }
0x36: {  	p0 =	sne.s32 s25, $0x4C00;
	s25 =	sadd.s32 $0x400, s25;
	_ =	swait.ge [sflag:s20], $0x4000  }
0x37: {  	s26 =	sshra.s32 s26, $0x2;
	[sflag:s20] =	ssyncset.done $0x0  }
0x38: {  	s28 =	sadd.s32 $0x2800, s26;
	[sflag:s20] =	ssyncadd.s32 $0xFFFFC000  }
0x39: {  	[spmem:s1] =	stream.indirect.scatter.add.f32 [tilespmem:s18], [sflag:$0x5], $0x80, s28, s17, $0xb8;
	[tilespmem:$0x1FC00] =	vst v63  }
0x3a: {  	_ =	swait.ge [sflag:s14], $0x4000  }
0x3b: {  	[sflag:s14] =	ssyncset.done $0x0  }
0x3c: {  	s28 =	sadd.s32 $0x100, s26;
	[sflag:s14] =	ssyncadd.s32 $0xFFFFC000  }
0x3d: {  	[tilespmem:s18], [sflag:$0x1] =	stream.indirect.gather [hbm4b:s4+s17], $0x80, s28, s17, $0xb8;
	[tilespmem:$0x1FC00] =	vst v63  }
0x3e: {  	_ =	swait.ge [sflag:s21], $0x4000  }
0x3f: {  	[sflag:s21] =	ssyncset.done $0x0  }
.Ltmp0:
0x40: {  	s28 =	sadd.s32 $0x2880, s26;
	[sflag:s21] =	ssyncadd.s32 $0xFFFFC000;
	(pc) =	sbr.rel @p0 .LBB2_2-.Ltmp0, $4  }
0x41: {  	[spmem:s1] =	stream.indirect.scatter.add.f32 [tilespmem:s19], [sflag:$0x5], $0x80, s28, s17, $0xb8;
	[tilespmem:$0x1FC00] =	vst v63  }
0x42: {  	_ =	swait.ge [sflag:s14], $0x4000  }
0x43: {  	[sflag:s14] =	ssyncset.done $0x0  }
0x44: {  	s26 =	sadd.s32 $0x180, s26;
	[sflag:s14] =	ssyncadd.s32 $0xFFFFC000  }
0x45: {  	[tilespmem:s19], [sflag:$0x2] =	stream.indirect.gather [hbm4b:s4+s17], $0x80, s26, s17, $0xb8;
	[tilespmem:$0x1FC00] =	vst v63  }
0x46: {  	s25 =	simm.s32 $0x0  }
0x47: {  	[tilespmem:s12], [sflag:$0x5] =	stream.linear.gather [hbm4b:s9+s25], $0x1400, $0x38;
	[tilespmem:$0x1FC00] =	vst v63  }
0x48: {  	_ =	swait.ge [sflag:s14], $0x1400  }
0x49: {  	[sflag:s14] =	ssyncset.done $0x0  }
0x4a: {  	[sflag:s14] =	ssyncadd.s32 $0xFFFFEC00  }
0x4b: {  	_ =	swait.ge [sflag:s20], $0x4000  }
0x4c: {  	[sflag:s20] =	ssyncset.done $0x0  }
0x4d: {  	s29 =	simm.s32 $0x2800;
	[sflag:s20] =	ssyncadd.s32 $0xFFFFC000  }
0x4e: {  	[spmem:s1] =	stream.indirect.scatter.add.f32 [tilespmem:s18], [sflag:$0x5], $0x80, s29, s17, $0xb8;
	[tilespmem:$0x1FC00] =	vst v63  }
0x4f: {  	_ =	swait.ge [sflag:s14], $0x4000  }
0x50: {  	[sflag:s14] =	ssyncset.done $0x0  }
0x51: {  	s30 =	simm.s32 $0x1500;
	[sflag:s14] =	ssyncadd.s32 $0xFFFFC000  }
0x52: {  	[tilespmem:s18], [sflag:$0x1] =	stream.indirect.gather [hbm4b:s4+s17], $0x80, s30, s17, $0xb8;
	[tilespmem:$0x1FC00] =	vst v63  }
0x53: {  	_ =	swait.ge [sflag:s21], $0x4000  }
0x54: {  	[sflag:s21] =	ssyncset.done $0x0  }
0x55: {  	s31 =	simm.s32 $0x2880;
	[sflag:s21] =	ssyncadd.s32 $0xFFFFC000  }
0x56: {  	[spmem:s1] =	stream.indirect.scatter.add.f32 [tilespmem:s19], [sflag:$0x5], $0x80, s31, s17, $0xb8;
	[tilespmem:$0x1FC00] =	vst v63  }
0x57: {  	_ =	swait.ge [sflag:s14], $0x4000  }
0x58: {  	[sflag:s14] =	ssyncset.done $0x0  }
0x59: {  	s26 =	simm.s32 $0x1580;
	s25 =	simm.s32 $0x400;
	[sflag:s14] =	ssyncadd.s32 $0xFFFFC000  }
.LBB2_4:
0x5a: {  	[tilespmem:s19], [sflag:$0x2] =	stream.indirect.gather [hbm4b:s4+s17], $0x80, s26, s17, $0xb8;
	[tilespmem:$0x1FC00] =	vst v63  }
0x5b: {  	s26 =	smov.u32 s25  }
0x5c: {  	p0 =	sne.s32 s25, $0x4800;
	s25 =	sadd.s32 $0x400, s25;
	_ =	swait.ge [sflag:s20], $0x4000  }
0x5d: {  	s26 =	sshra.s32 s26, $0x2;
	[sflag:s20] =	ssyncset.done $0x0  }
0x5e: {  	s28 =	sadd.s32 $0x2800, s26;
	[sflag:s20] =	ssyncadd.s32 $0xFFFFC000  }
0x5f: {  	[spmem:s1] =	stream.indirect.scatter.add.f32 [tilespmem:s18], [sflag:$0x5], $0x80, s28, s17, $0xb8;
	[tilespmem:$0x1FC00] =	vst v63  }
0x60: {  	_ =	swait.ge [sflag:s14], $0x4000  }
0x61: {  	[sflag:s14] =	ssyncset.done $0x0  }
0x62: {  	s28 =	sadd.s32 $0x1500, s26;
	[sflag:s14] =	ssyncadd.s32 $0xFFFFC000  }
0x63: {  	[tilespmem:s18], [sflag:$0x1] =	stream.indirect.gather [hbm4b:s4+s17], $0x80, s28, s17, $0xb8;
	[tilespmem:$0x1FC00] =	vst v63  }
0x64: {  	_ =	swait.ge [sflag:s21], $0x4000  }
0x65: {  	[sflag:s21] =	ssyncset.done $0x0  }
.Ltmp1:
0x66: {  	s28 =	sadd.s32 $0x2880, s26;
	[sflag:s21] =	ssyncadd.s32 $0xFFFFC000;
	(pc) =	sbr.rel @p0 .LBB2_4-.Ltmp1, $4  }
0x67: {  	[spmem:s1] =	stream.indirect.scatter.add.f32 [tilespmem:s19], [sflag:$0x5], $0x80, s28, s17, $0xb8;
	[tilespmem:$0x1FC00] =	vst v63  }
0x68: {  	_ =	swait.ge [sflag:s14], $0x4000  }
0x69: {  	[sflag:s14] =	ssyncset.done $0x0  }
0x6a: {  	s26 =	sadd.s32 $0x1580, s26;
	[sflag:s14] =	ssyncadd.s32 $0xFFFFC000  }
0x6b: {  	[tilespmem:s19], [sflag:$0x2] =	stream.indirect.gather [hbm4b:s4+s17], $0x80, s26, s17, $0xb8;
	[tilespmem:$0x1FC00] =	vst v63  }
0x6c: {  	_ =	swait.ge [sflag:s20], $0x4000  }
0x6d: {  	[sflag:s20] =	ssyncset.done $0x0  }
0x6e: {  	[sflag:s20] =	ssyncadd.s32 $0xFFFFC000  }
0x6f: {  	[spmem:s1] =	stream.indirect.scatter.add.f32 [tilespmem:s18], [sflag:$0x5], $0x80, s22, s17, $0xb8;
	[tilespmem:$0x1FC00] =	vst v63  }
0x70: {  	_ =	swait.ge [sflag:s14], $0x4000  }
0x71: {  	[sflag:s14] =	ssyncset.done $0x0  }
0x72: {  	[sflag:s14] =	ssyncadd.s32 $0xFFFFC000  }
0x73: {  	_ =	swait.ge [sflag:s21], $0x4000  }
0x74: {  	[sflag:s21] =	ssyncset.done $0x0  }
0x75: {  	[sflag:s21] =	ssyncadd.s32 $0xFFFFC000  }
0x76: {  	[spmem:s1] =	stream.indirect.scatter.add.f32 [tilespmem:s19], [sflag:$0x5], $0x80, s23, s17, $0xb8;
	[tilespmem:$0x1FC00] =	vst v63  }
0x77: {  	_ =	swait.ge [sflag:s14], $0x4000  }
0x78: {  	s24 =	sadd.s32 $0x1, s24;
	[sflag:s14] =	ssyncset.done $0x0  }
0x79: {  	p0 =	sne.s32 s24, s10;
	[sflag:s14] =	ssyncadd.s32 $0xFFFFC000  }
.Ltmp2:
0x7a: {  	[bflag:$0x0] =	sbarrier.arrive $0xFFFF;
	(pc) =	sbr.rel @p0 .LBB2_1-.Ltmp2, $4  }
0x7b: {  	[hbm:s11], [sflag:s8] =	dma.local [spmem:s13], $0x2800  }
0x7c: {  	_ =	swait.ge [sflag:s14], $0x2800  }
0x7d: {  	[sflag:s14] =	ssyncset.done $0x0  }
0x7e: {  	[sflag:s14] =	ssyncadd.s32 $0xFFFFD800  }
0x7f: {  	_ =	sfence.sel $0x180000  }
0x80: {  	[bflag:$0x0] =	sbarrier.arrive $0xFFFF  }
0x81: {  	p0 =	sne.s32 s2, $0x0;
	_ =	strace $0x9000004A  }
0x82: {  	s0 =	sadd.s32 @!p0 $0x100000, s0;
	[bflag:$0x2] =	sbarrier.arrive $0xFFFF  }
0x83: {  	[sflag:s0] =	ssyncadd.tile.s32 @!p0 $0x1;
	_ =	shalt  }
.Lfunc_end2:
_tile_overlayer_lowered:
.L_overlay_start_2:
0x84: {  	(tag) =	ssettag $0x2  }
0x85: {  	s0 =	rddreg [dreg:$0x0];
	s2 =	stileid.u32  }
0x86: {  	s1 =	rddreg [dreg:$0x1];
	p0 =	sne.s32 s2, $0x0  }
0x87: {  	s3 =	rddreg [dreg:$0x2];
	[bflag:$0x3] =	sbarrier.arrive $0xFFFF;
	s2 =	simm.s32 @!p0 $0x1C05  }
0x88: {  	[timem:s3], [sflag:s2] =	dma.local @!p0 [hbm:s0], s1  }
0x89: {  	s0 =	simm.s32 @!p0 $0x5  }
0x8a: {  	_ =	swait.ge @!p0 [sflag:s0], s1  }
0x8b: {  	s1 =	ssub.s32 @!p0 $0x0, s1;
	[sflag:s0] =	ssyncset.done @!p0 $0x0  }
0x8c: {  	[sflag:s0] =	ssyncadd.s32 @!p0 s1  }
0x8d: {  	[bflag:$0x3] =	sbarrier.arrive $0xFFFF  }
0x8e: {  	_ =	shalt  }

// kernel: kernel.16.cloned.1.call-start
scs
__scs_entry_jumppad:
0x0: {  	(pc) =	sbr.rel $0x88, $3  }
0x1: {  	(tag) =	ssettag $0x0;
	lr =	simm.s32 $0x1  }
0x2: {  	[smem:$0x3F99] =	sst lr;
	_ =	strace $0xD0000000  }
0x3: {  	_ = 	snop  }
0x4: {  	_ = 	snop  }
0x5: {  	_ = 	snop  }
0x6: {  	_ = 	snop  }
0x7: {  	_ = 	snop  }
__scs_overlays_trampoline_lowered:
0x8: {  	[smem:$0x3FA8] =	sst s0  }
0x9: {  	[smem:$0x3FA9] =	sst s1  }
0xa: {  	[smem:$0x3FAA] =	sst s2  }
0xb: {  	[smem:$0x3FAB] =	sst s3  }
0xc: {  	[smem:$0x3FAC] =	sst s4  }
0xd: {  	[smem:$0x3FAD] =	sst s5  }
0xe: {  	[smem:$0x3FAE] =	sst s6  }
0xf: {  	[smem:$0x3FAF] =	sst s7  }
0x10: {  	[smem:$0x3FB0] =	sst s8  }
0x11: {  	[smem:$0x3FB1] =	sst s9;
	s0 =	simm.s32 @!p0 $0x0  }
0x12: {  	s1 =	sld [smem:$0x3F97];
	s0 =	simm.s32 @p0 $0x1  }
0x13: {  	[smem:$0x3FB2] =	sst s0;
	s0 =	simm.s32 @!p1 $0x0  }
0x14: {  	s2 =	sld [smem:$0x3F96];
	s0 =	simm.s32 @p1 $0x1  }
0x15: {  	[smem:$0x3FB3] =	sst s0;
	s0 =	simm.s32 @!p2 $0x0  }
0x16: {  	s3 =	sld [smem:$0x3FDB];
	s0 =	simm.s32 @p2 $0x1  }
0x17: {  	s4 =	simm.s32 $0x1BF5;
	[smem:$0x3FB5] =	sst s0  }
0x18: {  	s0 =	sld [smem:$0x3F98];
	_ =	swait.ge [sflag:s4], $0x0  }
0x19: {  	s7 =	sld [smem:$0x3F99]  }
0x1a: {  	s8 =	sadd.s32 $0xFFFFE003, lr  }
0x1b: {  	s9 =	sadd.s32 $0xFFFFFEF7, lr;
	s5 =	simm.s32 $0xFFFFFFFF;
	p2 =	slt.u32 s8, $0xFFFFF086  }
0x1c: {  	p1 =	slt.u32 s9, $0xF7A;
	s5 =	simm.s32 @!p2 $0x0  }
0x1d: {  	s5 =	simm.s32 @p1 $0x1;
	p0 =	seq.s32 s7, s2  }
0x1e: {  	s7 =	smul.u32 @!p0 $0xF7A, s2;
	p2 =	seq.s32 @!p0 s5, $0x0  }
0x1f: {  	s9 =	smul.u32 $0xF7A, s1;
	s8 =	simm.s32 @!p0 $0x1BF5;
	p2 =	por !p2, p0  }
0x20: {  	[sflag:s8] =	ssyncset.s32 @!p0 $0xFFFFF086;
	s6 =	sadd.s32 @!p0 s3, s7;
	s7 =	simm.s32 @!p0 $0x108  }
0x21: {  	s3 =	sadd.s32 s3, s9;
	s6 =	sadd.s32 @!p0 $0x88, s6;
	s7 =	simm.s32 @p2 $0x1082  }
0x22: {  	[simem:s7], [sflag:s8] =	dma.local @!p0 [hbm:s6], $0xF7A  }
0x23: {  	s9 =	sor.u32 $0xD0000000, s2;
	s6 =	simm.s32 $0x108;
	_ =	swait.ge @!p0 [sflag:s8], $0x0  }
0x24: {  	s3 =	sadd.s32 $0x88, s3;
	s6 =	simm.s32 @!p1 $0x1082;
	[sflag:s4] =	ssyncset.s32 $0xFFFFF086  }
0x25: {  	[simem:s6], [sflag:s4] =	dma.local [hbm:s3], $0xF7A  }
0x26: {  	[smem:$0x3F99] =	sst s1;
	(tag) =	ssettag s2;
	_ =	strace s9  }
0x27: {  	s1 =	sld [smem:$0x3FA9]  }
0x28: {  	s2 =	sld [smem:$0x3FAA]  }
0x29: {  	s4 =	sld [smem:$0x3FAC]  }
0x2a: {  	p0 =	seq.s32 s5, $0x0;
	s5 =	sld [smem:$0x3FAD]  }
0x2b: {  	s6 =	sld [smem:$0x3FAE]  }
0x2c: {  	s7 =	sld [smem:$0x3FAF]  }
0x2d: {  	s3 =	simm.s32 $0x108;
	s8 =	sld [smem:$0x3FB0]  }
0x2e: {  	s3 =	simm.s32 @!p0 $0x1082;
	s9 =	sld [smem:$0x3FB1]  }
0x2f: {  	lr =	sadd.s32 s0, s3;
	s0 =	sld [smem:$0x3FA8]  }
0x30: {  	s3 =	sld [smem:$0x3FAB]  }
0x31: {  	[smem:$0x3FB4] =	sst s10  }
0x32: {  	s10 =	sld [smem:$0x3FB2];
	_ =	sdelay $0x3  }
0x33: {  	p0 =	seq.s32 s10, $0x1;
	s10 =	sld [smem:$0x3FB4];
	_ =	sdelay $0x3  }
0x34: {  	[smem:$0x3FB4] =	sst s10  }
0x35: {  	s10 =	sld [smem:$0x3FB3];
	_ =	sdelay $0x3  }
0x36: {  	p1 =	seq.s32 s10, $0x1;
	s10 =	sld [smem:$0x3FB4];
	_ =	sdelay $0x3  }
0x37: {  	[smem:$0x3FB4] =	sst s10  }
0x38: {  	s10 =	sld [smem:$0x3FB5]  }
0x39: {  	_ = 	snop;
	(pc) =	sbr.ind lr, $3  }
0x3a: {  	_ = 	snop  }
0x3b: {  	_ = 	snop  }
0x3c: {  	p2 =	seq.s32 s10, $0x1;
	s10 =	sld [smem:$0x3FB4]  }
0x3d: {  	_ =	shalt  }
0x3e: {  	_ =	shalt  }
0x3f: {  	_ =	shalt  }
0x40: {  	_ =	shalt  }
0x41: {  	_ =	shalt  }
0x42: {  	_ =	shalt  }
0x43: {  	_ =	shalt  }
0x44: {  	_ =	shalt  }
0x45: {  	_ =	shalt  }
0x46: {  	_ =	shalt  }
0x47: {  	_ =	shalt  }
0x48: {  	_ =	shalt  }
0x49: {  	_ =	shalt  }
0x4a: {  	_ =	shalt  }
0x4b: {  	_ =	shalt  }
0x4c: {  	_ =	shalt  }
0x4d: {  	_ =	shalt  }
0x4e: {  	_ =	shalt  }
0x4f: {  	_ =	shalt  }
0x50: {  	_ =	shalt  }
0x51: {  	_ =	shalt  }
0x52: {  	_ =	shalt  }
0x53: {  	_ =	shalt  }
0x54: {  	_ =	shalt  }
0x55: {  	_ =	shalt  }
0x56: {  	_ =	shalt  }
0x57: {  	_ =	shalt  }
0x58: {  	_ =	shalt  }
0x59: {  	_ =	shalt  }
0x5a: {  	_ =	shalt  }
0x5b: {  	_ =	shalt  }
0x5c: {  	_ =	shalt  }
0x5d: {  	_ =	shalt  }
0x5e: {  	_ =	shalt  }
0x5f: {  	_ =	shalt  }
0x60: {  	_ =	shalt  }
0x61: {  	_ =	shalt  }
0x62: {  	_ =	shalt  }
0x63: {  	_ =	shalt  }
0x64: {  	_ =	shalt  }
0x65: {  	_ =	shalt  }
0x66: {  	_ =	shalt  }
0x67: {  	_ =	shalt  }
0x68: {  	_ =	shalt  }
0x69: {  	_ =	shalt  }
0x6a: {  	_ =	shalt  }
0x6b: {  	_ =	shalt  }
0x6c: {  	_ =	shalt  }
0x6d: {  	_ =	shalt  }
0x6e: {  	_ =	shalt  }
0x6f: {  	_ =	shalt  }
0x70: {  	_ =	shalt  }
0x71: {  	_ =	shalt  }
0x72: {  	_ =	shalt  }
0x73: {  	_ =	shalt  }
0x74: {  	_ =	shalt  }
0x75: {  	_ =	shalt  }
0x76: {  	_ =	shalt  }
0x77: {  	_ =	shalt  }
0x78: {  	_ =	shalt  }
0x79: {  	_ =	shalt  }
0x7a: {  	_ =	shalt  }
0x7b: {  	_ =	shalt  }
0x7c: {  	_ =	shalt  }
0x7d: {  	_ =	shalt  }
0x7e: {  	_ =	shalt  }
0x7f: {  	_ =	shalt  }
0x80: {  	_ =	shalt  }
0x81: {  	_ =	shalt  }
0x82: {  	_ =	shalt  }
0x83: {  	_ =	shalt  }
0x84: {  	_ =	shalt  }
0x85: {  	_ =	shalt  }
0x86: {  	_ =	shalt  }
0x87: {  	_ =	shalt  }
.Lfunc_end0:
.L_simem_size_0:
called_computation.2_lowered:
.L_overlay_start_0:
0x88: {  	s2 =	sld [smem:$0x3FD9]  }
0x89: {  	s3 =	sld [smem:$0x3FFE];
	_ =	sdelay $0x1  }
0x8a: {  	s1 =	srdreg.scid  }
0x8b: {  	s0 =	sand.u32 $0x1, s1  }
0x8c: {  	s17 =	sshll.u32 s0, $0xA;
	s2 =	sadd.s32 s3, s2  }
0x8d: {  	s2 =	sadd.s32 s2, s17  }
0x8e: {  	[smem:$0x3FC0] =	sst s2  }
0x8f: {  	_ = 	snop  }
0x90: {  	s2 =	sld [smem:$0x3FD0];
	(tm) =	ssettm $0x1  }
0x91: {  	s18 =	sld [smem:$0x3FFB];
	_ =	sdelay $0x3  }
0x92: {  	_ =	strace s18  }
0x93: {  	s3 =	sld [smem:$0x3FFC];
	_ =	sdelay $0x3  }
0x94: {  	_ =	strace s3  }
0x95: {  	s3 =	sld [smem:$0x3FFD];
	_ =	sdelay $0x3  }
0x96: {  	_ =	strace s3  }
0x97: {  	_ =	strace $0x8FFFFFFF  }
0x98: {  	s19 =	sld [smem:$0x3FDB];
	_ =	sdelay $0x1  }
0x99: {  	s4 =	simm.s32 $_scs_section_size  }
0x9a: {  	s5 =	simm.s32 $_size__tile_overlayer_lowered;
	s6 =	simm.s32 $_tile_overlayer_lowered  }
0x9b: {  	s22 =	simm.s32 $0x1BFF;
	s21 =	sshll.u32 s6, $0x1;
	s3 =	sadd.s32 s4, s19  }
0x9c: {  	s7 =	simm.s32 $0x0;
	s20 =	sshll.u32 s5, $0x1;
	s5 =	sadd.s32 s21, s3  }
0x9d: {  	[timem:s7], [sflag:s22] =	dma.local [hbm:s5], s20  }
0x9e: {  	_ =	swait.ge [sflag:s22], s20  }
0x9f: {  	s4 =	ssub.s32 $0x0, s20;
	[sflag:s22] =	ssyncset.done $0x0  }
0xa0: {  	[sflag:s22] =	ssyncadd.s32 s4;
	_ =	sdelay $0x1  }
0xa1: {  	s23 =	simm.s32 $0x1B8B  }
0xa2: {  	_ =	swait.ge [sflag:s23], $0x1  }
0xa3: {  	[sflag:s23] =	ssyncset.done $0x0  }
0xa4: {  	s25 =	simm.s32 $0x1B8E;
	s24 =	sld [smem:$0x3FFE];
	[sflag:s23] =	ssyncadd.s32 $0xFFFFFFFF  }
0xa5: {  	s26 =	simm.s32 $execute0_lowered;
	[smem:$0x3FD2] =	sst s25  }
0xa6: {  	s5 =	sshll.u32 s26, $0x1;
	_ =	strace $0x8000004C;
	[dreg:$0x1] =	wrdreg $0xFFFFFFFF  }
0xa7: {  	s28 =	simm.s32 $_size_execute0_lowered;
	s3 =	sadd.s32 s3, s5;
	[dreg:$0x0] =	wrdreg $0x0  }
0xa8: {  	s5 =	sshll.u32 s28, $0x1;
	[dreg:$0x2] =	wrdreg s3  }
0xa9: {  	[dreg:$0x3] =	wrdreg s5  }
0xaa: {  	[dreg:$0x4] =	wrdreg $0xC0  }
0xab: {  	_ =	task [dreg:s7], $0x5FFFF  }
0xac: {  	[dreg:$0x1] =	wrdreg $0xFFFFFFFF  }
0xad: {  	[dreg:$0x0] =	wrdreg $0x60  }
0xae: {  	[dreg:$0x2] =	wrdreg s24  }
0xaf: {  	[dreg:$0x3] =	wrdreg s2  }
0xb0: {  	[dreg:$0x4] =	wrdreg $0xBC000  }
0xb1: {  	[dreg:$0x5] =	wrdreg $0x9  }
0xb2: {  	_ =	task.clear_ibuf [dreg:s7], $0x6FFFF;
	_ =	strace $0x9000004C  }
0xb3: {  	s29 =	simm.s32 $0x9;
	_ =	strace $0x8000004E  }
0xb4: {  	_ =	swait.ge [sflag:s29], $0x1  }
0xb5: {  	[sflag:s29] =	ssyncadd.s32 $0xFFFFFFFF  }
0xb6: {  	_ =	strace $0x9000004E  }
0xb7: {  	_ =	sfence  }
0xb8: {  	s30 =	sld [smem:$0x0];
	_ =	sdelay $0x2  }
0xb9: {  	s31 =	sshll.u32 s1, $0xD;
	s1 =	sshrl.u32 s1, $0x2  }
0xba: {  	s3 =	sand.u32 $0x4000, s31;
	s1 =	sadd.s32 s1, s30  }
0xbb: {  	s0 =	sor.u32 s3, s0;
	s1 =	sshll.u32 s1, $0x11  }
0xbc: {  	s0 =	sor.u32 s1, s0  }
0xbd: {  	s0 =	sadd.s32 $0x8F2B, s0  }
0xbe: {  	[sflag:s0] =	ssyncadd.remote.s32 $0x1  }
0xbf: {  	_ =	sfence.sel $0xFFFF  }
0xc0: {  	[dreg:$0x0] =	wrdreg $0xFFFFFFFF;
	(pc) =	sbr.abs _section_cstart, $3  }
0xc1: {  	[dreg:$0x1] =	wrdreg $0xFFFFFFFF  }
0xc2: {  	_ =	task.clear_ibuf [dreg:s7], $0x2FFFF;
	_ =	strace $0x9FFFFFFF  }
0xc3: {  	(tm) =	ssettm $0x7FFFFFFF  }
tec
execute0_lowered:
.L_overlay_start_1:
0x0: {  	(tag) =	ssettag $0x1  }
0x1: {  	s10 =	rddreg [dreg:$0x0]  }
0x2: {  	s6 =	rddreg [dreg:$0x1]  }
0x3: {  	s1 =	rddreg [dreg:$0x2]  }
0x4: {  	s2 =	srdreg.scid;
	s0 =	rddreg [dreg:$0x3]  }
0x5: {  	s3 =	simm.s32 $0x0;
	s16 =	simm.s32 $0x4;
	s17 =	simm.s32 $0x80  }
0x6: {  	s18 =	simm.s32 $0x3C00;
	s19 =	simm.s32 $0x7C00;
	s20 =	simm.s32 $0x1  }
0x7: {  	s21 =	simm.s32 $0x2;
	s22 =	simm.s32 $0x3B00;
	s23 =	simm.s32 $0x3B80  }
0x8: {  	s24 =	simm.s32 $0x0;
	s8 =	sand.u32 $0x1, s2;
	s2 =	stileid.u32  }
0x9: {  	[smem:$0x7FF] =	sst s3;
	s14 =	sadd.s32 $0x4E00, s10;
	s5 =	sadd.s32 $0x5EE00, s10  }
0xa: {  	s4 =	sshll.u32 s8, $0x4;
	_ =	strace $0x8000004D;
	s9 =	ssub.s32 $0x2, s8  }
0xb: {  	s13 =	smul.u32 $0x50000, s2;
	s28 =	sshll.u32 s2, $0x6;
	p0 =	seq.s32 s8, $0x1  }
0xc: {  	s30 =	smul.u32 $0x2800, s2;
	s7 =	sor.u32 s2, s4;
	s4 =	sadd.s32 $0x36E00, s10  }
0xd: {  	s12 =	sshrl.u32 s9, $0x1;
	s8 =	sor.u32 $0x1C05, s28;
	s11 =	smul.u32 $0x500, s7  }
0xe: {  	s25 =	sshrl.u32 s13, $0x2;
	s26 =	smul.u32 $0x2800, s7;
	s13 =	simm.s32 $0x89600  }
0xf: {  	s12 =	ssub.s32 s9, s12;
	s15 =	sadd.s32 s25, s1;
	s13 =	simm.s32 @!p0 $0x61600  }
0x10: {  	s6 =	sadd.s32 s6, s11;
	s7 =	sadd.s32 s14, s11;
	s29 =	sshrl.u32 s26, $0x3  }
0x11: {  	s31 =	sadd.s32 s13, s10;
	s10 =	smax.u32 s12, $0x1;
	s12 =	simm.s32 $0x2800  }
0x12: {  	s13 =	sshrl.u32 s15, $0x3;
	s15 =	simm.s32 $0x3;
	s11 =	sadd.s32 s14, s29  }
0x13: {  	s14 =	simm.s32 $0x5;
	s9 =	sadd.s32 $0x280, s11;
	s11 =	sadd.s32 s31, s30  }
.LBB2_1:
0x14: {  	[tilespmem:s3], [sflag:$0x3] =	stream.linear.gather [hbm4b:s6+s3], $0x2800, $0x38;
	[tilespmem:$0x1FC00] =	vst v63  }
0x15: {  	_ = 	snop  }
0x16: {  	[tilespmem:s12], [sflag:$0x4] =	stream.linear.gather [hbm4b:s7+s3], $0x1400, $0x38;
	[tilespmem:$0x1FC00] =	vst v63  }
0x17: {  	[spmem:s13], [sflag:s8] =	dma.local [hbm:s5], $0x2800  }
0x18: {  	_ =	swait.ge [sflag:s14], $0x2800  }
0x19: {  	[sflag:s14] =	ssyncset.done $0x0  }
0x1a: {  	[sflag:s14] =	ssyncadd.s32 $0xFFFFD800  }
0x1b: {  	_ =	swait.ge [sflag:s15], $0x2800  }
0x1c: {  	[sflag:s15] =	ssyncset.done $0x0  }
0x1d: {  	[sflag:s15] =	ssyncadd.s32 $0xFFFFD800  }
0x1e: {  	_ =	swait.ge [sflag:s16], $0x1400  }
0x1f: {  	[sflag:s16] =	ssyncset.done $0x0  }
0x20: {  	[sflag:s16] =	ssyncadd.s32 $0xFFFFEC00  }
0x21: {  	[bflag:$0x0] =	sbarrier.arrive $0xFFFF  }
0x22: {  	[tilespmem:s18], [sflag:$0x1] =	stream.indirect.gather [hbm4b:s4+s17], $0x80, s3, s17, $0xb8;
	[tilespmem:$0x1FC00] =	vst v63  }
0x23: {  	_ = 	snop  }
0x24: {  	[tilespmem:s19], [sflag:$0x2] =	stream.indirect.gather [hbm4b:s4+s17], $0x80, s17, s17, $0xb8;
	[tilespmem:$0x1FC00] =	vst v63  }
0x25: {  	_ =	swait.ge [sflag:s20], $0x4000  }
0x26: {  	[sflag:s20] =	ssyncset.done $0x0  }
0x27: {  	s25 =	simm.s32 $0x2800;
	[sflag:s20] =	ssyncadd.s32 $0xFFFFC000  }
0x28: {  	[spmem:s1] =	stream.indirect.scatter.add.f32 [tilespmem:s18], [sflag:$0x5], $0x80, s25, s17, $0xb8;
	[tilespmem:$0x1FC00] =	vst v63  }
0x29: {  	_ =	swait.ge [sflag:s14], $0x4000  }
0x2a: {  	[sflag:s14] =	ssyncset.done $0x0  }
0x2b: {  	s30 =	simm.s32 $0x100;
	[sflag:s14] =	ssyncadd.s32 $0xFFFFC000  }
0x2c: {  	[tilespmem:s18], [sflag:$0x1] =	stream.indirect.gather [hbm4b:s4+s17], $0x80, s30, s17, $0xb8;
	[tilespmem:$0x1FC00] =	vst v63  }
0x2d: {  	_ =	swait.ge [sflag:s21], $0x4000  }
0x2e: {  	[sflag:s21] =	ssyncset.done $0x0  }
0x2f: {  	s31 =	simm.s32 $0x2880;
	[sflag:s21] =	ssyncadd.s32 $0xFFFFC000  }
0x30: {  	[spmem:s1] =	stream.indirect.scatter.add.f32 [tilespmem:s19], [sflag:$0x5], $0x80, s31, s17, $0xb8;
	[tilespmem:$0x1FC00] =	vst v63  }
0x31: {  	_ =	swait.ge [sflag:s14], $0x4000  }
0x32: {  	[sflag:s14] =	ssyncset.done $0x0  }
0x33: {  	s26 =	simm.s32 $0x180;
	s25 =	simm.s32 $0x400;
	[sflag:s14] =	ssyncadd.s32 $0xFFFFC000  }
.LBB2_2:
0x34: {  	[tilespmem:s19], [sflag:$0x2] =	stream.indirect.gather [hbm4b:s4+s17], $0x80, s26, s17, $0xb8;
	[tilespmem:$0x1FC00] =	vst v63  }
0x35: {  	s26 =	smov.u32 s25  }
0x36: {  	p0 =	sne.s32 s25, $0x4C00;
	s25 =	sadd.s32 $0x400, s25;
	_ =	swait.ge [sflag:s20], $0x4000  }
0x37: {  	s26 =	sshra.s32 s26, $0x2;
	[sflag:s20] =	ssyncset.done $0x0  }
0x38: {  	s28 =	sadd.s32 $0x2800, s26;
	[sflag:s20] =	ssyncadd.s32 $0xFFFFC000  }
0x39: {  	[spmem:s1] =	stream.indirect.scatter.add.f32 [tilespmem:s18], [sflag:$0x5], $0x80, s28, s17, $0xb8;
	[tilespmem:$0x1FC00] =	vst v63  }
0x3a: {  	_ =	swait.ge [sflag:s14], $0x4000  }
0x3b: {  	[sflag:s14] =	ssyncset.done $0x0  }
0x3c: {  	s28 =	sadd.s32 $0x100, s26;
	[sflag:s14] =	ssyncadd.s32 $0xFFFFC000  }
0x3d: {  	[tilespmem:s18], [sflag:$0x1] =	stream.indirect.gather [hbm4b:s4+s17], $0x80, s28, s17, $0xb8;
	[tilespmem:$0x1FC00] =	vst v63  }
0x3e: {  	_ =	swait.ge [sflag:s21], $0x4000  }
0x3f: {  	[sflag:s21] =	ssyncset.done $0x0  }
.Ltmp0:
0x40: {  	s28 =	sadd.s32 $0x2880, s26;
	[sflag:s21] =	ssyncadd.s32 $0xFFFFC000;
	(pc) =	sbr.rel @p0 .LBB2_2-.Ltmp0, $4  }
0x41: {  	[spmem:s1] =	stream.indirect.scatter.add.f32 [tilespmem:s19], [sflag:$0x5], $0x80, s28, s17, $0xb8;
	[tilespmem:$0x1FC00] =	vst v63  }
0x42: {  	_ =	swait.ge [sflag:s14], $0x4000  }
0x43: {  	[sflag:s14] =	ssyncset.done $0x0  }
0x44: {  	s26 =	sadd.s32 $0x180, s26;
	[sflag:s14] =	ssyncadd.s32 $0xFFFFC000  }
0x45: {  	[tilespmem:s19], [sflag:$0x2] =	stream.indirect.gather [hbm4b:s4+s17], $0x80, s26, s17, $0xb8;
	[tilespmem:$0x1FC00] =	vst v63  }
0x46: {  	s25 =	simm.s32 $0x0  }
0x47: {  	[tilespmem:s12], [sflag:$0x5] =	stream.linear.gather [hbm4b:s9+s25], $0x1400, $0x38;
	[tilespmem:$0x1FC00] =	vst v63  }
0x48: {  	_ =	swait.ge [sflag:s14], $0x1400  }
0x49: {  	[sflag:s14] =	ssyncset.done $0x0  }
0x4a: {  	[sflag:s14] =	ssyncadd.s32 $0xFFFFEC00  }
0x4b: {  	_ =	swait.ge [sflag:s20], $0x4000  }
0x4c: {  	[sflag:s20] =	ssyncset.done $0x0  }
0x4d: {  	s29 =	simm.s32 $0x2800;
	[sflag:s20] =	ssyncadd.s32 $0xFFFFC000  }
0x4e: {  	[spmem:s1] =	stream.indirect.scatter.add.f32 [tilespmem:s18], [sflag:$0x5], $0x80, s29, s17, $0xb8;
	[tilespmem:$0x1FC00] =	vst v63  }
0x4f: {  	_ =	swait.ge [sflag:s14], $0x4000  }
0x50: {  	[sflag:s14] =	ssyncset.done $0x0  }
0x51: {  	s30 =	simm.s32 $0x1500;
	[sflag:s14] =	ssyncadd.s32 $0xFFFFC000  }
0x52: {  	[tilespmem:s18], [sflag:$0x1] =	stream.indirect.gather [hbm4b:s4+s17], $0x80, s30, s17, $0xb8;
	[tilespmem:$0x1FC00] =	vst v63  }
0x53: {  	_ =	swait.ge [sflag:s21], $0x4000  }
0x54: {  	[sflag:s21] =	ssyncset.done $0x0  }
0x55: {  	s31 =	simm.s32 $0x2880;
	[sflag:s21] =	ssyncadd.s32 $0xFFFFC000  }
0x56: {  	[spmem:s1] =	stream.indirect.scatter.add.f32 [tilespmem:s19], [sflag:$0x5], $0x80, s31, s17, $0xb8;
	[tilespmem:$0x1FC00] =	vst v63  }
0x57: {  	_ =	swait.ge [sflag:s14], $0x4000  }
0x58: {  	[sflag:s14] =	ssyncset.done $0x0  }
0x59: {  	s26 =	simm.s32 $0x1580;
	s25 =	simm.s32 $0x400;
	[sflag:s14] =	ssyncadd.s32 $0xFFFFC000  }
.LBB2_4:
0x5a: {  	[tilespmem:s19], [sflag:$0x2] =	stream.indirect.gather [hbm4b:s4+s17], $0x80, s26, s17, $0xb8;
	[tilespmem:$0x1FC00] =	vst v63  }
0x5b: {  	s26 =	smov.u32 s25  }
0x5c: {  	p0 =	sne.s32 s25, $0x4800;
	s25 =	sadd.s32 $0x400, s25;
	_ =	swait.ge [sflag:s20], $0x4000  }
0x5d: {  	s26 =	sshra.s32 s26, $0x2;
	[sflag:s20] =	ssyncset.done $0x0  }
0x5e: {  	s28 =	sadd.s32 $0x2800, s26;
	[sflag:s20] =	ssyncadd.s32 $0xFFFFC000  }
0x5f: {  	[spmem:s1] =	stream.indirect.scatter.add.f32 [tilespmem:s18], [sflag:$0x5], $0x80, s28, s17, $0xb8;
	[tilespmem:$0x1FC00] =	vst v63  }
0x60: {  	_ =	swait.ge [sflag:s14], $0x4000  }
0x61: {  	[sflag:s14] =	ssyncset.done $0x0  }
0x62: {  	s28 =	sadd.s32 $0x1500, s26;
	[sflag:s14] =	ssyncadd.s32 $0xFFFFC000  }
0x63: {  	[tilespmem:s18], [sflag:$0x1] =	stream.indirect.gather [hbm4b:s4+s17], $0x80, s28, s17, $0xb8;
	[tilespmem:$0x1FC00] =	vst v63  }
0x64: {  	_ =	swait.ge [sflag:s21], $0x4000  }
0x65: {  	[sflag:s21] =	ssyncset.done $0x0  }
.Ltmp1:
0x66: {  	s28 =	sadd.s32 $0x2880, s26;
	[sflag:s21] =	ssyncadd.s32 $0xFFFFC000;
	(pc) =	sbr.rel @p0 .LBB2_4-.Ltmp1, $4  }
0x67: {  	[spmem:s1] =	stream.indirect.scatter.add.f32 [tilespmem:s19], [sflag:$0x5], $0x80, s28, s17, $0xb8;
	[tilespmem:$0x1FC00] =	vst v63  }
0x68: {  	_ =	swait.ge [sflag:s14], $0x4000  }
0x69: {  	[sflag:s14] =	ssyncset.done $0x0  }
0x6a: {  	s26 =	sadd.s32 $0x1580, s26;
	[sflag:s14] =	ssyncadd.s32 $0xFFFFC000  }
0x6b: {  	[tilespmem:s19], [sflag:$0x2] =	stream.indirect.gather [hbm4b:s4+s17], $0x80, s26, s17, $0xb8;
	[tilespmem:$0x1FC00] =	vst v63  }
0x6c: {  	_ =	swait.ge [sflag:s20], $0x4000  }
0x6d: {  	[sflag:s20] =	ssyncset.done $0x0  }
0x6e: {  	[sflag:s20] =	ssyncadd.s32 $0xFFFFC000  }
0x6f: {  	[spmem:s1] =	stream.indirect.scatter.add.f32 [tilespmem:s18], [sflag:$0x5], $0x80, s22, s17, $0xb8;
	[tilespmem:$0x1FC00] =	vst v63  }
0x70: {  	_ =	swait.ge [sflag:s14], $0x4000  }
0x71: {  	[sflag:s14] =	ssyncset.done $0x0  }
0x72: {  	[sflag:s14] =	ssyncadd.s32 $0xFFFFC000  }
0x73: {  	_ =	swait.ge [sflag:s21], $0x4000  }
0x74: {  	[sflag:s21] =	ssyncset.done $0x0  }
0x75: {  	[sflag:s21] =	ssyncadd.s32 $0xFFFFC000  }
0x76: {  	[spmem:s1] =	stream.indirect.scatter.add.f32 [tilespmem:s19], [sflag:$0x5], $0x80, s23, s17, $0xb8;
	[tilespmem:$0x1FC00] =	vst v63  }
0x77: {  	_ =	swait.ge [sflag:s14], $0x4000  }
0x78: {  	s24 =	sadd.s32 $0x1, s24;
	[sflag:s14] =	ssyncset.done $0x0  }
0x79: {  	p0 =	sne.s32 s24, s10;
	[sflag:s14] =	ssyncadd.s32 $0xFFFFC000  }
.Ltmp2:
0x7a: {  	[bflag:$0x0] =	sbarrier.arrive $0xFFFF;
	(pc) =	sbr.rel @p0 .LBB2_1-.Ltmp2, $4  }
0x7b: {  	[hbm:s11], [sflag:s8] =	dma.local [spmem:s13], $0x2800  }
0x7c: {  	_ =	swait.ge [sflag:s14], $0x2800  }
0x7d: {  	[sflag:s14] =	ssyncset.done $0x0  }
0x7e: {  	[sflag:s14] =	ssyncadd.s32 $0xFFFFD800  }
0x7f: {  	_ =	sfence.sel $0x180000  }
0x80: {  	[bflag:$0x0] =	sbarrier.arrive $0xFFFF  }
0x81: {  	p0 =	sne.s32 s2, $0x0;
	_ =	strace $0x9000004D  }
0x82: {  	s0 =	sadd.s32 @!p0 $0x100000, s0;
	[bflag:$0x2] =	sbarrier.arrive $0xFFFF  }
0x83: {  	[sflag:s0] =	ssyncadd.tile.s32 @!p0 $0x1;
	_ =	shalt  }
.Lfunc_end2:
_tile_overlayer_lowered:
.L_overlay_start_2:
0x84: {  	(tag) =	ssettag $0x2  }
0x85: {  	s0 =	rddreg [dreg:$0x0];
	s2 =	stileid.u32  }
0x86: {  	s1 =	rddreg [dreg:$0x1];
	p0 =	sne.s32 s2, $0x0  }
0x87: {  	s3 =	rddreg [dreg:$0x2];
	[bflag:$0x3] =	sbarrier.arrive $0xFFFF;
	s2 =	simm.s32 @!p0 $0x1C05  }
0x88: {  	[timem:s3], [sflag:s2] =	dma.local @!p0 [hbm:s0], s1  }
0x89: {  	s0 =	simm.s32 @!p0 $0x5  }
0x8a: {  	_ =	swait.ge @!p0 [sflag:s0], s1  }
0x8b: {  	s1 =	ssub.s32 @!p0 $0x0, s1;
	[sflag:s0] =	ssyncset.done @!p0 $0x0  }
0x8c: {  	[sflag:s0] =	ssyncadd.s32 @!p0 s1  }
0x8d: {  	[bflag:$0x3] =	sbarrier.arrive $0xFFFF  }
0x8e: {  	_ =	shalt  }

// kernel: kernel.19.cloned.1.call-start
scs
__scs_entry_jumppad:
0x0: {  	(pc) =	sbr.rel $0x88, $3  }
0x1: {  	(tag) =	ssettag $0x0;
	lr =	simm.s32 $0x1  }
0x2: {  	[smem:$0x3F99] =	sst lr;
	_ =	strace $0xD0000000  }
0x3: {  	_ = 	snop  }
0x4: {  	_ = 	snop  }
0x5: {  	_ = 	snop  }
0x6: {  	_ = 	snop  }
0x7: {  	_ = 	snop  }
__scs_overlays_trampoline_lowered:
0x8: {  	[smem:$0x3FA8] =	sst s0  }
0x9: {  	[smem:$0x3FA9] =	sst s1  }
0xa: {  	[smem:$0x3FAA] =	sst s2  }
0xb: {  	[smem:$0x3FAB] =	sst s3  }
0xc: {  	[smem:$0x3FAC] =	sst s4  }
0xd: {  	[smem:$0x3FAD] =	sst s5  }
0xe: {  	[smem:$0x3FAE] =	sst s6  }
0xf: {  	[smem:$0x3FAF] =	sst s7  }
0x10: {  	[smem:$0x3FB0] =	sst s8  }
0x11: {  	[smem:$0x3FB1] =	sst s9;
	s0 =	simm.s32 @!p0 $0x0  }
0x12: {  	s1 =	sld [smem:$0x3F97];
	s0 =	simm.s32 @p0 $0x1  }
0x13: {  	[smem:$0x3FB2] =	sst s0;
	s0 =	simm.s32 @!p1 $0x0  }
0x14: {  	s2 =	sld [smem:$0x3F96];
	s0 =	simm.s32 @p1 $0x1  }
0x15: {  	[smem:$0x3FB3] =	sst s0;
	s0 =	simm.s32 @!p2 $0x0  }
0x16: {  	s3 =	sld [smem:$0x3FDB];
	s0 =	simm.s32 @p2 $0x1  }
0x17: {  	s4 =	simm.s32 $0x1BF5;
	[smem:$0x3FB5] =	sst s0  }
0x18: {  	s0 =	sld [smem:$0x3F98];
	_ =	swait.ge [sflag:s4], $0x0  }
0x19: {  	s7 =	sld [smem:$0x3F99]  }
0x1a: {  	s8 =	sadd.s32 $0xFFFFE003, lr  }
0x1b: {  	s9 =	sadd.s32 $0xFFFFFEF7, lr;
	s5 =	simm.s32 $0xFFFFFFFF;
	p2 =	slt.u32 s8, $0xFFFFF086  }
0x1c: {  	p1 =	slt.u32 s9, $0xF7A;
	s5 =	simm.s32 @!p2 $0x0  }
0x1d: {  	s5 =	simm.s32 @p1 $0x1;
	p0 =	seq.s32 s7, s2  }
0x1e: {  	s7 =	smul.u32 @!p0 $0xF7A, s2;
	p2 =	seq.s32 @!p0 s5, $0x0  }
0x1f: {  	s9 =	smul.u32 $0xF7A, s1;
	s8 =	simm.s32 @!p0 $0x1BF5;
	p2 =	por !p2, p0  }
0x20: {  	[sflag:s8] =	ssyncset.s32 @!p0 $0xFFFFF086;
	s6 =	sadd.s32 @!p0 s3, s7;
	s7 =	simm.s32 @!p0 $0x108  }
0x21: {  	s3 =	sadd.s32 s3, s9;
	s6 =	sadd.s32 @!p0 $0x88, s6;
	s7 =	simm.s32 @p2 $0x1082  }
0x22: {  	[simem:s7], [sflag:s8] =	dma.local @!p0 [hbm:s6], $0xF7A  }
0x23: {  	s9 =	sor.u32 $0xD0000000, s2;
	s6 =	simm.s32 $0x108;
	_ =	swait.ge @!p0 [sflag:s8], $0x0  }
0x24: {  	s3 =	sadd.s32 $0x88, s3;
	s6 =	simm.s32 @!p1 $0x1082;
	[sflag:s4] =	ssyncset.s32 $0xFFFFF086  }
0x25: {  	[simem:s6], [sflag:s4] =	dma.local [hbm:s3], $0xF7A  }
0x26: {  	[smem:$0x3F99] =	sst s1;
	(tag) =	ssettag s2;
	_ =	strace s9  }
0x27: {  	s1 =	sld [smem:$0x3FA9]  }
0x28: {  	s2 =	sld [smem:$0x3FAA]  }
0x29: {  	s4 =	sld [smem:$0x3FAC]  }
0x2a: {  	p0 =	seq.s32 s5, $0x0;
	s5 =	sld [smem:$0x3FAD]  }
0x2b: {  	s6 =	sld [smem:$0x3FAE]  }
0x2c: {  	s7 =	sld [smem:$0x3FAF]  }
0x2d: {  	s3 =	simm.s32 $0x108;
	s8 =	sld [smem:$0x3FB0]  }
0x2e: {  	s3 =	simm.s32 @!p0 $0x1082;
	s9 =	sld [smem:$0x3FB1]  }
0x2f: {  	lr =	sadd.s32 s0, s3;
	s0 =	sld [smem:$0x3FA8]  }
0x30: {  	s3 =	sld [smem:$0x3FAB]  }
0x31: {  	[smem:$0x3FB4] =	sst s10  }
0x32: {  	s10 =	sld [smem:$0x3FB2];
	_ =	sdelay $0x3  }
0x33: {  	p0 =	seq.s32 s10, $0x1;
	s10 =	sld [smem:$0x3FB4];
	_ =	sdelay $0x3  }
0x34: {  	[smem:$0x3FB4] =	sst s10  }
0x35: {  	s10 =	sld [smem:$0x3FB3];
	_ =	sdelay $0x3  }
0x36: {  	p1 =	seq.s32 s10, $0x1;
	s10 =	sld [smem:$0x3FB4];
	_ =	sdelay $0x3  }
0x37: {  	[smem:$0x3FB4] =	sst s10  }
0x38: {  	s10 =	sld [smem:$0x3FB5]  }
0x39: {  	_ = 	snop;
	(pc) =	sbr.ind lr, $3  }
0x3a: {  	_ = 	snop  }
0x3b: {  	_ = 	snop  }
0x3c: {  	p2 =	seq.s32 s10, $0x1;
	s10 =	sld [smem:$0x3FB4]  }
0x3d: {  	_ =	shalt  }
0x3e: {  	_ =	shalt  }
0x3f: {  	_ =	shalt  }
0x40: {  	_ =	shalt  }
0x41: {  	_ =	shalt  }
0x42: {  	_ =	shalt  }
0x43: {  	_ =	shalt  }
0x44: {  	_ =	shalt  }
0x45: {  	_ =	shalt  }
0x46: {  	_ =	shalt  }
0x47: {  	_ =	shalt  }
0x48: {  	_ =	shalt  }
0x49: {  	_ =	shalt  }
0x4a: {  	_ =	shalt  }
0x4b: {  	_ =	shalt  }
0x4c: {  	_ =	shalt  }
0x4d: {  	_ =	shalt  }
0x4e: {  	_ =	shalt  }
0x4f: {  	_ =	shalt  }
0x50: {  	_ =	shalt  }
0x51: {  	_ =	shalt  }
0x52: {  	_ =	shalt  }
0x53: {  	_ =	shalt  }
0x54: {  	_ =	shalt  }
0x55: {  	_ =	shalt  }
0x56: {  	_ =	shalt  }
0x57: {  	_ =	shalt  }
0x58: {  	_ =	shalt  }
0x59: {  	_ =	shalt  }
0x5a: {  	_ =	shalt  }
0x5b: {  	_ =	shalt  }
0x5c: {  	_ =	shalt  }
0x5d: {  	_ =	shalt  }
0x5e: {  	_ =	shalt  }
0x5f: {  	_ =	shalt  }
0x60: {  	_ =	shalt  }
0x61: {  	_ =	shalt  }
0x62: {  	_ =	shalt  }
0x63: {  	_ =	shalt  }
0x64: {  	_ =	shalt  }
0x65: {  	_ =	shalt  }
0x66: {  	_ =	shalt  }
0x67: {  	_ =	shalt  }
0x68: {  	_ =	shalt  }
0x69: {  	_ =	shalt  }
0x6a: {  	_ =	shalt  }
0x6b: {  	_ =	shalt  }
0x6c: {  	_ =	shalt  }
0x6d: {  	_ =	shalt  }
0x6e: {  	_ =	shalt  }
0x6f: {  	_ =	shalt  }
0x70: {  	_ =	shalt  }
0x71: {  	_ =	shalt  }
0x72: {  	_ =	shalt  }
0x73: {  	_ =	shalt  }
0x74: {  	_ =	shalt  }
0x75: {  	_ =	shalt  }
0x76: {  	_ =	shalt  }
0x77: {  	_ =	shalt  }
0x78: {  	_ =	shalt  }
0x79: {  	_ =	shalt  }
0x7a: {  	_ =	shalt  }
0x7b: {  	_ =	shalt  }
0x7c: {  	_ =	shalt  }
0x7d: {  	_ =	shalt  }
0x7e: {  	_ =	shalt  }
0x7f: {  	_ =	shalt  }
0x80: {  	_ =	shalt  }
0x81: {  	_ =	shalt  }
0x82: {  	_ =	shalt  }
0x83: {  	_ =	shalt  }
0x84: {  	_ =	shalt  }
0x85: {  	_ =	shalt  }
0x86: {  	_ =	shalt  }
0x87: {  	_ =	shalt  }
.Lfunc_end0:
.L_simem_size_0:
called_computation.3_lowered:
.L_overlay_start_0:
0x88: {  	s2 =	sld [smem:$0x3FD9]  }
0x89: {  	s3 =	sld [smem:$0x3FFE];
	_ =	sdelay $0x1  }
0x8a: {  	s1 =	srdreg.scid  }
0x8b: {  	s0 =	sand.u32 $0x1, s1  }
0x8c: {  	s17 =	sshll.u32 s0, $0xA;
	s2 =	sadd.s32 s3, s2  }
0x8d: {  	s2 =	sadd.s32 s2, s17  }
0x8e: {  	[smem:$0x3FC0] =	sst s2  }
0x8f: {  	_ = 	snop  }
0x90: {  	s2 =	sld [smem:$0x3FD0];
	(tm) =	ssettm $0x1  }
0x91: {  	s18 =	sld [smem:$0x3FFB];
	_ =	sdelay $0x3  }
0x92: {  	_ =	strace s18  }
0x93: {  	s3 =	sld [smem:$0x3FFC];
	_ =	sdelay $0x3  }
0x94: {  	_ =	strace s3  }
0x95: {  	s3 =	sld [smem:$0x3FFD];
	_ =	sdelay $0x3  }
0x96: {  	_ =	strace s3  }
0x97: {  	_ =	strace $0x8FFFFFFF  }
0x98: {  	s19 =	sld [smem:$0x3FDB];
	_ =	sdelay $0x1  }
0x99: {  	s4 =	simm.s32 $_scs_section_size  }
0x9a: {  	s5 =	simm.s32 $_size__tile_overlayer_lowered;
	s6 =	simm.s32 $_tile_overlayer_lowered  }
0x9b: {  	s22 =	simm.s32 $0x1BFF;
	s21 =	sshll.u32 s6, $0x1;
	s3 =	sadd.s32 s4, s19  }
0x9c: {  	s7 =	simm.s32 $0x0;
	s20 =	sshll.u32 s5, $0x1;
	s5 =	sadd.s32 s21, s3  }
0x9d: {  	[timem:s7], [sflag:s22] =	dma.local [hbm:s5], s20  }
0x9e: {  	_ =	swait.ge [sflag:s22], s20  }
0x9f: {  	s4 =	ssub.s32 $0x0, s20;
	[sflag:s22] =	ssyncset.done $0x0  }
0xa0: {  	[sflag:s22] =	ssyncadd.s32 s4;
	_ =	sdelay $0x1  }
0xa1: {  	s23 =	simm.s32 $0x1B8B  }
0xa2: {  	_ =	swait.ge [sflag:s23], $0x1  }
0xa3: {  	[sflag:s23] =	ssyncset.done $0x0  }
0xa4: {  	s25 =	simm.s32 $0x1B8E;
	s24 =	sld [smem:$0x3FFE];
	[sflag:s23] =	ssyncadd.s32 $0xFFFFFFFF  }
0xa5: {  	s26 =	simm.s32 $execute0_lowered;
	[smem:$0x3FD2] =	sst s25  }
0xa6: {  	s5 =	sshll.u32 s26, $0x1;
	_ =	strace $0x8000004F;
	[dreg:$0x1] =	wrdreg $0xFFFFFFFF  }
0xa7: {  	s28 =	simm.s32 $_size_execute0_lowered;
	s3 =	sadd.s32 s3, s5;
	[dreg:$0x0] =	wrdreg $0x0  }
0xa8: {  	s5 =	sshll.u32 s28, $0x1;
	[dreg:$0x2] =	wrdreg s3  }
0xa9: {  	[dreg:$0x3] =	wrdreg s5  }
0xaa: {  	[dreg:$0x4] =	wrdreg $0xC0  }
0xab: {  	_ =	task [dreg:s7], $0x5FFFF  }
0xac: {  	[dreg:$0x1] =	wrdreg $0xFFFFFFFF  }
0xad: {  	[dreg:$0x0] =	wrdreg $0x60  }
0xae: {  	[dreg:$0x2] =	wrdreg s24  }
0xaf: {  	[dreg:$0x3] =	wrdreg s2  }
0xb0: {  	[dreg:$0x4] =	wrdreg $0xBC000  }
0xb1: {  	[dreg:$0x5] =	wrdreg $0x9  }
0xb2: {  	_ =	task.clear_ibuf [dreg:s7], $0x6FFFF;
	_ =	strace $0x9000004F  }
0xb3: {  	s29 =	simm.s32 $0x9;
	_ =	strace $0x80000051  }
0xb4: {  	_ =	swait.ge [sflag:s29], $0x1  }
0xb5: {  	[sflag:s29] =	ssyncadd.s32 $0xFFFFFFFF  }
0xb6: {  	_ =	strace $0x90000051  }
0xb7: {  	_ =	sfence  }
0xb8: {  	s30 =	sld [smem:$0x0];
	_ =	sdelay $0x2  }
0xb9: {  	s31 =	sshll.u32 s1, $0xD;
	s1 =	sshrl.u32 s1, $0x2  }
0xba: {  	s3 =	sand.u32 $0x4000, s31;
	s1 =	sadd.s32 s1, s30  }
0xbb: {  	s0 =	sor.u32 s3, s0;
	s1 =	sshll.u32 s1, $0x11  }
0xbc: {  	s0 =	sor.u32 s1, s0  }
0xbd: {  	s0 =	sadd.s32 $0x8F2B, s0  }
0xbe: {  	[sflag:s0] =	ssyncadd.remote.s32 $0x1  }
0xbf: {  	_ =	sfence.sel $0xFFFF  }
0xc0: {  	[dreg:$0x0] =	wrdreg $0xFFFFFFFF;
	(pc) =	sbr.abs _section_cstart, $3  }
0xc1: {  	[dreg:$0x1] =	wrdreg $0xFFFFFFFF  }
0xc2: {  	_ =	task.clear_ibuf [dreg:s7], $0x2FFFF;
	_ =	strace $0x9FFFFFFF  }
0xc3: {  	(tm) =	ssettm $0x7FFFFFFF  }
tec
execute0_lowered:
.L_overlay_start_1:
0x0: {  	(tag) =	ssettag $0x1  }
0x1: {  	s10 =	rddreg [dreg:$0x0]  }
0x2: {  	s6 =	rddreg [dreg:$0x1]  }
0x3: {  	s1 =	rddreg [dreg:$0x2]  }
0x4: {  	s2 =	srdreg.scid;
	s0 =	rddreg [dreg:$0x3]  }
0x5: {  	s3 =	simm.s32 $0x0;
	s16 =	simm.s32 $0x4;
	s17 =	simm.s32 $0x80  }
0x6: {  	s18 =	simm.s32 $0x3C00;
	s19 =	simm.s32 $0x7C00;
	s20 =	simm.s32 $0x1  }
0x7: {  	s21 =	simm.s32 $0x2;
	s22 =	simm.s32 $0x3B00;
	s23 =	simm.s32 $0x3B80  }
0x8: {  	s24 =	simm.s32 $0x0;
	s8 =	sand.u32 $0x1, s2;
	s2 =	stileid.u32  }
0x9: {  	[smem:$0x7FF] =	sst s3;
	s14 =	sadd.s32 $0x4E00, s10;
	s5 =	sadd.s32 $0x5EE00, s10  }
0xa: {  	s4 =	sshll.u32 s8, $0x4;
	_ =	strace $0x80000050;
	s9 =	ssub.s32 $0x2, s8  }
0xb: {  	s13 =	smul.u32 $0x50000, s2;
	s28 =	sshll.u32 s2, $0x6;
	p0 =	seq.s32 s8, $0x1  }
0xc: {  	s30 =	smul.u32 $0x2800, s2;
	s7 =	sor.u32 s2, s4;
	s4 =	sadd.s32 $0x36E00, s10  }
0xd: {  	s12 =	sshrl.u32 s9, $0x1;
	s8 =	sor.u32 $0x1C05, s28;
	s11 =	smul.u32 $0x500, s7  }
0xe: {  	s25 =	sshrl.u32 s13, $0x2;
	s26 =	smul.u32 $0x2800, s7;
	s13 =	simm.s32 $0x89600  }
0xf: {  	s12 =	ssub.s32 s9, s12;
	s15 =	sadd.s32 s25, s1;
	s13 =	simm.s32 @!p0 $0x61600  }
0x10: {  	s6 =	sadd.s32 s6, s11;
	s7 =	sadd.s32 s14, s11;
	s29 =	sshrl.u32 s26, $0x3  }
0x11: {  	s31 =	sadd.s32 s13, s10;
	s10 =	smax.u32 s12, $0x1;
	s12 =	simm.s32 $0x2800  }
0x12: {  	s13 =	sshrl.u32 s15, $0x3;
	s15 =	simm.s32 $0x3;
	s11 =	sadd.s32 s14, s29  }
0x13: {  	s14 =	simm.s32 $0x5;
	s9 =	sadd.s32 $0x280, s11;
	s11 =	sadd.s32 s31, s30  }
.LBB2_1:
0x14: {  	[tilespmem:s3], [sflag:$0x3] =	stream.linear.gather [hbm4b:s6+s3], $0x2800, $0x38;
	[tilespmem:$0x1FC00] =	vst v63  }
0x15: {  	_ = 	snop  }
0x16: {  	[tilespmem:s12], [sflag:$0x4] =	stream.linear.gather [hbm4b:s7+s3], $0x1400, $0x38;
	[tilespmem:$0x1FC00] =	vst v63  }
0x17: {  	[spmem:s13], [sflag:s8] =	dma.local [hbm:s5], $0x2800  }
0x18: {  	_ =	swait.ge [sflag:s14], $0x2800  }
0x19: {  	[sflag:s14] =	ssyncset.done $0x0  }
0x1a: {  	[sflag:s14] =	ssyncadd.s32 $0xFFFFD800  }
0x1b: {  	_ =	swait.ge [sflag:s15], $0x2800  }
0x1c: {  	[sflag:s15] =	ssyncset.done $0x0  }
0x1d: {  	[sflag:s15] =	ssyncadd.s32 $0xFFFFD800  }
0x1e: {  	_ =	swait.ge [sflag:s16], $0x1400  }
0x1f: {  	[sflag:s16] =	ssyncset.done $0x0  }
0x20: {  	[sflag:s16] =	ssyncadd.s32 $0xFFFFEC00  }
0x21: {  	[bflag:$0x0] =	sbarrier.arrive $0xFFFF  }
0x22: {  	[tilespmem:s18], [sflag:$0x1] =	stream.indirect.gather [hbm4b:s4+s17], $0x80, s3, s17, $0xb8;
	[tilespmem:$0x1FC00] =	vst v63  }
0x23: {  	_ = 	snop  }
0x24: {  	[tilespmem:s19], [sflag:$0x2] =	stream.indirect.gather [hbm4b:s4+s17], $0x80, s17, s17, $0xb8;
	[tilespmem:$0x1FC00] =	vst v63  }
0x25: {  	_ =	swait.ge [sflag:s20], $0x4000  }
0x26: {  	[sflag:s20] =	ssyncset.done $0x0  }
0x27: {  	s25 =	simm.s32 $0x2800;
	[sflag:s20] =	ssyncadd.s32 $0xFFFFC000  }
0x28: {  	[spmem:s1] =	stream.indirect.scatter.add.f32 [tilespmem:s18], [sflag:$0x5], $0x80, s25, s17, $0xb8;
	[tilespmem:$0x1FC00] =	vst v63  }
0x29: {  	_ =	swait.ge [sflag:s14], $0x4000  }
0x2a: {  	[sflag:s14] =	ssyncset.done $0x0  }
0x2b: {  	s30 =	simm.s32 $0x100;
	[sflag:s14] =	ssyncadd.s32 $0xFFFFC000  }
0x2c: {  	[tilespmem:s18], [sflag:$0x1] =	stream.indirect.gather [hbm4b:s4+s17], $0x80, s30, s17, $0xb8;
	[tilespmem:$0x1FC00] =	vst v63  }
0x2d: {  	_ =	swait.ge [sflag:s21], $0x4000  }
0x2e: {  	[sflag:s21] =	ssyncset.done $0x0  }
0x2f: {  	s31 =	simm.s32 $0x2880;
	[sflag:s21] =	ssyncadd.s32 $0xFFFFC000  }
0x30: {  	[spmem:s1] =	stream.indirect.scatter.add.f32 [tilespmem:s19], [sflag:$0x5], $0x80, s31, s17, $0xb8;
	[tilespmem:$0x1FC00] =	vst v63  }
0x31: {  	_ =	swait.ge [sflag:s14], $0x4000  }
0x32: {  	[sflag:s14] =	ssyncset.done $0x0  }
0x33: {  	s26 =	simm.s32 $0x180;
	s25 =	simm.s32 $0x400;
	[sflag:s14] =	ssyncadd.s32 $0xFFFFC000  }
.LBB2_2:
0x34: {  	[tilespmem:s19], [sflag:$0x2] =	stream.indirect.gather [hbm4b:s4+s17], $0x80, s26, s17, $0xb8;
	[tilespmem:$0x1FC00] =	vst v63  }
0x35: {  	s26 =	smov.u32 s25  }
0x36: {  	p0 =	sne.s32 s25, $0x4C00;
	s25 =	sadd.s32 $0x400, s25;
	_ =	swait.ge [sflag:s20], $0x4000  }
0x37: {  	s26 =	sshra.s32 s26, $0x2;
	[sflag:s20] =	ssyncset.done $0x0  }
0x38: {  	s28 =	sadd.s32 $0x2800, s26;
	[sflag:s20] =	ssyncadd.s32 $0xFFFFC000  }
0x39: {  	[spmem:s1] =	stream.indirect.scatter.add.f32 [tilespmem:s18], [sflag:$0x5], $0x80, s28, s17, $0xb8;
	[tilespmem:$0x1FC00] =	vst v63  }
0x3a: {  	_ =	swait.ge [sflag:s14], $0x4000  }
0x3b: {  	[sflag:s14] =	ssyncset.done $0x0  }
0x3c: {  	s28 =	sadd.s32 $0x100, s26;
	[sflag:s14] =	ssyncadd.s32 $0xFFFFC000  }
0x3d: {  	[tilespmem:s18], [sflag:$0x1] =	stream.indirect.gather [hbm4b:s4+s17], $0x80, s28, s17, $0xb8;
	[tilespmem:$0x1FC00] =	vst v63  }
0x3e: {  	_ =	swait.ge [sflag:s21], $0x4000  }
0x3f: {  	[sflag:s21] =	ssyncset.done $0x0  }
.Ltmp0:
0x40: {  	s28 =	sadd.s32 $0x2880, s26;
	[sflag:s21] =	ssyncadd.s32 $0xFFFFC000;
	(pc) =	sbr.rel @p0 .LBB2_2-.Ltmp0, $4  }
0x41: {  	[spmem:s1] =	stream.indirect.scatter.add.f32 [tilespmem:s19], [sflag:$0x5], $0x80, s28, s17, $0xb8;
	[tilespmem:$0x1FC00] =	vst v63  }
0x42: {  	_ =	swait.ge [sflag:s14], $0x4000  }
0x43: {  	[sflag:s14] =	ssyncset.done $0x0  }
0x44: {  	s26 =	sadd.s32 $0x180, s26;
	[sflag:s14] =	ssyncadd.s32 $0xFFFFC000  }
0x45: {  	[tilespmem:s19], [sflag:$0x2] =	stream.indirect.gather [hbm4b:s4+s17], $0x80, s26, s17, $0xb8;
	[tilespmem:$0x1FC00] =	vst v63  }
0x46: {  	s25 =	simm.s32 $0x0  }
0x47: {  	[tilespmem:s12], [sflag:$0x5] =	stream.linear.gather [hbm4b:s9+s25], $0x1400, $0x38;
	[tilespmem:$0x1FC00] =	vst v63  }
0x48: {  	_ =	swait.ge [sflag:s14], $0x1400  }
0x49: {  	[sflag:s14] =	ssyncset.done $0x0  }
0x4a: {  	[sflag:s14] =	ssyncadd.s32 $0xFFFFEC00  }
0x4b: {  	_ =	swait.ge [sflag:s20], $0x4000  }
0x4c: {  	[sflag:s20] =	ssyncset.done $0x0  }
0x4d: {  	s29 =	simm.s32 $0x2800;
	[sflag:s20] =	ssyncadd.s32 $0xFFFFC000  }
0x4e: {  	[spmem:s1] =	stream.indirect.scatter.add.f32 [tilespmem:s18], [sflag:$0x5], $0x80, s29, s17, $0xb8;
	[tilespmem:$0x1FC00] =	vst v63  }
0x4f: {  	_ =	swait.ge [sflag:s14], $0x4000  }
0x50: {  	[sflag:s14] =	ssyncset.done $0x0  }
0x51: {  	s30 =	simm.s32 $0x1500;
	[sflag:s14] =	ssyncadd.s32 $0xFFFFC000  }
0x52: {  	[tilespmem:s18], [sflag:$0x1] =	stream.indirect.gather [hbm4b:s4+s17], $0x80, s30, s17, $0xb8;
	[tilespmem:$0x1FC00] =	vst v63  }
0x53: {  	_ =	swait.ge [sflag:s21], $0x4000  }
0x54: {  	[sflag:s21] =	ssyncset.done $0x0  }
0x55: {  	s31 =	simm.s32 $0x2880;
	[sflag:s21] =	ssyncadd.s32 $0xFFFFC000  }
0x56: {  	[spmem:s1] =	stream.indirect.scatter.add.f32 [tilespmem:s19], [sflag:$0x5], $0x80, s31, s17, $0xb8;
	[tilespmem:$0x1FC00] =	vst v63  }
0x57: {  	_ =	swait.ge [sflag:s14], $0x4000  }
0x58: {  	[sflag:s14] =	ssyncset.done $0x0  }
0x59: {  	s26 =	simm.s32 $0x1580;
	s25 =	simm.s32 $0x400;
	[sflag:s14] =	ssyncadd.s32 $0xFFFFC000  }
.LBB2_4:
0x5a: {  	[tilespmem:s19], [sflag:$0x2] =	stream.indirect.gather [hbm4b:s4+s17], $0x80, s26, s17, $0xb8;
	[tilespmem:$0x1FC00] =	vst v63  }
0x5b: {  	s26 =	smov.u32 s25  }
0x5c: {  	p0 =	sne.s32 s25, $0x4800;
	s25 =	sadd.s32 $0x400, s25;
	_ =	swait.ge [sflag:s20], $0x4000  }
0x5d: {  	s26 =	sshra.s32 s26, $0x2;
	[sflag:s20] =	ssyncset.done $0x0  }
0x5e: {  	s28 =	sadd.s32 $0x2800, s26;
	[sflag:s20] =	ssyncadd.s32 $0xFFFFC000  }
0x5f: {  	[spmem:s1] =	stream.indirect.scatter.add.f32 [tilespmem:s18], [sflag:$0x5], $0x80, s28, s17, $0xb8;
	[tilespmem:$0x1FC00] =	vst v63  }
0x60: {  	_ =	swait.ge [sflag:s14], $0x4000  }
0x61: {  	[sflag:s14] =	ssyncset.done $0x0  }
0x62: {  	s28 =	sadd.s32 $0x1500, s26;
	[sflag:s14] =	ssyncadd.s32 $0xFFFFC000  }
0x63: {  	[tilespmem:s18], [sflag:$0x1] =	stream.indirect.gather [hbm4b:s4+s17], $0x80, s28, s17, $0xb8;
	[tilespmem:$0x1FC00] =	vst v63  }
0x64: {  	_ =	swait.ge [sflag:s21], $0x4000  }
0x65: {  	[sflag:s21] =	ssyncset.done $0x0  }
.Ltmp1:
0x66: {  	s28 =	sadd.s32 $0x2880, s26;
	[sflag:s21] =	ssyncadd.s32 $0xFFFFC000;
	(pc) =	sbr.rel @p0 .LBB2_4-.Ltmp1, $4  }
0x67: {  	[spmem:s1] =	stream.indirect.scatter.add.f32 [tilespmem:s19], [sflag:$0x5], $0x80, s28, s17, $0xb8;
	[tilespmem:$0x1FC00] =	vst v63  }
0x68: {  	_ =	swait.ge [sflag:s14], $0x4000  }
0x69: {  	[sflag:s14] =	ssyncset.done $0x0  }
0x6a: {  	s26 =	sadd.s32 $0x1580, s26;
	[sflag:s14] =	ssyncadd.s32 $0xFFFFC000  }
0x6b: {  	[tilespmem:s19], [sflag:$0x2] =	stream.indirect.gather [hbm4b:s4+s17], $0x80, s26, s17, $0xb8;
	[tilespmem:$0x1FC00] =	vst v63  }
0x6c: {  	_ =	swait.ge [sflag:s20], $0x4000  }
0x6d: {  	[sflag:s20] =	ssyncset.done $0x0  }
0x6e: {  	[sflag:s20] =	ssyncadd.s32 $0xFFFFC000  }
0x6f: {  	[spmem:s1] =	stream.indirect.scatter.add.f32 [tilespmem:s18], [sflag:$0x5], $0x80, s22, s17, $0xb8;
	[tilespmem:$0x1FC00] =	vst v63  }
0x70: {  	_ =	swait.ge [sflag:s14], $0x4000  }
0x71: {  	[sflag:s14] =	ssyncset.done $0x0  }
0x72: {  	[sflag:s14] =	ssyncadd.s32 $0xFFFFC000  }
0x73: {  	_ =	swait.ge [sflag:s21], $0x4000  }
0x74: {  	[sflag:s21] =	ssyncset.done $0x0  }
0x75: {  	[sflag:s21] =	ssyncadd.s32 $0xFFFFC000  }
0x76: {  	[spmem:s1] =	stream.indirect.scatter.add.f32 [tilespmem:s19], [sflag:$0x5], $0x80, s23, s17, $0xb8;
	[tilespmem:$0x1FC00] =	vst v63  }
0x77: {  	_ =	swait.ge [sflag:s14], $0x4000  }
0x78: {  	s24 =	sadd.s32 $0x1, s24;
	[sflag:s14] =	ssyncset.done $0x0  }
0x79: {  	p0 =	sne.s32 s24, s10;
	[sflag:s14] =	ssyncadd.s32 $0xFFFFC000  }
.Ltmp2:
0x7a: {  	[bflag:$0x0] =	sbarrier.arrive $0xFFFF;
	(pc) =	sbr.rel @p0 .LBB2_1-.Ltmp2, $4  }
0x7b: {  	[hbm:s11], [sflag:s8] =	dma.local [spmem:s13], $0x2800  }
0x7c: {  	_ =	swait.ge [sflag:s14], $0x2800  }
0x7d: {  	[sflag:s14] =	ssyncset.done $0x0  }
0x7e: {  	[sflag:s14] =	ssyncadd.s32 $0xFFFFD800  }
0x7f: {  	_ =	sfence.sel $0x180000  }
0x80: {  	[bflag:$0x0] =	sbarrier.arrive $0xFFFF  }
0x81: {  	p0 =	sne.s32 s2, $0x0;
	_ =	strace $0x90000050  }
0x82: {  	s0 =	sadd.s32 @!p0 $0x100000, s0;
	[bflag:$0x2] =	sbarrier.arrive $0xFFFF  }
0x83: {  	[sflag:s0] =	ssyncadd.tile.s32 @!p0 $0x1;
	_ =	shalt  }
.Lfunc_end2:
_tile_overlayer_lowered:
.L_overlay_start_2:
0x84: {  	(tag) =	ssettag $0x2  }
0x85: {  	s0 =	rddreg [dreg:$0x0];
	s2 =	stileid.u32  }
0x86: {  	s1 =	rddreg [dreg:$0x1];
	p0 =	sne.s32 s2, $0x0  }
0x87: {  	s3 =	rddreg [dreg:$0x2];
	[bflag:$0x3] =	sbarrier.arrive $0xFFFF;
	s2 =	simm.s32 @!p0 $0x1C05  }
0x88: {  	[timem:s3], [sflag:s2] =	dma.local @!p0 [hbm:s0], s1  }
0x89: {  	s0 =	simm.s32 @!p0 $0x5  }
0x8a: {  	_ =	swait.ge @!p0 [sflag:s0], s1  }
0x8b: {  	s1 =	ssub.s32 @!p0 $0x0, s1;
	[sflag:s0] =	ssyncset.done @!p0 $0x0  }
0x8c: {  	[sflag:s0] =	ssyncadd.s32 @!p0 s1  }
0x8d: {  	[bflag:$0x3] =	sbarrier.arrive $0xFFFF  }
0x8e: {  	_ =	shalt  }

</sc_bundles>
